<compile_context>
chip_gen: v7x
topology: tpu7x:2x2x1
jax: 0.10.2.dev20260603
libtpu: 0.0.44.dev20260713+nightly
codegen_flags: <defaults>
</compile_context>

<pallas_src>
import functools

import jax
import jax.numpy as jnp
from jax import lax
from jax.experimental import pallas as pl
from jax.experimental.pallas import tpu as pltpu
from jax.experimental.pallas import tpu_sc as plsc

_IGNORE_LABEL = 255
_THRESH = 0.7
_MIN_KEPT = 100000

_NC = 2
_NS = 16
_NW = _NC * _NS
_L = 16

_NB = 4096
_HROWS = _NB + 1
_FLAT = _HROWS * _L
_INF_DIGIT = 0x7F800000 >> 20



def _ce_math(s_ref, t_ref):
    x = s_ref[0]
    t = t_ref[0]
    c = x.shape[0]
    m = jnp.max(x, axis=0)
    mask = t != _IGNORE_LABEL
    tt = jnp.where(mask, t, 0)
    s = jnp.zeros_like(m)
    xt = jnp.zeros_like(m)
    for ci in range(c):
        s = s + jnp.exp(x[ci] - m)
        xt = xt + jnp.where(tt == ci, x[ci], 0.0)
    logp_t = xt - m - jnp.log(s)
    pl_loss = jnp.where(mask, -logp_t, 0.0)
    pred_m = jnp.where(mask, jnp.exp(logp_t), jnp.inf)
    return pred_m, pl_loss, mask


def _ce_stats(pred_m, pl_loss, mask, nv_ref, cle_ref, fl_ref, s_acc, c_acc):
    thr = jnp.float32(_THRESH)
    bnv = jnp.sum(mask.astype(jnp.int32))
    ble = jnp.sum((pred_m <= thr).astype(jnp.int32))
    blc = jnp.sum((pred_m < thr).astype(jnp.int32))
    bls = jnp.sum(jnp.where(pred_m < thr, pl_loss, 0.0))
    i, j = pl.program_id(0), pl.program_id(1)
    first = (i == 0) & (j == 0)
    last = ((i == pl.num_programs(0) - 1) & (j == pl.num_programs(1) - 1))

    @pl.when(first)
    def _():
        nv_ref[0, 0] = bnv
        cle_ref[0, 0] = ble
        c_acc[0, 0] = blc
        s_acc[0, 0] = bls

    @pl.when(jnp.logical_not(first))
    def _():
        nv_ref[0, 0] += bnv
        cle_ref[0, 0] += ble
        c_acc[0, 0] += blc
        s_acc[0, 0] += bls

    @pl.when(last)
    def _():
        denom = jnp.maximum(c_acc[0, 0], 1).astype(jnp.float32)
        fl_ref[0, 0] = s_acc[0, 0] / denom


def _ce_stats_body(s_ref, t_ref, nv_ref, cle_ref, fl_ref, s_acc, c_acc):
    pred_m, pl_loss, mask = _ce_math(s_ref, t_ref)
    _ce_stats(pred_m, pl_loss, mask, nv_ref, cle_ref, fl_ref, s_acc, c_acc)


def _ce_full_body(s_ref, t_ref, pred_ref, loss_ref):
    pred_m, pl_loss, _ = _ce_math(s_ref, t_ref)
    pred_ref[0] = pred_m
    loss_ref[0] = pl_loss


_BH = 64


def _ce_specs(b, c, h, w, bh):
    return dict(
        grid=(b, h // bh),
        in_specs=[
            pl.BlockSpec((1, c, bh, w), lambda i, j: (i, 0, j, 0)),
            pl.BlockSpec((1, bh, w), lambda i, j: (i, j, 0)),
        ],
    )


def _ce_stats_pass(score, target):
    b, c, h, w = score.shape
    smem = pl.BlockSpec(memory_space=pltpu.SMEM)
    return pl.pallas_call(
        _ce_stats_body,
        out_specs=[smem, smem, smem],
        out_shape=[
            jax.ShapeDtypeStruct((1, 1), jnp.int32),
            jax.ShapeDtypeStruct((1, 1), jnp.int32),
            jax.ShapeDtypeStruct((1, 1), jnp.float32),
        ],
        scratch_shapes=[
            pltpu.SMEM((1, 1), jnp.float32),
            pltpu.SMEM((1, 1), jnp.int32),
        ],
        **_ce_specs(b, c, h, w, _BH),
    )(score, target)


def _ce_full_pass(score, target):
    b, c, h, w = score.shape
    return pl.pallas_call(
        _ce_full_body,
        out_specs=[
            pl.BlockSpec((1, _BH, w), lambda i, j: (i, j, 0)),
            pl.BlockSpec((1, _BH, w), lambda i, j: (i, j, 0)),
        ],
        out_shape=[
            jax.ShapeDtypeStruct((b, h, w), jnp.float32),
            jax.ShapeDtypeStruct((b, h, w), jnp.float32),
        ],
        **_ce_specs(b, c, h, w, _BH),
    )(score, target)



def _make_hist_kernel(phase, n):
    chunk = n // _NW
    piece = 16384
    npiece = chunk // piece
    mesh = plsc.VectorSubcoreMesh(core_axis_name="c", subcore_axis_name="s")

    @functools.partial(
        pl.kernel,
        mesh=mesh,
        compiler_params=pltpu.CompilerParams(needs_layout_passes=False),
        out_type=jax.ShapeDtypeStruct((_NW * _FLAT,), jnp.int32),
        scratch_types=[
            pltpu.VMEM((2 * piece,), jnp.int32),
            pltpu.VMEM((_FLAT,), jnp.int32),
            pltpu.VMEM((_L,), jnp.int32),
            pltpu.SemaphoreType.DMA,
            pltpu.SemaphoreType.DMA,
        ],
    )
    def hist_k(bits_hbm, zeros_hbm, prefix_hbm, out_hbm, buf, hist, pfx,
               sem0, sem1):
        wid = lax.axis_index("s") * _NC + lax.axis_index("c")
        base = wid * chunk
        pltpu.sync_copy(zeros_hbm, hist)
        pltpu.sync_copy(prefix_hbm, pfx)
        prefix = pfx[...]
        ones = jnp.ones((_L,), jnp.int32)
        lanes = lax.iota(jnp.int32, _L)
        sems = (sem0, sem1)

        def start(p):
            return pltpu.async_copy(
                bits_hbm.at[pl.ds(base + p * piece, piece)],
                buf.at[pl.ds((p % 2) * piece, piece)], sems[p % 2])

        handles = [None] * npiece
        handles[0] = start(0)
        for p in range(npiece):
            if p + 1 < npiece:
                handles[p + 1] = start(p + 1)
            handles[p].wait()
            boff = (p % 2) * piece

            def body(i, _):
                v = buf[pl.ds(boff + i * _L, _L)]
                if phase == 0:
                    d = lax.shift_right_logical(v, 20)
                elif phase == 1:
                    sel = lax.shift_right_logical(v, 20) == prefix
                    d = jnp.where(sel,
                                  lax.shift_right_logical(v, 8) & 0xFFF, _NB)
                else:
                    sel = lax.shift_right_logical(v, 8) == prefix
                    d = jnp.where(sel, v & 0xFF, _NB)
                plsc.addupdate_scatter(hist, [d * _L + lanes], ones)
                return 0

            lax.fori_loop(0, piece // _L, body, 0)
        pltpu.sync_copy(hist, out_hbm.at[pl.ds(wid * _FLAT, _FLAT)])

    return hist_k



def _search(s1m, io, target):
    def cum_le(d):
        return jnp.sum(jnp.where(io < (d + 1) * _L, s1m, 0))

    pos = jnp.int32(0)
    for bit in (2048, 1024, 512, 256, 128, 64, 32, 16, 8, 4, 2, 1):
        cand = pos + bit
        pos = jnp.where(cum_le(cand - 1) < target, cand, pos)
    return pos, target - 1 - cum_le(pos - 1)


def _find1_body(h_ref, d_ref, r_ref):
    s1 = jnp.sum(h_ref[...], axis=0, keepdims=True)
    io = lax.broadcasted_iota(jnp.int32, (1, _FLAT), 1)
    n_valid = jnp.sum(jnp.where(io < _INF_DIGIT * _L, s1, 0))
    k = jnp.maximum(jnp.minimum(jnp.int32(_MIN_KEPT), n_valid - 1), 0)
    s1m = jnp.where(io < _NB * _L, s1, 0)
    pos, r = _search(s1m, io, k + 1)
    d_ref[0, 0] = pos
    r_ref[0, 0] = r


def _findn_body(h_ref, rprev_ref, d_ref, r_ref):
    s1 = jnp.sum(h_ref[...], axis=0, keepdims=True)
    io = lax.broadcasted_iota(jnp.int32, (1, _FLAT), 1)
    s1m = jnp.where(io < _NB * _L, s1, 0)
    pos, r = _search(s1m, io, rprev_ref[0, 0] + 1)
    d_ref[0, 0] = pos
    r_ref[0, 0] = r


def _find(hist, body, *scalars):
    smem = pl.BlockSpec(memory_space=pltpu.SMEM)
    return pl.pallas_call(
        body,
        in_specs=[pl.BlockSpec(hist.shape, lambda: (0, 0))]
        + [smem] * len(scalars),
        out_specs=[smem, smem],
        out_shape=[
            jax.ShapeDtypeStruct((1, 1), jnp.int32),
            jax.ShapeDtypeStruct((1, 1), jnp.int32),
        ],
    )(hist, *scalars)



def _red_body(thr_ref, pred_ref, loss_ref, out_ref, ssum, scnt):
    i = pl.program_id(0)
    thr = thr_ref[0, 0]
    keep = pred_ref[...] < thr
    bs = jnp.sum(jnp.where(keep, loss_ref[...], 0.0))
    bc = jnp.sum(keep.astype(jnp.int32))

    @pl.when(i == 0)
    def _():
        ssum[0, 0] = bs
        scnt[0, 0] = bc

    @pl.when(i > 0)
    def _():
        ssum[0, 0] += bs
        scnt[0, 0] += bc

    @pl.when(i == pl.num_programs(0) - 1)
    def _():
        denom = jnp.maximum(scnt[0, 0], 1).astype(jnp.float32)
        out_ref[0, 0] = ssum[0, 0] / denom


def _reduce(pred2d, loss2d, thr):
    rows = pred2d.shape[0]
    br = 128
    return pl.pallas_call(
        _red_body,
        grid=(rows // br,),
        in_specs=[
            pl.BlockSpec(memory_space=pltpu.SMEM),
            pl.BlockSpec((br, pred2d.shape[1]), lambda i: (i, 0)),
            pl.BlockSpec((br, pred2d.shape[1]), lambda i: (i, 0)),
        ],
        out_specs=pl.BlockSpec(memory_space=pltpu.SMEM),
        out_shape=jax.ShapeDtypeStruct((1, 1), jnp.float32),
        scratch_shapes=[
            pltpu.SMEM((1, 1), jnp.float32),
            pltpu.SMEM((1, 1), jnp.int32),
        ],
    )(thr, pred2d, loss2d)



@jax.jit
def kernel(score, target):
    b, c, h, w = score.shape
    n = b * h * w
    nv, cle, fast_loss = _ce_stats_pass(score, target)

    k = jnp.minimum(jnp.int32(_MIN_KEPT), nv[0, 0] - 1)
    fast = cle[0, 0] >= k + 1

    def _slow(_):
        pred, loss = _ce_full_pass(score, target)
        bits = lax.bitcast_convert_type(pred, jnp.int32).reshape(n)
        zeros = jnp.zeros((_FLAT,), jnp.int32)
        dummy = jnp.zeros((_L,), jnp.int32)

        h1 = _make_hist_kernel(0, n)(bits, zeros, dummy).reshape(_NW, _FLAT)
        d1, r1 = _find(h1, _find1_body)

        pfx2 = jnp.full((_L,), d1[0, 0], jnp.int32)
        h2 = _make_hist_kernel(1, n)(bits, zeros, pfx2).reshape(_NW, _FLAT)
        b2, r2 = _find(h2, _findn_body, r1)

        pfx3 = jnp.full((_L,), (d1[0, 0] << 12) | b2[0, 0], jnp.int32)
        h3 = _make_hist_kernel(2, n)(bits, zeros, pfx3).reshape(_NW, _FLAT)
        b3, _ = _find(h3, _findn_body, r2)

        kbits = (d1 << 20) | (b2 << 8) | b3
        thr = jnp.maximum(lax.bitcast_convert_type(kbits, jnp.float32),
                          jnp.float32(_THRESH))

        out = _reduce(pred.reshape(2048, n // 2048),
                      loss.reshape(2048, n // 2048), thr)
        return out[0, 0]

    return lax.cond(fast, lambda _: fast_loss[0, 0], _slow, 0)

# --- scband reference (transcript-rebuilt; emitter-appended) ---
"""Pipeline reference for scband-ohem-cross-entropy-58841051955656 (READ-ONLY COPY).

The authoritative reference and input builder live on the scoring server;
editing this copy changes nothing except your own understanding.
"""

import jax, jax.numpy as jnp
import numpy as np

IGNORE_LABEL = 255
THRESH = 0.7
MIN_KEPT = 100000
LOSS_WEIGHT = 1.0


def setup_inputs(seed: int = 0) -> dict:
    key = jax.random.key(seed)
    k1, k2 = jax.random.split(key)
    score = jax.random.normal(k1, (8, 19, 512, 512), dtype=jnp.float32)
    target = jax.random.randint(k2, (8, 512, 512), 0, 19, dtype=jnp.int32)
    return {"score": score, "target": target}


def reference(score, target):
    # Faithful OHEM cross-entropy (PIDNet-style), static-shape formulation.
    C = score.shape[1]
    logits = jnp.moveaxis(score, 1, -1).reshape(-1, C)  # [N, C]
    tgt = target.reshape(-1)
    mask = tgt != IGNORE_LABEL
    tmp_target = jnp.where(mask, tgt, 0)
    # per-pixel cross entropy, reduction='none' (ignored pixels -> 0 loss)
    logp = jax.nn.log_softmax(logits, axis=-1)
    pixel_losses = -jnp.take_along_axis(logp, tmp_target[:, None], axis=1)[:, 0]
    pixel_losses = jnp.where(mask, pixel_losses, 0.0)
    # softmax prob of the target class (gather)
    prob = jnp.exp(logp)
    pred = jnp.take_along_axis(prob, tmp_target[:, None], axis=1)[:, 0]
    # sort valid predictions ascending; invalid pushed to +inf (sorted last)
    pred_masked = jnp.where(mask, pred, jnp.inf)
    sorted_pred = jnp.sort(pred_masked)
    n_valid = jnp.sum(mask)
    k = jnp.minimum(MIN_KEPT, n_valid - 1)
    threshold = jnp.maximum(sorted_pred[k], THRESH)
    # keep hard examples: low-confidence predictions below threshold
    keep = mask & (pred < threshold)
    denom = jnp.maximum(jnp.sum(keep), 1)
    loss = jnp.sum(pixel_losses * keep.astype(pixel_losses.dtype)) / denom
    return LOSS_WEIGHT * loss


if False:  # reference __main__ guard neutralized (emitter)
    out = reference(**setup_inputs())
    print(out)

if __name__ == "__main__":
    import jax
    _d = setup_inputs()
    print(jax.jit(kernel)(*tuple(_d.values())))

</pallas_src>

<mosaic_0001>
#map = affine_map<(d0, d1) -> (0)>
module attributes {stable_mosaic.version = 14 : i64} {
  func.func @hist_k(%arg0: i32, %arg1: i32, %arg2: memref<2097152xi32, #tpu.memory_space<hbm>>, %arg3: memref<65552xi32, #tpu.memory_space<hbm>>, %arg4: memref<16xi32, #tpu.memory_space<hbm>>, %arg5: memref<2097664xi32, #tpu.memory_space<hbm>>, %arg6: memref<32768xi32, #tpu.memory_space<vmem>>, %arg7: memref<65552xi32, #tpu.memory_space<vmem>>, %arg8: memref<16xi32, #tpu.memory_space<vmem>>, %arg9: memref<!tpu.dma_semaphore, #tpu.memory_space<semaphore_mem>>, %arg10: memref<!tpu.dma_semaphore, #tpu.memory_space<semaphore_mem>>) attributes {dimension_semantics = [#tpu.dimension_semantics<core_parallel>, #tpu.dimension_semantics<subcore_parallel>], iteration_bounds = array<i64: 2, 16>, scalar_prefetch = 0 : i64, scratch_operands = 5 : i64, tpu.core_type = #tpu.core_type<sc_vector_subcore>, window_params = [{transform_indices = #map}, {transform_indices = #map}, {transform_indices = #map}, {transform_indices = #map}]} {
    %mul3A = arith.constant 2 : i32
    %mul3A_0 = arith.muli %arg1, %mul3A : i32
    %add3A = arith.addi %mul3A_0, %arg0 : i32
    %mul3A_1 = arith.constant 65536 : i32
    %mul3A_2 = arith.muli %add3A, %mul3A_1 : i32
    "tpu.region"() ({
      %run_scoped3A = tpu.sem_alloc : memref<!tpu.dma_semaphore, #tpu.memory_space<semaphore_mem>>
      tpu.enqueue_dma source(%arg3 : memref<65552xi32, #tpu.memory_space<hbm>>) target(%arg7 : memref<65552xi32, #tpu.memory_space<vmem>>) target_semaphore(%run_scoped3A : memref<!tpu.dma_semaphore, #tpu.memory_space<semaphore_mem>>)
      tpu.wait_dma2 semaphore(%run_scoped3A : memref<!tpu.dma_semaphore, #tpu.memory_space<semaphore_mem>>) src(%arg3 : memref<65552xi32, #tpu.memory_space<hbm>>) dst(%arg7 : memref<65552xi32, #tpu.memory_space<vmem>>)
      tpu.yield
    }) : () -> ()
    "tpu.region"() ({
      %run_scoped3A = tpu.sem_alloc : memref<!tpu.dma_semaphore, #tpu.memory_space<semaphore_mem>>
      tpu.enqueue_dma source(%arg4 : memref<16xi32, #tpu.memory_space<hbm>>) target(%arg8 : memref<16xi32, #tpu.memory_space<vmem>>) target_semaphore(%run_scoped3A : memref<!tpu.dma_semaphore, #tpu.memory_space<semaphore_mem>>)
      tpu.wait_dma2 semaphore(%run_scoped3A : memref<!tpu.dma_semaphore, #tpu.memory_space<semaphore_mem>>) src(%arg4 : memref<16xi32, #tpu.memory_space<hbm>>) dst(%arg8 : memref<16xi32, #tpu.memory_space<vmem>>)
      tpu.yield
    }) : () -> ()
    %get3A = arith.constant 0 : index
    %get3A_3 = tpu.vector_load %arg8[%get3A] {strides = array<i32>} : memref<16xi32, #tpu.memory_space<vmem>>, vector<16xi32>,
    %broadcast_in_dim3A = arith.constant 1 : i32
    %broadcast_in_dim3A_4 = vector.broadcast %broadcast_in_dim3A : i32 to vector<16xi32>
    %iota3A = tpu.iota {dimensions = array<i32: 0>} : vector<16xi32>
    %add3A_5 = arith.constant 0 : i32
    %add3A_6 = arith.addi %mul3A_2, %add3A_5 : i32
    %dma_start3A = arith.constant 0 : i32
    %dma_start3A_7 = tpu.memref_slice %arg6[%dma_start3A] : memref<32768xi32, #tpu.memory_space<vmem>> -> memref<16384xi32, #tpu.memory_space<vmem>>
    %dma_start3A_8 = tpu.memref_slice %arg2[%add3A_6] : memref<2097152xi32, #tpu.memory_space<hbm>> -> memref<16384xi32, #tpu.memory_space<hbm>>
    %dma_start3A_9 = arith.constant 0 : i32
    %dma_start3A_10 = tpu.memref_slice %arg6[%dma_start3A_9] : memref<32768xi32, #tpu.memory_space<vmem>> -> memref<16384xi32, #tpu.memory_space<vmem>>
    %dma_start3A_11 = tpu.memref_slice %arg2[%add3A_6] : memref<2097152xi32, #tpu.memory_space<hbm>> -> memref<16384xi32, #tpu.memory_space<hbm>>
    tpu.enqueue_dma source(%dma_start3A_11 : memref<16384xi32, #tpu.memory_space<hbm>>) target(%dma_start3A_10 : memref<16384xi32, #tpu.memory_space<vmem>>) target_semaphore(%arg9 : memref<!tpu.dma_semaphore, #tpu.memory_space<semaphore_mem>>)
    %add3A_12 = arith.constant 16384 : i32
    %add3A_13 = arith.addi %mul3A_2, %add3A_12 : i32
    %dma_start3A_14 = arith.constant 16384 : i32
    %dma_start3A_15 = tpu.memref_slice %arg6[%dma_start3A_14] : memref<32768xi32, #tpu.memory_space<vmem>> -> memref<16384xi32, #tpu.memory_space<vmem>>
    %dma_start3A_16 = tpu.memref_slice %arg2[%add3A_13] : memref<2097152xi32, #tpu.memory_space<hbm>> -> memref<16384xi32, #tpu.memory_space<hbm>>
    %dma_start3A_17 = arith.constant 16384 : i32
    %dma_start3A_18 = tpu.memref_slice %arg6[%dma_start3A_17] : memref<32768xi32, #tpu.memory_space<vmem>> -> memref<16384xi32, #tpu.memory_space<vmem>>
    %dma_start3A_19 = tpu.memref_slice %arg2[%add3A_13] : memref<2097152xi32, #tpu.memory_space<hbm>> -> memref<16384xi32, #tpu.memory_space<hbm>>
    tpu.enqueue_dma source(%dma_start3A_19 : memref<16384xi32, #tpu.memory_space<hbm>>) target(%dma_start3A_18 : memref<16384xi32, #tpu.memory_space<vmem>>) target_semaphore(%arg10 : memref<!tpu.dma_semaphore, #tpu.memory_space<semaphore_mem>>)
    %dma_wait3A = arith.constant 0 : i32
    %dma_wait3A_20 = tpu.memref_slice %arg6[%dma_wait3A] : memref<32768xi32, #tpu.memory_space<vmem>> -> memref<16384xi32, #tpu.memory_space<vmem>>
    %dma_wait3A_21 = tpu.memref_slice %arg2[%add3A_6] : memref<2097152xi32, #tpu.memory_space<hbm>> -> memref<16384xi32, #tpu.memory_space<hbm>>
    %dma_wait3A_22 = arith.constant 0 : i32
    %dma_wait3A_23 = tpu.memref_slice %arg6[%dma_wait3A_22] : memref<32768xi32, #tpu.memory_space<vmem>> -> memref<16384xi32, #tpu.memory_space<vmem>>
    %dma_wait3A_24 = tpu.memref_slice %arg2[%add3A_6] : memref<2097152xi32, #tpu.memory_space<hbm>> -> memref<16384xi32, #tpu.memory_space<hbm>>
    tpu.wait_dma2 semaphore(%arg9 : memref<!tpu.dma_semaphore, #tpu.memory_space<semaphore_mem>>) src(%dma_wait3A_24 : memref<16384xi32, #tpu.memory_space<hbm>>) dst(%dma_wait3A_23 : memref<16384xi32, #tpu.memory_space<vmem>>)
    %scan3A = arith.constant 0 : i32
    %scan3A_25 = arith.constant 0 : i32
    %scan3A_26 = arith.constant 1024 : i32
    %scan3A_27 = arith.addi %scan3A_25, %scan3A_26 : i32
    %scan3A_28 = arith.constant 1 : i32
    %scan3A_29 = scf.for %scan3A_88 = %scan3A_25 to %scan3A_27 step %scan3A_28 iter_args(%scan3A_89 = %scan3A) -> (i32)  : i32 {
      %mul3A_90 = arith.constant 16 : i32
      %mul3A_91 = arith.muli %scan3A_88, %mul3A_90 : i32
      %add3A_92 = arith.constant 0 : i32
      %add3A_93 = arith.addi %add3A_92, %mul3A_91 : i32
      %get3A_94 = arith.index_cast %add3A_93 : i32 to index
      %get3A_95 = tpu.vector_load %arg6[%get3A_94] {strides = array<i32>} : memref<32768xi32, #tpu.memory_space<vmem>>, vector<16xi32>,
      %shift_right_logical3A = arith.constant 20 : i32
      %shift_right_logical3A_96 = vector.broadcast %shift_right_logical3A : i32 to vector<16xi32>
      %shift_right_logical3A_97 = arith.shrui %get3A_95, %shift_right_logical3A_96 : vector<16xi32>
      %eq3A = arith.cmpi eq, %shift_right_logical3A_97, %get3A_3 : vector<16xi32>
      %shift_right_logical3A_98 = arith.constant 8 : i32
      %shift_right_logical3A_99 = vector.broadcast %shift_right_logical3A_98 : i32 to vector<16xi32>
      %shift_right_logical3A_100 = arith.shrui %get3A_95, %shift_right_logical3A_99 : vector<16xi32>
      %and3A = arith.constant 4095 : i32
      %and3A_101 = vector.broadcast %and3A : i32 to vector<16xi32>
      %and3A_102 = arith.andi %shift_right_logical3A_100, %and3A_101 : vector<16xi32>
      %jit3A = arith.constant 4096 : i32
      %broadcast_in_dim3A_103 = vector.broadcast %jit3A : i32 to vector<16xi32>
      %select_n3A = arith.select %eq3A, %and3A_102, %broadcast_in_dim3A_103 : vector<16xi1>, vector<16xi32>
      %mul3A_104 = arith.constant 16 : i32
      %mul3A_105 = vector.broadcast %mul3A_104 : i32 to vector<16xi32>
      %mul3A_106 = arith.muli %select_n3A, %mul3A_105 : vector<16xi32>
      %add3A_107 = arith.addi %mul3A_106, %iota3A : vector<16xi32>
      tpu.vector_store_idx %arg7[%add3A_107], %broadcast_in_dim3A_4 {add = true} : memref<65552xi32, #tpu.memory_space<vmem>>[vector<16xi32>], vector<16xi32>,
      %scan3A_108 = arith.constant 0 : i32
      scf.yield %scan3A_108 : i32
    }
    %scan3A_30 = arith.constant 1024 : i32
    %add3A_31 = arith.constant 32768 : i32
    %add3A_32 = arith.addi %mul3A_2, %add3A_31 : i32
    %dma_start3A_33 = arith.constant 0 : i32
    %dma_start3A_34 = tpu.memref_slice %arg6[%dma_start3A_33] : memref<32768xi32, #tpu.memory_space<vmem>> -> memref<16384xi32, #tpu.memory_space<vmem>>
    %dma_start3A_35 = tpu.memref_slice %arg2[%add3A_32] : memref<2097152xi32, #tpu.memory_space<hbm>> -> memref<16384xi32, #tpu.memory_space<hbm>>
    %dma_start3A_36 = arith.constant 0 : i32
    %dma_start3A_37 = tpu.memref_slice %arg6[%dma_start3A_36] : memref<32768xi32, #tpu.memory_space<vmem>> -> memref<16384xi32, #tpu.memory_space<vmem>>
    %dma_start3A_38 = tpu.memref_slice %arg2[%add3A_32] : memref<2097152xi32, #tpu.memory_space<hbm>> -> memref<16384xi32, #tpu.memory_space<hbm>>
    tpu.enqueue_dma source(%dma_start3A_38 : memref<16384xi32, #tpu.memory_space<hbm>>) target(%dma_start3A_37 : memref<16384xi32, #tpu.memory_space<vmem>>) target_semaphore(%arg9 : memref<!tpu.dma_semaphore, #tpu.memory_space<semaphore_mem>>)
    %dma_wait3A_39 = arith.constant 16384 : i32
    %dma_wait3A_40 = tpu.memref_slice %arg6[%dma_wait3A_39] : memref<32768xi32, #tpu.memory_space<vmem>> -> memref<16384xi32, #tpu.memory_space<vmem>>
    %dma_wait3A_41 = tpu.memref_slice %arg2[%add3A_13] : memref<2097152xi32, #tpu.memory_space<hbm>> -> memref<16384xi32, #tpu.memory_space<hbm>>
    %dma_wait3A_42 = arith.constant 16384 : i32
    %dma_wait3A_43 = tpu.memref_slice %arg6[%dma_wait3A_42] : memref<32768xi32, #tpu.memory_space<vmem>> -> memref<16384xi32, #tpu.memory_space<vmem>>
    %dma_wait3A_44 = tpu.memref_slice %arg2[%add3A_13] : memref<2097152xi32, #tpu.memory_space<hbm>> -> memref<16384xi32, #tpu.memory_space<hbm>>
    tpu.wait_dma2 semaphore(%arg10 : memref<!tpu.dma_semaphore, #tpu.memory_space<semaphore_mem>>) src(%dma_wait3A_44 : memref<16384xi32, #tpu.memory_space<hbm>>) dst(%dma_wait3A_43 : memref<16384xi32, #tpu.memory_space<vmem>>)
    %scan3A_45 = arith.constant 0 : i32
    %scan3A_46 = arith.constant 0 : i32
    %scan3A_47 = arith.constant 1024 : i32
    %scan3A_48 = arith.addi %scan3A_46, %scan3A_47 : i32
    %scan3A_49 = arith.constant 1 : i32
    %scan3A_50 = scf.for %scan3A_88 = %scan3A_46 to %scan3A_48 step %scan3A_49 iter_args(%scan3A_89 = %scan3A_45) -> (i32)  : i32 {
      %mul3A_90 = arith.constant 16 : i32
      %mul3A_91 = arith.muli %scan3A_88, %mul3A_90 : i32
      %add3A_92 = arith.constant 16384 : i32
      %add3A_93 = arith.addi %add3A_92, %mul3A_91 : i32
      %get3A_94 = arith.index_cast %add3A_93 : i32 to index
      %get3A_95 = tpu.vector_load %arg6[%get3A_94] {strides = array<i32>} : memref<32768xi32, #tpu.memory_space<vmem>>, vector<16xi32>,
      %shift_right_logical3A = arith.constant 20 : i32
      %shift_right_logical3A_96 = vector.broadcast %shift_right_logical3A : i32 to vector<16xi32>
      %shift_right_logical3A_97 = arith.shrui %get3A_95, %shift_right_logical3A_96 : vector<16xi32>
      %eq3A = arith.cmpi eq, %shift_right_logical3A_97, %get3A_3 : vector<16xi32>
      %shift_right_logical3A_98 = arith.constant 8 : i32
      %shift_right_logical3A_99 = vector.broadcast %shift_right_logical3A_98 : i32 to vector<16xi32>
      %shift_right_logical3A_100 = arith.shrui %get3A_95, %shift_right_logical3A_99 : vector<16xi32>
      %and3A = arith.constant 4095 : i32
      %and3A_101 = vector.broadcast %and3A : i32 to vector<16xi32>
      %and3A_102 = arith.andi %shift_right_logical3A_100, %and3A_101 : vector<16xi32>
      %jit3A = arith.constant 4096 : i32
      %broadcast_in_dim3A_103 = vector.broadcast %jit3A : i32 to vector<16xi32>
      %select_n3A = arith.select %eq3A, %and3A_102, %broadcast_in_dim3A_103 : vector<16xi1>, vector<16xi32>
      %mul3A_104 = arith.constant 16 : i32
      %mul3A_105 = vector.broadcast %mul3A_104 : i32 to vector<16xi32>
      %mul3A_106 = arith.muli %select_n3A, %mul3A_105 : vector<16xi32>
      %add3A_107 = arith.addi %mul3A_106, %iota3A : vector<16xi32>
      tpu.vector_store_idx %arg7[%add3A_107], %broadcast_in_dim3A_4 {add = true} : memref<65552xi32, #tpu.memory_space<vmem>>[vector<16xi32>], vector<16xi32>,
      %scan3A_108 = arith.constant 0 : i32
      scf.yield %scan3A_108 : i32
    }
    %scan3A_51 = arith.constant 1024 : i32
    %add3A_52 = arith.constant 49152 : i32
    %add3A_53 = arith.addi %mul3A_2, %add3A_52 : i32
    %dma_start3A_54 = arith.constant 16384 : i32
    %dma_start3A_55 = tpu.memref_slice %arg6[%dma_start3A_54] : memref<32768xi32, #tpu.memory_space<vmem>> -> memref<16384xi32, #tpu.memory_space<vmem>>
    %dma_start3A_56 = tpu.memref_slice %arg2[%add3A_53] : memref<2097152xi32, #tpu.memory_space<hbm>> -> memref<16384xi32, #tpu.memory_space<hbm>>
    %dma_start3A_57 = arith.constant 16384 : i32
    %dma_start3A_58 = tpu.memref_slice %arg6[%dma_start3A_57] : memref<32768xi32, #tpu.memory_space<vmem>> -> memref<16384xi32, #tpu.memory_space<vmem>>
    %dma_start3A_59 = tpu.memref_slice %arg2[%add3A_53] : memref<2097152xi32, #tpu.memory_space<hbm>> -> memref<16384xi32, #tpu.memory_space<hbm>>
    tpu.enqueue_dma source(%dma_start3A_59 : memref<16384xi32, #tpu.memory_space<hbm>>) target(%dma_start3A_58 : memref<16384xi32, #tpu.memory_space<vmem>>) target_semaphore(%arg10 : memref<!tpu.dma_semaphore, #tpu.memory_space<semaphore_mem>>)
    %dma_wait3A_60 = arith.constant 0 : i32
    %dma_wait3A_61 = tpu.memref_slice %arg6[%dma_wait3A_60] : memref<32768xi32, #tpu.memory_space<vmem>> -> memref<16384xi32, #tpu.memory_space<vmem>>
    %dma_wait3A_62 = tpu.memref_slice %arg2[%add3A_32] : memref<2097152xi32, #tpu.memory_space<hbm>> -> memref<16384xi32, #tpu.memory_space<hbm>>
    %dma_wait3A_63 = arith.constant 0 : i32
    %dma_wait3A_64 = tpu.memref_slice %arg6[%dma_wait3A_63] : memref<32768xi32, #tpu.memory_space<vmem>> -> memref<16384xi32, #tpu.memory_space<vmem>>
    %dma_wait3A_65 = tpu.memref_slice %arg2[%add3A_32] : memref<2097152xi32, #tpu.memory_space<hbm>> -> memref<16384xi32, #tpu.memory_space<hbm>>
    tpu.wait_dma2 semaphore(%arg9 : memref<!tpu.dma_semaphore, #tpu.memory_space<semaphore_mem>>) src(%dma_wait3A_65 : memref<16384xi32, #tpu.memory_space<hbm>>) dst(%dma_wait3A_64 : memref<16384xi32, #tpu.memory_space<vmem>>)
    %scan3A_66 = arith.constant 0 : i32
    %scan3A_67 = arith.constant 0 : i32
    %scan3A_68 = arith.constant 1024 : i32
    %scan3A_69 = arith.addi %scan3A_67, %scan3A_68 : i32
    %scan3A_70 = arith.constant 1 : i32
    %scan3A_71 = scf.for %scan3A_88 = %scan3A_67 to %scan3A_69 step %scan3A_70 iter_args(%scan3A_89 = %scan3A_66) -> (i32)  : i32 {
      %mul3A_90 = arith.constant 16 : i32
      %mul3A_91 = arith.muli %scan3A_88, %mul3A_90 : i32
      %add3A_92 = arith.constant 0 : i32
      %add3A_93 = arith.addi %add3A_92, %mul3A_91 : i32
      %get3A_94 = arith.index_cast %add3A_93 : i32 to index
      %get3A_95 = tpu.vector_load %arg6[%get3A_94] {strides = array<i32>} : memref<32768xi32, #tpu.memory_space<vmem>>, vector<16xi32>,
      %shift_right_logical3A = arith.constant 20 : i32
      %shift_right_logical3A_96 = vector.broadcast %shift_right_logical3A : i32 to vector<16xi32>
      %shift_right_logical3A_97 = arith.shrui %get3A_95, %shift_right_logical3A_96 : vector<16xi32>
      %eq3A = arith.cmpi eq, %shift_right_logical3A_97, %get3A_3 : vector<16xi32>
      %shift_right_logical3A_98 = arith.constant 8 : i32
      %shift_right_logical3A_99 = vector.broadcast %shift_right_logical3A_98 : i32 to vector<16xi32>
      %shift_right_logical3A_100 = arith.shrui %get3A_95, %shift_right_logical3A_99 : vector<16xi32>
      %and3A = arith.constant 4095 : i32
      %and3A_101 = vector.broadcast %and3A : i32 to vector<16xi32>
      %and3A_102 = arith.andi %shift_right_logical3A_100, %and3A_101 : vector<16xi32>
      %jit3A = arith.constant 4096 : i32
      %broadcast_in_dim3A_103 = vector.broadcast %jit3A : i32 to vector<16xi32>
      %select_n3A = arith.select %eq3A, %and3A_102, %broadcast_in_dim3A_103 : vector<16xi1>, vector<16xi32>
      %mul3A_104 = arith.constant 16 : i32
      %mul3A_105 = vector.broadcast %mul3A_104 : i32 to vector<16xi32>
      %mul3A_106 = arith.muli %select_n3A, %mul3A_105 : vector<16xi32>
      %add3A_107 = arith.addi %mul3A_106, %iota3A : vector<16xi32>
      tpu.vector_store_idx %arg7[%add3A_107], %broadcast_in_dim3A_4 {add = true} : memref<65552xi32, #tpu.memory_space<vmem>>[vector<16xi32>], vector<16xi32>,
      %scan3A_108 = arith.constant 0 : i32
      scf.yield %scan3A_108 : i32
    }
    %scan3A_72 = arith.constant 1024 : i32
    %dma_wait3A_73 = arith.constant 16384 : i32
    %dma_wait3A_74 = tpu.memref_slice %arg6[%dma_wait3A_73] : memref<32768xi32, #tpu.memory_space<vmem>> -> memref<16384xi32, #tpu.memory_space<vmem>>
    %dma_wait3A_75 = tpu.memref_slice %arg2[%add3A_53] : memref<2097152xi32, #tpu.memory_space<hbm>> -> memref<16384xi32, #tpu.memory_space<hbm>>
    %dma_wait3A_76 = arith.constant 16384 : i32
    %dma_wait3A_77 = tpu.memref_slice %arg6[%dma_wait3A_76] : memref<32768xi32, #tpu.memory_space<vmem>> -> memref<16384xi32, #tpu.memory_space<vmem>>
    %dma_wait3A_78 = tpu.memref_slice %arg2[%add3A_53] : memref<2097152xi32, #tpu.memory_space<hbm>> -> memref<16384xi32, #tpu.memory_space<hbm>>
    tpu.wait_dma2 semaphore(%arg10 : memref<!tpu.dma_semaphore, #tpu.memory_space<semaphore_mem>>) src(%dma_wait3A_78 : memref<16384xi32, #tpu.memory_space<hbm>>) dst(%dma_wait3A_77 : memref<16384xi32, #tpu.memory_space<vmem>>)
    %scan3A_79 = arith.constant 0 : i32
    %scan3A_80 = arith.constant 0 : i32
    %scan3A_81 = arith.constant 1024 : i32
    %scan3A_82 = arith.addi %scan3A_80, %scan3A_81 : i32
    %scan3A_83 = arith.constant 1 : i32
    %scan3A_84 = scf.for %scan3A_88 = %scan3A_80 to %scan3A_82 step %scan3A_83 iter_args(%scan3A_89 = %scan3A_79) -> (i32)  : i32 {
      %mul3A_90 = arith.constant 16 : i32
      %mul3A_91 = arith.muli %scan3A_88, %mul3A_90 : i32
      %add3A_92 = arith.constant 16384 : i32
      %add3A_93 = arith.addi %add3A_92, %mul3A_91 : i32
      %get3A_94 = arith.index_cast %add3A_93 : i32 to index
      %get3A_95 = tpu.vector_load %arg6[%get3A_94] {strides = array<i32>} : memref<32768xi32, #tpu.memory_space<vmem>>, vector<16xi32>,
      %shift_right_logical3A = arith.constant 20 : i32
      %shift_right_logical3A_96 = vector.broadcast %shift_right_logical3A : i32 to vector<16xi32>
      %shift_right_logical3A_97 = arith.shrui %get3A_95, %shift_right_logical3A_96 : vector<16xi32>
      %eq3A = arith.cmpi eq, %shift_right_logical3A_97, %get3A_3 : vector<16xi32>
      %shift_right_logical3A_98 = arith.constant 8 : i32
      %shift_right_logical3A_99 = vector.broadcast %shift_right_logical3A_98 : i32 to vector<16xi32>
      %shift_right_logical3A_100 = arith.shrui %get3A_95, %shift_right_logical3A_99 : vector<16xi32>
      %and3A = arith.constant 4095 : i32
      %and3A_101 = vector.broadcast %and3A : i32 to vector<16xi32>
      %and3A_102 = arith.andi %shift_right_logical3A_100, %and3A_101 : vector<16xi32>
      %jit3A = arith.constant 4096 : i32
      %broadcast_in_dim3A_103 = vector.broadcast %jit3A : i32 to vector<16xi32>
      %select_n3A = arith.select %eq3A, %and3A_102, %broadcast_in_dim3A_103 : vector<16xi1>, vector<16xi32>
      %mul3A_104 = arith.constant 16 : i32
      %mul3A_105 = vector.broadcast %mul3A_104 : i32 to vector<16xi32>
      %mul3A_106 = arith.muli %select_n3A, %mul3A_105 : vector<16xi32>
      %add3A_107 = arith.addi %mul3A_106, %iota3A : vector<16xi32>
      tpu.vector_store_idx %arg7[%add3A_107], %broadcast_in_dim3A_4 {add = true} : memref<65552xi32, #tpu.memory_space<vmem>>[vector<16xi32>], vector<16xi32>,
      %scan3A_108 = arith.constant 0 : i32
      scf.yield %scan3A_108 : i32
    }
    %scan3A_85 = arith.constant 1024 : i32
    %mul3A_86 = arith.constant 65552 : i32
    %mul3A_87 = arith.muli %add3A, %mul3A_86 : i32
    "tpu.region"() ({
      %run_scoped3A = tpu.sem_alloc : memref<!tpu.dma_semaphore, #tpu.memory_space<semaphore_mem>>
      %dma_start3A_88 = tpu.memref_slice %arg5[%mul3A_87] : memref<2097664xi32, #tpu.memory_space<hbm>> -> memref<65552xi32, #tpu.memory_space<hbm>>
      %dma_start3A_89 = tpu.memref_slice %arg5[%mul3A_87] : memref<2097664xi32, #tpu.memory_space<hbm>> -> memref<65552xi32, #tpu.memory_space<hbm>>
      tpu.enqueue_dma source(%arg7 : memref<65552xi32, #tpu.memory_space<vmem>>) target(%dma_start3A_89 : memref<65552xi32, #tpu.memory_space<hbm>>) target_semaphore(%run_scoped3A : memref<!tpu.dma_semaphore, #tpu.memory_space<semaphore_mem>>)
      %dma_wait3A_90 = tpu.memref_slice %arg5[%mul3A_87] : memref<2097664xi32, #tpu.memory_space<hbm>> -> memref<65552xi32, #tpu.memory_space<hbm>>
      %dma_wait3A_91 = tpu.memref_slice %arg5[%mul3A_87] : memref<2097664xi32, #tpu.memory_space<hbm>> -> memref<65552xi32, #tpu.memory_space<hbm>>
      tpu.wait_dma2 semaphore(%run_scoped3A : memref<!tpu.dma_semaphore, #tpu.memory_space<semaphore_mem>>) src(%arg7 : memref<65552xi32, #tpu.memory_space<vmem>>) dst(%dma_wait3A_91 : memref<65552xi32, #tpu.memory_space<hbm>>)
      tpu.yield
    }) : () -> ()
    return
  }
}

#map = affine_map<(d0, d1) -> (0)>
module attributes {stable_mosaic.version = 14 : i64} {
  func.func @hist_k(%arg0: i32, %arg1: i32, %arg2: memref<2097152xi32, #tpu.memory_space<hbm>>, %arg3: memref<65552xi32, #tpu.memory_space<hbm>>, %arg4: memref<16xi32, #tpu.memory_space<hbm>>, %arg5: memref<2097664xi32, #tpu.memory_space<hbm>>, %arg6: memref<32768xi32, #tpu.memory_space<vmem>>, %arg7: memref<65552xi32, #tpu.memory_space<vmem>>, %arg8: memref<16xi32, #tpu.memory_space<vmem>>, %arg9: memref<!tpu.dma_semaphore, #tpu.memory_space<semaphore_mem>>, %arg10: memref<!tpu.dma_semaphore, #tpu.memory_space<semaphore_mem>>) attributes {dimension_semantics = [#tpu.dimension_semantics<core_parallel>, #tpu.dimension_semantics<subcore_parallel>], iteration_bounds = array<i64: 2, 16>, scalar_prefetch = 0 : i64, scratch_operands = 5 : i64, tpu.core_type = #tpu.core_type<sc_vector_subcore>, window_params = [{transform_indices = #map}, {transform_indices = #map}, {transform_indices = #map}, {transform_indices = #map}]} {
    %mul3A = arith.constant 2 : i32
    %mul3A_0 = arith.muli %arg1, %mul3A : i32
    %add3A = arith.addi %mul3A_0, %arg0 : i32
    %mul3A_1 = arith.constant 65536 : i32
    %mul3A_2 = arith.muli %add3A, %mul3A_1 : i32
    "tpu.region"() ({
      %run_scoped3A = tpu.sem_alloc : memref<!tpu.dma_semaphore, #tpu.memory_space<semaphore_mem>>
      tpu.enqueue_dma source(%arg3 : memref<65552xi32, #tpu.memory_space<hbm>>) target(%arg7 : memref<65552xi32, #tpu.memory_space<vmem>>) target_semaphore(%run_scoped3A : memref<!tpu.dma_semaphore, #tpu.memory_space<semaphore_mem>>)
      tpu.wait_dma2 semaphore(%run_scoped3A : memref<!tpu.dma_semaphore, #tpu.memory_space<semaphore_mem>>) src(%arg3 : memref<65552xi32, #tpu.memory_space<hbm>>) dst(%arg7 : memref<65552xi32, #tpu.memory_space<vmem>>)
      tpu.yield
    }) : () -> ()
    "tpu.region"() ({
      %run_scoped3A = tpu.sem_alloc : memref<!tpu.dma_semaphore, #tpu.memory_space<semaphore_mem>>
      tpu.enqueue_dma source(%arg4 : memref<16xi32, #tpu.memory_space<hbm>>) target(%arg8 : memref<16xi32, #tpu.memory_space<vmem>>) target_semaphore(%run_scoped3A : memref<!tpu.dma_semaphore, #tpu.memory_space<semaphore_mem>>)
      tpu.wait_dma2 semaphore(%run_scoped3A : memref<!tpu.dma_semaphore, #tpu.memory_space<semaphore_mem>>) src(%arg4 : memref<16xi32, #tpu.memory_space<hbm>>) dst(%arg8 : memref<16xi32, #tpu.memory_space<vmem>>)
      tpu.yield
    }) : () -> ()
    %get3A = arith.constant 0 : index
    %get3A_3 = tpu.vector_load %arg8[%get3A] {strides = array<i32>} : memref<16xi32, #tpu.memory_space<vmem>>, vector<16xi32>,
    %broadcast_in_dim3A = arith.constant 1 : i32
    %broadcast_in_dim3A_4 = vector.broadcast %broadcast_in_dim3A : i32 to vector<16xi32>
    %iota3A = tpu.iota {dimensions = array<i32: 0>} : vector<16xi32>
    %add3A_5 = arith.constant 0 : i32
    %add3A_6 = arith.addi %mul3A_2, %add3A_5 : i32
    %dma_start3A = arith.constant 0 : i32
    %dma_start3A_7 = tpu.memref_slice %arg6[%dma_start3A] : memref<32768xi32, #tpu.memory_space<vmem>> -> memref<16384xi32, #tpu.memory_space<vmem>>
    %dma_start3A_8 = tpu.memref_slice %arg2[%add3A_6] : memref<2097152xi32, #tpu.memory_space<hbm>> -> memref<16384xi32, #tpu.memory_space<hbm>>
    %dma_start3A_9 = arith.constant 0 : i32
    %dma_start3A_10 = tpu.memref_slice %arg6[%dma_start3A_9] : memref<32768xi32, #tpu.memory_space<vmem>> -> memref<16384xi32, #tpu.memory_space<vmem>>
    %dma_start3A_11 = tpu.memref_slice %arg2[%add3A_6] : memref<2097152xi32, #tpu.memory_space<hbm>> -> memref<16384xi32, #tpu.memory_space<hbm>>
    tpu.enqueue_dma source(%dma_start3A_11 : memref<16384xi32, #tpu.memory_space<hbm>>) target(%dma_start3A_10 : memref<16384xi32, #tpu.memory_space<vmem>>) target_semaphore(%arg9 : memref<!tpu.dma_semaphore, #tpu.memory_space<semaphore_mem>>)
    %add3A_12 = arith.constant 16384 : i32
    %add3A_13 = arith.addi %mul3A_2, %add3A_12 : i32
    %dma_start3A_14 = arith.constant 16384 : i32
    %dma_start3A_15 = tpu.memref_slice %arg6[%dma_start3A_14] : memref<32768xi32, #tpu.memory_space<vmem>> -> memref<16384xi32, #tpu.memory_space<vmem>>
    %dma_start3A_16 = tpu.memref_slice %arg2[%add3A_13] : memref<2097152xi32, #tpu.memory_space<hbm>> -> memref<16384xi32, #tpu.memory_space<hbm>>
    %dma_start3A_17 = arith.constant 16384 : i32
    %dma_start3A_18 = tpu.memref_slice %arg6[%dma_start3A_17] : memref<32768xi32, #tpu.memory_space<vmem>> -> memref<16384xi32, #tpu.memory_space<vmem>>
    %dma_start3A_19 = tpu.memref_slice %arg2[%add3A_13] : memref<2097152xi32, #tpu.memory_space<hbm>> -> memref<16384xi32, #tpu.memory_space<hbm>>
    tpu.enqueue_dma source(%dma_start3A_19 : memref<16384xi32, #tpu.memory_space<hbm>>) target(%dma_start3A_18 : memref<16384xi32, #tpu.memory_space<vmem>>) target_semaphore(%arg10 : memref<!tpu.dma_semaphore, #tpu.memory_space<semaphore_mem>>)
    %dma_wait3A = arith.constant 0 : i32
    %dma_wait3A_20 = tpu.memref_slice %arg6[%dma_wait3A] : memref<32768xi32, #tpu.memory_space<vmem>> -> memref<16384xi32, #tpu.memory_space<vmem>>
    %dma_wait3A_21 = tpu.memref_slice %arg2[%add3A_6] : memref<2097152xi32, #tpu.memory_space<hbm>> -> memref<16384xi32, #tpu.memory_space<hbm>>
    %dma_wait3A_22 = arith.constant 0 : i32
    %dma_wait3A_23 = tpu.memref_slice %arg6[%dma_wait3A_22] : memref<32768xi32, #tpu.memory_space<vmem>> -> memref<16384xi32, #tpu.memory_space<vmem>>
    %dma_wait3A_24 = tpu.memref_slice %arg2[%add3A_6] : memref<2097152xi32, #tpu.memory_space<hbm>> -> memref<16384xi32, #tpu.memory_space<hbm>>
    tpu.wait_dma2 semaphore(%arg9 : memref<!tpu.dma_semaphore, #tpu.memory_space<semaphore_mem>>) src(%dma_wait3A_24 : memref<16384xi32, #tpu.memory_space<hbm>>) dst(%dma_wait3A_23 : memref<16384xi32, #tpu.memory_space<vmem>>)
    %scan3A = arith.constant 0 : i32
    %scan3A_25 = arith.constant 0 : i32
    %scan3A_26 = arith.constant 1024 : i32
    %scan3A_27 = arith.addi %scan3A_25, %scan3A_26 : i32
    %scan3A_28 = arith.constant 1 : i32
    %scan3A_29 = scf.for %scan3A_88 = %scan3A_25 to %scan3A_27 step %scan3A_28 iter_args(%scan3A_89 = %scan3A) -> (i32)  : i32 {
      %mul3A_90 = arith.constant 16 : i32
      %mul3A_91 = arith.muli %scan3A_88, %mul3A_90 : i32
      %add3A_92 = arith.constant 0 : i32
      %add3A_93 = arith.addi %add3A_92, %mul3A_91 : i32
      %get3A_94 = arith.index_cast %add3A_93 : i32 to index
      %get3A_95 = tpu.vector_load %arg6[%get3A_94] {strides = array<i32>} : memref<32768xi32, #tpu.memory_space<vmem>>, vector<16xi32>,
      %shift_right_logical3A = arith.constant 8 : i32
      %shift_right_logical3A_96 = vector.broadcast %shift_right_logical3A : i32 to vector<16xi32>
      %shift_right_logical3A_97 = arith.shrui %get3A_95, %shift_right_logical3A_96 : vector<16xi32>
      %eq3A = arith.cmpi eq, %shift_right_logical3A_97, %get3A_3 : vector<16xi32>
      %and3A = arith.constant 255 : i32
      %and3A_98 = vector.broadcast %and3A : i32 to vector<16xi32>
      %and3A_99 = arith.andi %get3A_95, %and3A_98 : vector<16xi32>
      %jit3A = arith.constant 4096 : i32
      %broadcast_in_dim3A_100 = vector.broadcast %jit3A : i32 to vector<16xi32>
      %select_n3A = arith.select %eq3A, %and3A_99, %broadcast_in_dim3A_100 : vector<16xi1>, vector<16xi32>
      %mul3A_101 = arith.constant 16 : i32
      %mul3A_102 = vector.broadcast %mul3A_101 : i32 to vector<16xi32>
      %mul3A_103 = arith.muli %select_n3A, %mul3A_102 : vector<16xi32>
      %add3A_104 = arith.addi %mul3A_103, %iota3A : vector<16xi32>
      tpu.vector_store_idx %arg7[%add3A_104], %broadcast_in_dim3A_4 {add = true} : memref<65552xi32, #tpu.memory_space<vmem>>[vector<16xi32>], vector<16xi32>,
      %scan3A_105 = arith.constant 0 : i32
      scf.yield %scan3A_105 : i32
    }
    %scan3A_30 = arith.constant 1024 : i32
    %add3A_31 = arith.constant 32768 : i32
    %add3A_32 = arith.addi %mul3A_2, %add3A_31 : i32
    %dma_start3A_33 = arith.constant 0 : i32
    %dma_start3A_34 = tpu.memref_slice %arg6[%dma_start3A_33] : memref<32768xi32, #tpu.memory_space<vmem>> -> memref<16384xi32, #tpu.memory_space<vmem>>
    %dma_start3A_35 = tpu.memref_slice %arg2[%add3A_32] : memref<2097152xi32, #tpu.memory_space<hbm>> -> memref<16384xi32, #tpu.memory_space<hbm>>
    %dma_start3A_36 = arith.constant 0 : i32
    %dma_start3A_37 = tpu.memref_slice %arg6[%dma_start3A_36] : memref<32768xi32, #tpu.memory_space<vmem>> -> memref<16384xi32, #tpu.memory_space<vmem>>
    %dma_start3A_38 = tpu.memref_slice %arg2[%add3A_32] : memref<2097152xi32, #tpu.memory_space<hbm>> -> memref<16384xi32, #tpu.memory_space<hbm>>
    tpu.enqueue_dma source(%dma_start3A_38 : memref<16384xi32, #tpu.memory_space<hbm>>) target(%dma_start3A_37 : memref<16384xi32, #tpu.memory_space<vmem>>) target_semaphore(%arg9 : memref<!tpu.dma_semaphore, #tpu.memory_space<semaphore_mem>>)
    %dma_wait3A_39 = arith.constant 16384 : i32
    %dma_wait3A_40 = tpu.memref_slice %arg6[%dma_wait3A_39] : memref<32768xi32, #tpu.memory_space<vmem>> -> memref<16384xi32, #tpu.memory_space<vmem>>
    %dma_wait3A_41 = tpu.memref_slice %arg2[%add3A_13] : memref<2097152xi32, #tpu.memory_space<hbm>> -> memref<16384xi32, #tpu.memory_space<hbm>>
    %dma_wait3A_42 = arith.constant 16384 : i32
    %dma_wait3A_43 = tpu.memref_slice %arg6[%dma_wait3A_42] : memref<32768xi32, #tpu.memory_space<vmem>> -> memref<16384xi32, #tpu.memory_space<vmem>>
    %dma_wait3A_44 = tpu.memref_slice %arg2[%add3A_13] : memref<2097152xi32, #tpu.memory_space<hbm>> -> memref<16384xi32, #tpu.memory_space<hbm>>
    tpu.wait_dma2 semaphore(%arg10 : memref<!tpu.dma_semaphore, #tpu.memory_space<semaphore_mem>>) src(%dma_wait3A_44 : memref<16384xi32, #tpu.memory_space<hbm>>) dst(%dma_wait3A_43 : memref<16384xi32, #tpu.memory_space<vmem>>)
    %scan3A_45 = arith.constant 0 : i32
    %scan3A_46 = arith.constant 0 : i32
    %scan3A_47 = arith.constant 1024 : i32
    %scan3A_48 = arith.addi %scan3A_46, %scan3A_47 : i32
    %scan3A_49 = arith.constant 1 : i32
    %scan3A_50 = scf.for %scan3A_88 = %scan3A_46 to %scan3A_48 step %scan3A_49 iter_args(%scan3A_89 = %scan3A_45) -> (i32)  : i32 {
      %mul3A_90 = arith.constant 16 : i32
      %mul3A_91 = arith.muli %scan3A_88, %mul3A_90 : i32
      %add3A_92 = arith.constant 16384 : i32
      %add3A_93 = arith.addi %add3A_92, %mul3A_91 : i32
      %get3A_94 = arith.index_cast %add3A_93 : i32 to index
      %get3A_95 = tpu.vector_load %arg6[%get3A_94] {strides = array<i32>} : memref<32768xi32, #tpu.memory_space<vmem>>, vector<16xi32>,
      %shift_right_logical3A = arith.constant 8 : i32
      %shift_right_logical3A_96 = vector.broadcast %shift_right_logical3A : i32 to vector<16xi32>
      %shift_right_logical3A_97 = arith.shrui %get3A_95, %shift_right_logical3A_96 : vector<16xi32>
      %eq3A = arith.cmpi eq, %shift_right_logical3A_97, %get3A_3 : vector<16xi32>
      %and3A = arith.constant 255 : i32
      %and3A_98 = vector.broadcast %and3A : i32 to vector<16xi32>
      %and3A_99 = arith.andi %get3A_95, %and3A_98 : vector<16xi32>
      %jit3A = arith.constant 4096 : i32
      %broadcast_in_dim3A_100 = vector.broadcast %jit3A : i32 to vector<16xi32>
      %select_n3A = arith.select %eq3A, %and3A_99, %broadcast_in_dim3A_100 : vector<16xi1>, vector<16xi32>
      %mul3A_101 = arith.constant 16 : i32
      %mul3A_102 = vector.broadcast %mul3A_101 : i32 to vector<16xi32>
      %mul3A_103 = arith.muli %select_n3A, %mul3A_102 : vector<16xi32>
      %add3A_104 = arith.addi %mul3A_103, %iota3A : vector<16xi32>
      tpu.vector_store_idx %arg7[%add3A_104], %broadcast_in_dim3A_4 {add = true} : memref<65552xi32, #tpu.memory_space<vmem>>[vector<16xi32>], vector<16xi32>,
      %scan3A_105 = arith.constant 0 : i32
      scf.yield %scan3A_105 : i32
    }
    %scan3A_51 = arith.constant 1024 : i32
    %add3A_52 = arith.constant 49152 : i32
    %add3A_53 = arith.addi %mul3A_2, %add3A_52 : i32
    %dma_start3A_54 = arith.constant 16384 : i32
    %dma_start3A_55 = tpu.memref_slice %arg6[%dma_start3A_54] : memref<32768xi32, #tpu.memory_space<vmem>> -> memref<16384xi32, #tpu.memory_space<vmem>>
    %dma_start3A_56 = tpu.memref_slice %arg2[%add3A_53] : memref<2097152xi32, #tpu.memory_space<hbm>> -> memref<16384xi32, #tpu.memory_space<hbm>>
    %dma_start3A_57 = arith.constant 16384 : i32
    %dma_start3A_58 = tpu.memref_slice %arg6[%dma_start3A_57] : memref<32768xi32, #tpu.memory_space<vmem>> -> memref<16384xi32, #tpu.memory_space<vmem>>
    %dma_start3A_59 = tpu.memref_slice %arg2[%add3A_53] : memref<2097152xi32, #tpu.memory_space<hbm>> -> memref<16384xi32, #tpu.memory_space<hbm>>
    tpu.enqueue_dma source(%dma_start3A_59 : memref<16384xi32, #tpu.memory_space<hbm>>) target(%dma_start3A_58 : memref<16384xi32, #tpu.memory_space<vmem>>) target_semaphore(%arg10 : memref<!tpu.dma_semaphore, #tpu.memory_space<semaphore_mem>>)
    %dma_wait3A_60 = arith.constant 0 : i32
    %dma_wait3A_61 = tpu.memref_slice %arg6[%dma_wait3A_60] : memref<32768xi32, #tpu.memory_space<vmem>> -> memref<16384xi32, #tpu.memory_space<vmem>>
    %dma_wait3A_62 = tpu.memref_slice %arg2[%add3A_32] : memref<2097152xi32, #tpu.memory_space<hbm>> -> memref<16384xi32, #tpu.memory_space<hbm>>
    %dma_wait3A_63 = arith.constant 0 : i32
    %dma_wait3A_64 = tpu.memref_slice %arg6[%dma_wait3A_63] : memref<32768xi32, #tpu.memory_space<vmem>> -> memref<16384xi32, #tpu.memory_space<vmem>>
    %dma_wait3A_65 = tpu.memref_slice %arg2[%add3A_32] : memref<2097152xi32, #tpu.memory_space<hbm>> -> memref<16384xi32, #tpu.memory_space<hbm>>
    tpu.wait_dma2 semaphore(%arg9 : memref<!tpu.dma_semaphore, #tpu.memory_space<semaphore_mem>>) src(%dma_wait3A_65 : memref<16384xi32, #tpu.memory_space<hbm>>) dst(%dma_wait3A_64 : memref<16384xi32, #tpu.memory_space<vmem>>)
    %scan3A_66 = arith.constant 0 : i32
    %scan3A_67 = arith.constant 0 : i32
    %scan3A_68 = arith.constant 1024 : i32
    %scan3A_69 = arith.addi %scan3A_67, %scan3A_68 : i32
    %scan3A_70 = arith.constant 1 : i32
    %scan3A_71 = scf.for %scan3A_88 = %scan3A_67 to %scan3A_69 step %scan3A_70 iter_args(%scan3A_89 = %scan3A_66) -> (i32)  : i32 {
      %mul3A_90 = arith.constant 16 : i32
      %mul3A_91 = arith.muli %scan3A_88, %mul3A_90 : i32
      %add3A_92 = arith.constant 0 : i32
      %add3A_93 = arith.addi %add3A_92, %mul3A_91 : i32
      %get3A_94 = arith.index_cast %add3A_93 : i32 to index
      %get3A_95 = tpu.vector_load %arg6[%get3A_94] {strides = array<i32>} : memref<32768xi32, #tpu.memory_space<vmem>>, vector<16xi32>,
      %shift_right_logical3A = arith.constant 8 : i32
      %shift_right_logical3A_96 = vector.broadcast %shift_right_logical3A : i32 to vector<16xi32>
      %shift_right_logical3A_97 = arith.shrui %get3A_95, %shift_right_logical3A_96 : vector<16xi32>
      %eq3A = arith.cmpi eq, %shift_right_logical3A_97, %get3A_3 : vector<16xi32>
      %and3A = arith.constant 255 : i32
      %and3A_98 = vector.broadcast %and3A : i32 to vector<16xi32>
      %and3A_99 = arith.andi %get3A_95, %and3A_98 : vector<16xi32>
      %jit3A = arith.constant 4096 : i32
      %broadcast_in_dim3A_100 = vector.broadcast %jit3A : i32 to vector<16xi32>
      %select_n3A = arith.select %eq3A, %and3A_99, %broadcast_in_dim3A_100 : vector<16xi1>, vector<16xi32>
      %mul3A_101 = arith.constant 16 : i32
      %mul3A_102 = vector.broadcast %mul3A_101 : i32 to vector<16xi32>
      %mul3A_103 = arith.muli %select_n3A, %mul3A_102 : vector<16xi32>
      %add3A_104 = arith.addi %mul3A_103, %iota3A : vector<16xi32>
      tpu.vector_store_idx %arg7[%add3A_104], %broadcast_in_dim3A_4 {add = true} : memref<65552xi32, #tpu.memory_space<vmem>>[vector<16xi32>], vector<16xi32>,
      %scan3A_105 = arith.constant 0 : i32
      scf.yield %scan3A_105 : i32
    }
    %scan3A_72 = arith.constant 1024 : i32
    %dma_wait3A_73 = arith.constant 16384 : i32
    %dma_wait3A_74 = tpu.memref_slice %arg6[%dma_wait3A_73] : memref<32768xi32, #tpu.memory_space<vmem>> -> memref<16384xi32, #tpu.memory_space<vmem>>
    %dma_wait3A_75 = tpu.memref_slice %arg2[%add3A_53] : memref<2097152xi32, #tpu.memory_space<hbm>> -> memref<16384xi32, #tpu.memory_space<hbm>>
    %dma_wait3A_76 = arith.constant 16384 : i32
    %dma_wait3A_77 = tpu.memref_slice %arg6[%dma_wait3A_76] : memref<32768xi32, #tpu.memory_space<vmem>> -> memref<16384xi32, #tpu.memory_space<vmem>>
    %dma_wait3A_78 = tpu.memref_slice %arg2[%add3A_53] : memref<2097152xi32, #tpu.memory_space<hbm>> -> memref<16384xi32, #tpu.memory_space<hbm>>
    tpu.wait_dma2 semaphore(%arg10 : memref<!tpu.dma_semaphore, #tpu.memory_space<semaphore_mem>>) src(%dma_wait3A_78 : memref<16384xi32, #tpu.memory_space<hbm>>) dst(%dma_wait3A_77 : memref<16384xi32, #tpu.memory_space<vmem>>)
    %scan3A_79 = arith.constant 0 : i32
    %scan3A_80 = arith.constant 0 : i32
    %scan3A_81 = arith.constant 1024 : i32
    %scan3A_82 = arith.addi %scan3A_80, %scan3A_81 : i32
    %scan3A_83 = arith.constant 1 : i32
    %scan3A_84 = scf.for %scan3A_88 = %scan3A_80 to %scan3A_82 step %scan3A_83 iter_args(%scan3A_89 = %scan3A_79) -> (i32)  : i32 {
      %mul3A_90 = arith.constant 16 : i32
      %mul3A_91 = arith.muli %scan3A_88, %mul3A_90 : i32
      %add3A_92 = arith.constant 16384 : i32
      %add3A_93 = arith.addi %add3A_92, %mul3A_91 : i32
      %get3A_94 = arith.index_cast %add3A_93 : i32 to index
      %get3A_95 = tpu.vector_load %arg6[%get3A_94] {strides = array<i32>} : memref<32768xi32, #tpu.memory_space<vmem>>, vector<16xi32>,
      %shift_right_logical3A = arith.constant 8 : i32
      %shift_right_logical3A_96 = vector.broadcast %shift_right_logical3A : i32 to vector<16xi32>
      %shift_right_logical3A_97 = arith.shrui %get3A_95, %shift_right_logical3A_96 : vector<16xi32>
      %eq3A = arith.cmpi eq, %shift_right_logical3A_97, %get3A_3 : vector<16xi32>
      %and3A = arith.constant 255 : i32
      %and3A_98 = vector.broadcast %and3A : i32 to vector<16xi32>
      %and3A_99 = arith.andi %get3A_95, %and3A_98 : vector<16xi32>
      %jit3A = arith.constant 4096 : i32
      %broadcast_in_dim3A_100 = vector.broadcast %jit3A : i32 to vector<16xi32>
      %select_n3A = arith.select %eq3A, %and3A_99, %broadcast_in_dim3A_100 : vector<16xi1>, vector<16xi32>
      %mul3A_101 = arith.constant 16 : i32
      %mul3A_102 = vector.broadcast %mul3A_101 : i32 to vector<16xi32>
      %mul3A_103 = arith.muli %select_n3A, %mul3A_102 : vector<16xi32>
      %add3A_104 = arith.addi %mul3A_103, %iota3A : vector<16xi32>
      tpu.vector_store_idx %arg7[%add3A_104], %broadcast_in_dim3A_4 {add = true} : memref<65552xi32, #tpu.memory_space<vmem>>[vector<16xi32>], vector<16xi32>,
      %scan3A_105 = arith.constant 0 : i32
      scf.yield %scan3A_105 : i32
    }
    %scan3A_85 = arith.constant 1024 : i32
    %mul3A_86 = arith.constant 65552 : i32
    %mul3A_87 = arith.muli %add3A, %mul3A_86 : i32
    "tpu.region"() ({
      %run_scoped3A = tpu.sem_alloc : memref<!tpu.dma_semaphore, #tpu.memory_space<semaphore_mem>>
      %dma_start3A_88 = tpu.memref_slice %arg5[%mul3A_87] : memref<2097664xi32, #tpu.memory_space<hbm>> -> memref<65552xi32, #tpu.memory_space<hbm>>
      %dma_start3A_89 = tpu.memref_slice %arg5[%mul3A_87] : memref<2097664xi32, #tpu.memory_space<hbm>> -> memref<65552xi32, #tpu.memory_space<hbm>>
      tpu.enqueue_dma source(%arg7 : memref<65552xi32, #tpu.memory_space<vmem>>) target(%dma_start3A_89 : memref<65552xi32, #tpu.memory_space<hbm>>) target_semaphore(%run_scoped3A : memref<!tpu.dma_semaphore, #tpu.memory_space<semaphore_mem>>)
      %dma_wait3A_90 = tpu.memref_slice %arg5[%mul3A_87] : memref<2097664xi32, #tpu.memory_space<hbm>> -> memref<65552xi32, #tpu.memory_space<hbm>>
      %dma_wait3A_91 = tpu.memref_slice %arg5[%mul3A_87] : memref<2097664xi32, #tpu.memory_space<hbm>> -> memref<65552xi32, #tpu.memory_space<hbm>>
      tpu.wait_dma2 semaphore(%run_scoped3A : memref<!tpu.dma_semaphore, #tpu.memory_space<semaphore_mem>>) src(%arg7 : memref<65552xi32, #tpu.memory_space<vmem>>) dst(%dma_wait3A_91 : memref<65552xi32, #tpu.memory_space<hbm>>)
      tpu.yield
    }) : () -> ()
    return
  }
}

#map = affine_map<(d0, d1) -> (0)>
module attributes {stable_mosaic.version = 14 : i64} {
  func.func @hist_k(%arg0: i32, %arg1: i32, %arg2: memref<2097152xi32, #tpu.memory_space<hbm>>, %arg3: memref<65552xi32, #tpu.memory_space<hbm>>, %arg4: memref<16xi32, #tpu.memory_space<hbm>>, %arg5: memref<2097664xi32, #tpu.memory_space<hbm>>, %arg6: memref<32768xi32, #tpu.memory_space<vmem>>, %arg7: memref<65552xi32, #tpu.memory_space<vmem>>, %arg8: memref<16xi32, #tpu.memory_space<vmem>>, %arg9: memref<!tpu.dma_semaphore, #tpu.memory_space<semaphore_mem>>, %arg10: memref<!tpu.dma_semaphore, #tpu.memory_space<semaphore_mem>>) attributes {dimension_semantics = [#tpu.dimension_semantics<core_parallel>, #tpu.dimension_semantics<subcore_parallel>], iteration_bounds = array<i64: 2, 16>, scalar_prefetch = 0 : i64, scratch_operands = 5 : i64, tpu.core_type = #tpu.core_type<sc_vector_subcore>, window_params = [{transform_indices = #map}, {transform_indices = #map}, {transform_indices = #map}, {transform_indices = #map}]} {
    %mul3A = arith.constant 2 : i32
    %mul3A_0 = arith.muli %arg1, %mul3A : i32
    %add3A = arith.addi %mul3A_0, %arg0 : i32
    %mul3A_1 = arith.constant 65536 : i32
    %mul3A_2 = arith.muli %add3A, %mul3A_1 : i32
    "tpu.region"() ({
      %run_scoped3A = tpu.sem_alloc : memref<!tpu.dma_semaphore, #tpu.memory_space<semaphore_mem>>
      tpu.enqueue_dma source(%arg3 : memref<65552xi32, #tpu.memory_space<hbm>>) target(%arg7 : memref<65552xi32, #tpu.memory_space<vmem>>) target_semaphore(%run_scoped3A : memref<!tpu.dma_semaphore, #tpu.memory_space<semaphore_mem>>)
      tpu.wait_dma2 semaphore(%run_scoped3A : memref<!tpu.dma_semaphore, #tpu.memory_space<semaphore_mem>>) src(%arg3 : memref<65552xi32, #tpu.memory_space<hbm>>) dst(%arg7 : memref<65552xi32, #tpu.memory_space<vmem>>)
      tpu.yield
    }) : () -> ()
    "tpu.region"() ({
      %run_scoped3A = tpu.sem_alloc : memref<!tpu.dma_semaphore, #tpu.memory_space<semaphore_mem>>
      tpu.enqueue_dma source(%arg4 : memref<16xi32, #tpu.memory_space<hbm>>) target(%arg8 : memref<16xi32, #tpu.memory_space<vmem>>) target_semaphore(%run_scoped3A : memref<!tpu.dma_semaphore, #tpu.memory_space<semaphore_mem>>)
      tpu.wait_dma2 semaphore(%run_scoped3A : memref<!tpu.dma_semaphore, #tpu.memory_space<semaphore_mem>>) src(%arg4 : memref<16xi32, #tpu.memory_space<hbm>>) dst(%arg8 : memref<16xi32, #tpu.memory_space<vmem>>)
      tpu.yield
    }) : () -> ()
    %get3A = arith.constant 0 : index
    %get3A_3 = tpu.vector_load %arg8[%get3A] {strides = array<i32>} : memref<16xi32, #tpu.memory_space<vmem>>, vector<16xi32>,
    %broadcast_in_dim3A = arith.constant 1 : i32
    %broadcast_in_dim3A_4 = vector.broadcast %broadcast_in_dim3A : i32 to vector<16xi32>
    %iota3A = tpu.iota {dimensions = array<i32: 0>} : vector<16xi32>
    %add3A_5 = arith.constant 0 : i32
    %add3A_6 = arith.addi %mul3A_2, %add3A_5 : i32
    %dma_start3A = arith.constant 0 : i32
    %dma_start3A_7 = tpu.memref_slice %arg6[%dma_start3A] : memref<32768xi32, #tpu.memory_space<vmem>> -> memref<16384xi32, #tpu.memory_space<vmem>>
    %dma_start3A_8 = tpu.memref_slice %arg2[%add3A_6] : memref<2097152xi32, #tpu.memory_space<hbm>> -> memref<16384xi32, #tpu.memory_space<hbm>>
    %dma_start3A_9 = arith.constant 0 : i32
    %dma_start3A_10 = tpu.memref_slice %arg6[%dma_start3A_9] : memref<32768xi32, #tpu.memory_space<vmem>> -> memref<16384xi32, #tpu.memory_space<vmem>>
    %dma_start3A_11 = tpu.memref_slice %arg2[%add3A_6] : memref<2097152xi32, #tpu.memory_space<hbm>> -> memref<16384xi32, #tpu.memory_space<hbm>>
    tpu.enqueue_dma source(%dma_start3A_11 : memref<16384xi32, #tpu.memory_space<hbm>>) target(%dma_start3A_10 : memref<16384xi32, #tpu.memory_space<vmem>>) target_semaphore(%arg9 : memref<!tpu.dma_semaphore, #tpu.memory_space<semaphore_mem>>)
    %add3A_12 = arith.constant 16384 : i32
    %add3A_13 = arith.addi %mul3A_2, %add3A_12 : i32
    %dma_start3A_14 = arith.constant 16384 : i32
    %dma_start3A_15 = tpu.memref_slice %arg6[%dma_start3A_14] : memref<32768xi32, #tpu.memory_space<vmem>> -> memref<16384xi32, #tpu.memory_space<vmem>>
    %dma_start3A_16 = tpu.memref_slice %arg2[%add3A_13] : memref<2097152xi32, #tpu.memory_space<hbm>> -> memref<16384xi32, #tpu.memory_space<hbm>>
    %dma_start3A_17 = arith.constant 16384 : i32
    %dma_start3A_18 = tpu.memref_slice %arg6[%dma_start3A_17] : memref<32768xi32, #tpu.memory_space<vmem>> -> memref<16384xi32, #tpu.memory_space<vmem>>
    %dma_start3A_19 = tpu.memref_slice %arg2[%add3A_13] : memref<2097152xi32, #tpu.memory_space<hbm>> -> memref<16384xi32, #tpu.memory_space<hbm>>
    tpu.enqueue_dma source(%dma_start3A_19 : memref<16384xi32, #tpu.memory_space<hbm>>) target(%dma_start3A_18 : memref<16384xi32, #tpu.memory_space<vmem>>) target_semaphore(%arg10 : memref<!tpu.dma_semaphore, #tpu.memory_space<semaphore_mem>>)
    %dma_wait3A = arith.constant 0 : i32
    %dma_wait3A_20 = tpu.memref_slice %arg6[%dma_wait3A] : memref<32768xi32, #tpu.memory_space<vmem>> -> memref<16384xi32, #tpu.memory_space<vmem>>
    %dma_wait3A_21 = tpu.memref_slice %arg2[%add3A_6] : memref<2097152xi32, #tpu.memory_space<hbm>> -> memref<16384xi32, #tpu.memory_space<hbm>>
    %dma_wait3A_22 = arith.constant 0 : i32
    %dma_wait3A_23 = tpu.memref_slice %arg6[%dma_wait3A_22] : memref<32768xi32, #tpu.memory_space<vmem>> -> memref<16384xi32, #tpu.memory_space<vmem>>
    %dma_wait3A_24 = tpu.memref_slice %arg2[%add3A_6] : memref<2097152xi32, #tpu.memory_space<hbm>> -> memref<16384xi32, #tpu.memory_space<hbm>>
    tpu.wait_dma2 semaphore(%arg9 : memref<!tpu.dma_semaphore, #tpu.memory_space<semaphore_mem>>) src(%dma_wait3A_24 : memref<16384xi32, #tpu.memory_space<hbm>>) dst(%dma_wait3A_23 : memref<16384xi32, #tpu.memory_space<vmem>>)
    %scan3A = arith.constant 0 : i32
    %scan3A_25 = arith.constant 0 : i32
    %scan3A_26 = arith.constant 1024 : i32
    %scan3A_27 = arith.addi %scan3A_25, %scan3A_26 : i32
    %scan3A_28 = arith.constant 1 : i32
    %scan3A_29 = scf.for %scan3A_88 = %scan3A_25 to %scan3A_27 step %scan3A_28 iter_args(%scan3A_89 = %scan3A) -> (i32)  : i32 {
      %mul3A_90 = arith.constant 16 : i32
      %mul3A_91 = arith.muli %scan3A_88, %mul3A_90 : i32
      %add3A_92 = arith.constant 0 : i32
      %add3A_93 = arith.addi %add3A_92, %mul3A_91 : i32
      %get3A_94 = arith.index_cast %add3A_93 : i32 to index
      %get3A_95 = tpu.vector_load %arg6[%get3A_94] {strides = array<i32>} : memref<32768xi32, #tpu.memory_space<vmem>>, vector<16xi32>,
      %shift_right_logical3A = arith.constant 20 : i32
      %shift_right_logical3A_96 = vector.broadcast %shift_right_logical3A : i32 to vector<16xi32>
      %shift_right_logical3A_97 = arith.shrui %get3A_95, %shift_right_logical3A_96 : vector<16xi32>
      %mul3A_98 = arith.constant 16 : i32
      %mul3A_99 = vector.broadcast %mul3A_98 : i32 to vector<16xi32>
      %mul3A_100 = arith.muli %shift_right_logical3A_97, %mul3A_99 : vector<16xi32>
      %add3A_101 = arith.addi %mul3A_100, %iota3A : vector<16xi32>
      tpu.vector_store_idx %arg7[%add3A_101], %broadcast_in_dim3A_4 {add = true} : memref<65552xi32, #tpu.memory_space<vmem>>[vector<16xi32>], vector<16xi32>,
      %scan3A_102 = arith.constant 0 : i32
      scf.yield %scan3A_102 : i32
    }
    %scan3A_30 = arith.constant 1024 : i32
    %add3A_31 = arith.constant 32768 : i32
    %add3A_32 = arith.addi %mul3A_2, %add3A_31 : i32
    %dma_start3A_33 = arith.constant 0 : i32
    %dma_start3A_34 = tpu.memref_slice %arg6[%dma_start3A_33] : memref<32768xi32, #tpu.memory_space<vmem>> -> memref<16384xi32, #tpu.memory_space<vmem>>
    %dma_start3A_35 = tpu.memref_slice %arg2[%add3A_32] : memref<2097152xi32, #tpu.memory_space<hbm>> -> memref<16384xi32, #tpu.memory_space<hbm>>
    %dma_start3A_36 = arith.constant 0 : i32
    %dma_start3A_37 = tpu.memref_slice %arg6[%dma_start3A_36] : memref<32768xi32, #tpu.memory_space<vmem>> -> memref<16384xi32, #tpu.memory_space<vmem>>
    %dma_start3A_38 = tpu.memref_slice %arg2[%add3A_32] : memref<2097152xi32, #tpu.memory_space<hbm>> -> memref<16384xi32, #tpu.memory_space<hbm>>
    tpu.enqueue_dma source(%dma_start3A_38 : memref<16384xi32, #tpu.memory_space<hbm>>) target(%dma_start3A_37 : memref<16384xi32, #tpu.memory_space<vmem>>) target_semaphore(%arg9 : memref<!tpu.dma_semaphore, #tpu.memory_space<semaphore_mem>>)
    %dma_wait3A_39 = arith.constant 16384 : i32
    %dma_wait3A_40 = tpu.memref_slice %arg6[%dma_wait3A_39] : memref<32768xi32, #tpu.memory_space<vmem>> -> memref<16384xi32, #tpu.memory_space<vmem>>
    %dma_wait3A_41 = tpu.memref_slice %arg2[%add3A_13] : memref<2097152xi32, #tpu.memory_space<hbm>> -> memref<16384xi32, #tpu.memory_space<hbm>>
    %dma_wait3A_42 = arith.constant 16384 : i32
    %dma_wait3A_43 = tpu.memref_slice %arg6[%dma_wait3A_42] : memref<32768xi32, #tpu.memory_space<vmem>> -> memref<16384xi32, #tpu.memory_space<vmem>>
    %dma_wait3A_44 = tpu.memref_slice %arg2[%add3A_13] : memref<2097152xi32, #tpu.memory_space<hbm>> -> memref<16384xi32, #tpu.memory_space<hbm>>
    tpu.wait_dma2 semaphore(%arg10 : memref<!tpu.dma_semaphore, #tpu.memory_space<semaphore_mem>>) src(%dma_wait3A_44 : memref<16384xi32, #tpu.memory_space<hbm>>) dst(%dma_wait3A_43 : memref<16384xi32, #tpu.memory_space<vmem>>)
    %scan3A_45 = arith.constant 0 : i32
    %scan3A_46 = arith.constant 0 : i32
    %scan3A_47 = arith.constant 1024 : i32
    %scan3A_48 = arith.addi %scan3A_46, %scan3A_47 : i32
    %scan3A_49 = arith.constant 1 : i32
    %scan3A_50 = scf.for %scan3A_88 = %scan3A_46 to %scan3A_48 step %scan3A_49 iter_args(%scan3A_89 = %scan3A_45) -> (i32)  : i32 {
      %mul3A_90 = arith.constant 16 : i32
      %mul3A_91 = arith.muli %scan3A_88, %mul3A_90 : i32
      %add3A_92 = arith.constant 16384 : i32
      %add3A_93 = arith.addi %add3A_92, %mul3A_91 : i32
      %get3A_94 = arith.index_cast %add3A_93 : i32 to index
      %get3A_95 = tpu.vector_load %arg6[%get3A_94] {strides = array<i32>} : memref<32768xi32, #tpu.memory_space<vmem>>, vector<16xi32>,
      %shift_right_logical3A = arith.constant 20 : i32
      %shift_right_logical3A_96 = vector.broadcast %shift_right_logical3A : i32 to vector<16xi32>
      %shift_right_logical3A_97 = arith.shrui %get3A_95, %shift_right_logical3A_96 : vector<16xi32>
      %mul3A_98 = arith.constant 16 : i32
      %mul3A_99 = vector.broadcast %mul3A_98 : i32 to vector<16xi32>
      %mul3A_100 = arith.muli %shift_right_logical3A_97, %mul3A_99 : vector<16xi32>
      %add3A_101 = arith.addi %mul3A_100, %iota3A : vector<16xi32>
      tpu.vector_store_idx %arg7[%add3A_101], %broadcast_in_dim3A_4 {add = true} : memref<65552xi32, #tpu.memory_space<vmem>>[vector<16xi32>], vector<16xi32>,
      %scan3A_102 = arith.constant 0 : i32
      scf.yield %scan3A_102 : i32
    }
    %scan3A_51 = arith.constant 1024 : i32
    %add3A_52 = arith.constant 49152 : i32
    %add3A_53 = arith.addi %mul3A_2, %add3A_52 : i32
    %dma_start3A_54 = arith.constant 16384 : i32
    %dma_start3A_55 = tpu.memref_slice %arg6[%dma_start3A_54] : memref<32768xi32, #tpu.memory_space<vmem>> -> memref<16384xi32, #tpu.memory_space<vmem>>
    %dma_start3A_56 = tpu.memref_slice %arg2[%add3A_53] : memref<2097152xi32, #tpu.memory_space<hbm>> -> memref<16384xi32, #tpu.memory_space<hbm>>
    %dma_start3A_57 = arith.constant 16384 : i32
    %dma_start3A_58 = tpu.memref_slice %arg6[%dma_start3A_57] : memref<32768xi32, #tpu.memory_space<vmem>> -> memref<16384xi32, #tpu.memory_space<vmem>>
    %dma_start3A_59 = tpu.memref_slice %arg2[%add3A_53] : memref<2097152xi32, #tpu.memory_space<hbm>> -> memref<16384xi32, #tpu.memory_space<hbm>>
    tpu.enqueue_dma source(%dma_start3A_59 : memref<16384xi32, #tpu.memory_space<hbm>>) target(%dma_start3A_58 : memref<16384xi32, #tpu.memory_space<vmem>>) target_semaphore(%arg10 : memref<!tpu.dma_semaphore, #tpu.memory_space<semaphore_mem>>)
    %dma_wait3A_60 = arith.constant 0 : i32
    %dma_wait3A_61 = tpu.memref_slice %arg6[%dma_wait3A_60] : memref<32768xi32, #tpu.memory_space<vmem>> -> memref<16384xi32, #tpu.memory_space<vmem>>
    %dma_wait3A_62 = tpu.memref_slice %arg2[%add3A_32] : memref<2097152xi32, #tpu.memory_space<hbm>> -> memref<16384xi32, #tpu.memory_space<hbm>>
    %dma_wait3A_63 = arith.constant 0 : i32
    %dma_wait3A_64 = tpu.memref_slice %arg6[%dma_wait3A_63] : memref<32768xi32, #tpu.memory_space<vmem>> -> memref<16384xi32, #tpu.memory_space<vmem>>
    %dma_wait3A_65 = tpu.memref_slice %arg2[%add3A_32] : memref<2097152xi32, #tpu.memory_space<hbm>> -> memref<16384xi32, #tpu.memory_space<hbm>>
    tpu.wait_dma2 semaphore(%arg9 : memref<!tpu.dma_semaphore, #tpu.memory_space<semaphore_mem>>) src(%dma_wait3A_65 : memref<16384xi32, #tpu.memory_space<hbm>>) dst(%dma_wait3A_64 : memref<16384xi32, #tpu.memory_space<vmem>>)
    %scan3A_66 = arith.constant 0 : i32
    %scan3A_67 = arith.constant 0 : i32
    %scan3A_68 = arith.constant 1024 : i32
    %scan3A_69 = arith.addi %scan3A_67, %scan3A_68 : i32
    %scan3A_70 = arith.constant 1 : i32
    %scan3A_71 = scf.for %scan3A_88 = %scan3A_67 to %scan3A_69 step %scan3A_70 iter_args(%scan3A_89 = %scan3A_66) -> (i32)  : i32 {
      %mul3A_90 = arith.constant 16 : i32
      %mul3A_91 = arith.muli %scan3A_88, %mul3A_90 : i32
      %add3A_92 = arith.constant 0 : i32
      %add3A_93 = arith.addi %add3A_92, %mul3A_91 : i32
      %get3A_94 = arith.index_cast %add3A_93 : i32 to index
      %get3A_95 = tpu.vector_load %arg6[%get3A_94] {strides = array<i32>} : memref<32768xi32, #tpu.memory_space<vmem>>, vector<16xi32>,
      %shift_right_logical3A = arith.constant 20 : i32
      %shift_right_logical3A_96 = vector.broadcast %shift_right_logical3A : i32 to vector<16xi32>
      %shift_right_logical3A_97 = arith.shrui %get3A_95, %shift_right_logical3A_96 : vector<16xi32>
      %mul3A_98 = arith.constant 16 : i32
      %mul3A_99 = vector.broadcast %mul3A_98 : i32 to vector<16xi32>
      %mul3A_100 = arith.muli %shift_right_logical3A_97, %mul3A_99 : vector<16xi32>
      %add3A_101 = arith.addi %mul3A_100, %iota3A : vector<16xi32>
      tpu.vector_store_idx %arg7[%add3A_101], %broadcast_in_dim3A_4 {add = true} : memref<65552xi32, #tpu.memory_space<vmem>>[vector<16xi32>], vector<16xi32>,
      %scan3A_102 = arith.constant 0 : i32
      scf.yield %scan3A_102 : i32
    }
    %scan3A_72 = arith.constant 1024 : i32
    %dma_wait3A_73 = arith.constant 16384 : i32
    %dma_wait3A_74 = tpu.memref_slice %arg6[%dma_wait3A_73] : memref<32768xi32, #tpu.memory_space<vmem>> -> memref<16384xi32, #tpu.memory_space<vmem>>
    %dma_wait3A_75 = tpu.memref_slice %arg2[%add3A_53] : memref<2097152xi32, #tpu.memory_space<hbm>> -> memref<16384xi32, #tpu.memory_space<hbm>>
    %dma_wait3A_76 = arith.constant 16384 : i32
    %dma_wait3A_77 = tpu.memref_slice %arg6[%dma_wait3A_76] : memref<32768xi32, #tpu.memory_space<vmem>> -> memref<16384xi32, #tpu.memory_space<vmem>>
    %dma_wait3A_78 = tpu.memref_slice %arg2[%add3A_53] : memref<2097152xi32, #tpu.memory_space<hbm>> -> memref<16384xi32, #tpu.memory_space<hbm>>
    tpu.wait_dma2 semaphore(%arg10 : memref<!tpu.dma_semaphore, #tpu.memory_space<semaphore_mem>>) src(%dma_wait3A_78 : memref<16384xi32, #tpu.memory_space<hbm>>) dst(%dma_wait3A_77 : memref<16384xi32, #tpu.memory_space<vmem>>)
    %scan3A_79 = arith.constant 0 : i32
    %scan3A_80 = arith.constant 0 : i32
    %scan3A_81 = arith.constant 1024 : i32
    %scan3A_82 = arith.addi %scan3A_80, %scan3A_81 : i32
    %scan3A_83 = arith.constant 1 : i32
    %scan3A_84 = scf.for %scan3A_88 = %scan3A_80 to %scan3A_82 step %scan3A_83 iter_args(%scan3A_89 = %scan3A_79) -> (i32)  : i32 {
      %mul3A_90 = arith.constant 16 : i32
      %mul3A_91 = arith.muli %scan3A_88, %mul3A_90 : i32
      %add3A_92 = arith.constant 16384 : i32
      %add3A_93 = arith.addi %add3A_92, %mul3A_91 : i32
      %get3A_94 = arith.index_cast %add3A_93 : i32 to index
      %get3A_95 = tpu.vector_load %arg6[%get3A_94] {strides = array<i32>} : memref<32768xi32, #tpu.memory_space<vmem>>, vector<16xi32>,
      %shift_right_logical3A = arith.constant 20 : i32
      %shift_right_logical3A_96 = vector.broadcast %shift_right_logical3A : i32 to vector<16xi32>
      %shift_right_logical3A_97 = arith.shrui %get3A_95, %shift_right_logical3A_96 : vector<16xi32>
      %mul3A_98 = arith.constant 16 : i32
      %mul3A_99 = vector.broadcast %mul3A_98 : i32 to vector<16xi32>
      %mul3A_100 = arith.muli %shift_right_logical3A_97, %mul3A_99 : vector<16xi32>
      %add3A_101 = arith.addi %mul3A_100, %iota3A : vector<16xi32>
      tpu.vector_store_idx %arg7[%add3A_101], %broadcast_in_dim3A_4 {add = true} : memref<65552xi32, #tpu.memory_space<vmem>>[vector<16xi32>], vector<16xi32>,
      %scan3A_102 = arith.constant 0 : i32
      scf.yield %scan3A_102 : i32
    }
    %scan3A_85 = arith.constant 1024 : i32
    %mul3A_86 = arith.constant 65552 : i32
    %mul3A_87 = arith.muli %add3A, %mul3A_86 : i32
    "tpu.region"() ({
      %run_scoped3A = tpu.sem_alloc : memref<!tpu.dma_semaphore, #tpu.memory_space<semaphore_mem>>
      %dma_start3A_88 = tpu.memref_slice %arg5[%mul3A_87] : memref<2097664xi32, #tpu.memory_space<hbm>> -> memref<65552xi32, #tpu.memory_space<hbm>>
      %dma_start3A_89 = tpu.memref_slice %arg5[%mul3A_87] : memref<2097664xi32, #tpu.memory_space<hbm>> -> memref<65552xi32, #tpu.memory_space<hbm>>
      tpu.enqueue_dma source(%arg7 : memref<65552xi32, #tpu.memory_space<vmem>>) target(%dma_start3A_89 : memref<65552xi32, #tpu.memory_space<hbm>>) target_semaphore(%run_scoped3A : memref<!tpu.dma_semaphore, #tpu.memory_space<semaphore_mem>>)
      %dma_wait3A_90 = tpu.memref_slice %arg5[%mul3A_87] : memref<2097664xi32, #tpu.memory_space<hbm>> -> memref<65552xi32, #tpu.memory_space<hbm>>
      %dma_wait3A_91 = tpu.memref_slice %arg5[%mul3A_87] : memref<2097664xi32, #tpu.memory_space<hbm>> -> memref<65552xi32, #tpu.memory_space<hbm>>
      tpu.wait_dma2 semaphore(%run_scoped3A : memref<!tpu.dma_semaphore, #tpu.memory_space<semaphore_mem>>) src(%arg7 : memref<65552xi32, #tpu.memory_space<vmem>>) dst(%dma_wait3A_91 : memref<65552xi32, #tpu.memory_space<hbm>>)
      tpu.yield
    }) : () -> ()
    return
  }
}

module attributes {stable_mosaic.version = 14 : i64} {
  func.func @_ce_full_body(%arg0: i32, %arg1: i32, %arg2: memref<1x19x64x512xf32, #tpu.memory_space<vmem>>, %arg3: memref<1x64x512xi32, #tpu.memory_space<vmem>>, %arg4: memref<1x64x512xf32, #tpu.memory_space<vmem>>, %arg5: memref<1x64x512xf32, #tpu.memory_space<vmem>>) attributes {dimension_semantics = [#tpu.dimension_semantics<arbitrary>, #tpu.dimension_semantics<arbitrary>], iteration_bounds = array<i64: 8, 8>, scalar_prefetch = 0 : i64, scratch_operands = 0 : i64, tpu.core_type = #tpu.core_type<tc>, window_params = [{transform_indices = @transform_0, window_bounds = array<i64: 1, 19, 64, 512>}, {transform_indices = @transform_1, window_bounds = array<i64: 1, 64, 512>}, {transform_indices = @transform_2, window_bounds = array<i64: 1, 64, 512>}, {transform_indices = @transform_3, window_bounds = array<i64: 1, 64, 512>}]} {
    %get3A = arith.constant 0 : index
    %get3A_0 = arith.constant 0 : index
    %get3A_1 = arith.constant 0 : index
    %get3A_2 = arith.constant 0 : index
    %get3A_3 = vector.load %arg2[%get3A, %get3A_0, %get3A_1, %get3A_2] : memref<1x19x64x512xf32, #tpu.memory_space<vmem>>, vector<1x19x64x512xf32>
    %get3A_4 = vector.shape_cast %get3A_3 : vector<1x19x64x512xf32> to vector<19x64x512xf32>
    %get3A_5 = arith.constant 0 : index
    %get3A_6 = arith.constant 0 : index
    %get3A_7 = arith.constant 0 : index
    %get3A_8 = vector.load %arg3[%get3A_5, %get3A_6, %get3A_7] : memref<1x64x512xi32, #tpu.memory_space<vmem>>, vector<1x64x512xi32>
    %get3A_9 = vector.shape_cast %get3A_8 : vector<1x64x512xi32> to vector<64x512xi32>
    %reduce_max3A = arith.constant dense<0xFF800000> : vector<64x512xf32>
    %reduce_max3A_10 = vector.multi_reduction <maximumf>, %get3A_4, %reduce_max3A [0] : vector<19x64x512xf32> to vector<64x512xf32>
    %ne3A = arith.constant 255 : i32
    %ne3A_11 = vector.broadcast %ne3A : i32 to vector<64x512xi32>
    %ne3A_12 = arith.cmpi ne, %get3A_9, %ne3A_11 : vector<64x512xi32>
    %jit3A = arith.constant 0 : i32
    %broadcast_in_dim3A = vector.broadcast %jit3A : i32 to vector<64x512xi32>
    %select_n3A = arith.select %ne3A_12, %get3A_9, %broadcast_in_dim3A : vector<64x512xi1>, vector<64x512xi32>
    %broadcast_in_dim3A_13 = arith.constant 0.000000e+00 : f32
    %broadcast_in_dim3A_14 = vector.broadcast %broadcast_in_dim3A_13 : f32 to vector<64x512xf32>
    %broadcast_in_dim3A_15 = arith.constant 0.000000e+00 : f32
    %broadcast_in_dim3A_16 = vector.broadcast %broadcast_in_dim3A_15 : f32 to vector<64x512xf32>
    %slice3A = vector.extract_strided_slice %get3A_4 {offsets = [0, 0, 0], sizes = [1, 64, 512], strides = [1, 1, 1]} : vector<19x64x512xf32> to vector<1x64x512xf32>
    %squeeze3A = vector.shape_cast %slice3A : vector<1x64x512xf32> to vector<64x512xf32>
    %sub3A = arith.subf %squeeze3A, %reduce_max3A_10 : vector<64x512xf32>
    %exp3A = math.exp %sub3A : vector<64x512xf32>
    %add3A = arith.addf %broadcast_in_dim3A_14, %exp3A : vector<64x512xf32>
    %eq3A = arith.constant 0 : i32
    %eq3A_17 = vector.broadcast %eq3A : i32 to vector<64x512xi32>
    %eq3A_18 = arith.cmpi eq, %select_n3A, %eq3A_17 : vector<64x512xi32>
    %slice3A_19 = vector.extract_strided_slice %get3A_4 {offsets = [0, 0, 0], sizes = [1, 64, 512], strides = [1, 1, 1]} : vector<19x64x512xf32> to vector<1x64x512xf32>
    %squeeze3A_20 = vector.shape_cast %slice3A_19 : vector<1x64x512xf32> to vector<64x512xf32>
    %jit3A_21 = arith.constant 0.000000e+00 : f32
    %broadcast_in_dim3A_22 = vector.broadcast %jit3A_21 : f32 to vector<64x512xf32>
    %select_n3A_23 = arith.select %eq3A_18, %squeeze3A_20, %broadcast_in_dim3A_22 : vector<64x512xi1>, vector<64x512xf32>
    %add3A_24 = arith.addf %broadcast_in_dim3A_16, %select_n3A_23 : vector<64x512xf32>
    %slice3A_25 = vector.extract_strided_slice %get3A_4 {offsets = [1, 0, 0], sizes = [1, 64, 512], strides = [1, 1, 1]} : vector<19x64x512xf32> to vector<1x64x512xf32>
    %squeeze3A_26 = vector.shape_cast %slice3A_25 : vector<1x64x512xf32> to vector<64x512xf32>
    %sub3A_27 = arith.subf %squeeze3A_26, %reduce_max3A_10 : vector<64x512xf32>
    %exp3A_28 = math.exp %sub3A_27 : vector<64x512xf32>
    %add3A_29 = arith.addf %add3A, %exp3A_28 : vector<64x512xf32>
    %eq3A_30 = arith.constant 1 : i32
    %eq3A_31 = vector.broadcast %eq3A_30 : i32 to vector<64x512xi32>
    %eq3A_32 = arith.cmpi eq, %select_n3A, %eq3A_31 : vector<64x512xi32>
    %slice3A_33 = vector.extract_strided_slice %get3A_4 {offsets = [1, 0, 0], sizes = [1, 64, 512], strides = [1, 1, 1]} : vector<19x64x512xf32> to vector<1x64x512xf32>
    %squeeze3A_34 = vector.shape_cast %slice3A_33 : vector<1x64x512xf32> to vector<64x512xf32>
    %jit3A_35 = arith.constant 0.000000e+00 : f32
    %broadcast_in_dim3A_36 = vector.broadcast %jit3A_35 : f32 to vector<64x512xf32>
    %select_n3A_37 = arith.select %eq3A_32, %squeeze3A_34, %broadcast_in_dim3A_36 : vector<64x512xi1>, vector<64x512xf32>
    %add3A_38 = arith.addf %add3A_24, %select_n3A_37 : vector<64x512xf32>
    %slice3A_39 = vector.extract_strided_slice %get3A_4 {offsets = [2, 0, 0], sizes = [1, 64, 512], strides = [1, 1, 1]} : vector<19x64x512xf32> to vector<1x64x512xf32>
    %squeeze3A_40 = vector.shape_cast %slice3A_39 : vector<1x64x512xf32> to vector<64x512xf32>
    %sub3A_41 = arith.subf %squeeze3A_40, %reduce_max3A_10 : vector<64x512xf32>
    %exp3A_42 = math.exp %sub3A_41 : vector<64x512xf32>
    %add3A_43 = arith.addf %add3A_29, %exp3A_42 : vector<64x512xf32>
    %eq3A_44 = arith.constant 2 : i32
    %eq3A_45 = vector.broadcast %eq3A_44 : i32 to vector<64x512xi32>
    %eq3A_46 = arith.cmpi eq, %select_n3A, %eq3A_45 : vector<64x512xi32>
    %slice3A_47 = vector.extract_strided_slice %get3A_4 {offsets = [2, 0, 0], sizes = [1, 64, 512], strides = [1, 1, 1]} : vector<19x64x512xf32> to vector<1x64x512xf32>
    %squeeze3A_48 = vector.shape_cast %slice3A_47 : vector<1x64x512xf32> to vector<64x512xf32>
    %jit3A_49 = arith.constant 0.000000e+00 : f32
    %broadcast_in_dim3A_50 = vector.broadcast %jit3A_49 : f32 to vector<64x512xf32>
    %select_n3A_51 = arith.select %eq3A_46, %squeeze3A_48, %broadcast_in_dim3A_50 : vector<64x512xi1>, vector<64x512xf32>
    %add3A_52 = arith.addf %add3A_38, %select_n3A_51 : vector<64x512xf32>
    %slice3A_53 = vector.extract_strided_slice %get3A_4 {offsets = [3, 0, 0], sizes = [1, 64, 512], strides = [1, 1, 1]} : vector<19x64x512xf32> to vector<1x64x512xf32>
    %squeeze3A_54 = vector.shape_cast %slice3A_53 : vector<1x64x512xf32> to vector<64x512xf32>
    %sub3A_55 = arith.subf %squeeze3A_54, %reduce_max3A_10 : vector<64x512xf32>
    %exp3A_56 = math.exp %sub3A_55 : vector<64x512xf32>
    %add3A_57 = arith.addf %add3A_43, %exp3A_56 : vector<64x512xf32>
    %eq3A_58 = arith.constant 3 : i32
    %eq3A_59 = vector.broadcast %eq3A_58 : i32 to vector<64x512xi32>
    %eq3A_60 = arith.cmpi eq, %select_n3A, %eq3A_59 : vector<64x512xi32>
    %slice3A_61 = vector.extract_strided_slice %get3A_4 {offsets = [3, 0, 0], sizes = [1, 64, 512], strides = [1, 1, 1]} : vector<19x64x512xf32> to vector<1x64x512xf32>
    %squeeze3A_62 = vector.shape_cast %slice3A_61 : vector<1x64x512xf32> to vector<64x512xf32>
    %jit3A_63 = arith.constant 0.000000e+00 : f32
    %broadcast_in_dim3A_64 = vector.broadcast %jit3A_63 : f32 to vector<64x512xf32>
    %select_n3A_65 = arith.select %eq3A_60, %squeeze3A_62, %broadcast_in_dim3A_64 : vector<64x512xi1>, vector<64x512xf32>
    %add3A_66 = arith.addf %add3A_52, %select_n3A_65 : vector<64x512xf32>
    %slice3A_67 = vector.extract_strided_slice %get3A_4 {offsets = [4, 0, 0], sizes = [1, 64, 512], strides = [1, 1, 1]} : vector<19x64x512xf32> to vector<1x64x512xf32>
    %squeeze3A_68 = vector.shape_cast %slice3A_67 : vector<1x64x512xf32> to vector<64x512xf32>
    %sub3A_69 = arith.subf %squeeze3A_68, %reduce_max3A_10 : vector<64x512xf32>
    %exp3A_70 = math.exp %sub3A_69 : vector<64x512xf32>
    %add3A_71 = arith.addf %add3A_57, %exp3A_70 : vector<64x512xf32>
    %eq3A_72 = arith.constant 4 : i32
    %eq3A_73 = vector.broadcast %eq3A_72 : i32 to vector<64x512xi32>
    %eq3A_74 = arith.cmpi eq, %select_n3A, %eq3A_73 : vector<64x512xi32>
    %slice3A_75 = vector.extract_strided_slice %get3A_4 {offsets = [4, 0, 0], sizes = [1, 64, 512], strides = [1, 1, 1]} : vector<19x64x512xf32> to vector<1x64x512xf32>
    %squeeze3A_76 = vector.shape_cast %slice3A_75 : vector<1x64x512xf32> to vector<64x512xf32>
    %jit3A_77 = arith.constant 0.000000e+00 : f32
    %broadcast_in_dim3A_78 = vector.broadcast %jit3A_77 : f32 to vector<64x512xf32>
    %select_n3A_79 = arith.select %eq3A_74, %squeeze3A_76, %broadcast_in_dim3A_78 : vector<64x512xi1>, vector<64x512xf32>
    %add3A_80 = arith.addf %add3A_66, %select_n3A_79 : vector<64x512xf32>
    %slice3A_81 = vector.extract_strided_slice %get3A_4 {offsets = [5, 0, 0], sizes = [1, 64, 512], strides = [1, 1, 1]} : vector<19x64x512xf32> to vector<1x64x512xf32>
    %squeeze3A_82 = vector.shape_cast %slice3A_81 : vector<1x64x512xf32> to vector<64x512xf32>
    %sub3A_83 = arith.subf %squeeze3A_82, %reduce_max3A_10 : vector<64x512xf32>
    %exp3A_84 = math.exp %sub3A_83 : vector<64x512xf32>
    %add3A_85 = arith.addf %add3A_71, %exp3A_84 : vector<64x512xf32>
    %eq3A_86 = arith.constant 5 : i32
    %eq3A_87 = vector.broadcast %eq3A_86 : i32 to vector<64x512xi32>
    %eq3A_88 = arith.cmpi eq, %select_n3A, %eq3A_87 : vector<64x512xi32>
    %slice3A_89 = vector.extract_strided_slice %get3A_4 {offsets = [5, 0, 0], sizes = [1, 64, 512], strides = [1, 1, 1]} : vector<19x64x512xf32> to vector<1x64x512xf32>
    %squeeze3A_90 = vector.shape_cast %slice3A_89 : vector<1x64x512xf32> to vector<64x512xf32>
    %jit3A_91 = arith.constant 0.000000e+00 : f32
    %broadcast_in_dim3A_92 = vector.broadcast %jit3A_91 : f32 to vector<64x512xf32>
    %select_n3A_93 = arith.select %eq3A_88, %squeeze3A_90, %broadcast_in_dim3A_92 : vector<64x512xi1>, vector<64x512xf32>
    %add3A_94 = arith.addf %add3A_80, %select_n3A_93 : vector<64x512xf32>
    %slice3A_95 = vector.extract_strided_slice %get3A_4 {offsets = [6, 0, 0], sizes = [1, 64, 512], strides = [1, 1, 1]} : vector<19x64x512xf32> to vector<1x64x512xf32>
    %squeeze3A_96 = vector.shape_cast %slice3A_95 : vector<1x64x512xf32> to vector<64x512xf32>
    %sub3A_97 = arith.subf %squeeze3A_96, %reduce_max3A_10 : vector<64x512xf32>
    %exp3A_98 = math.exp %sub3A_97 : vector<64x512xf32>
    %add3A_99 = arith.addf %add3A_85, %exp3A_98 : vector<64x512xf32>
    %eq3A_100 = arith.constant 6 : i32
    %eq3A_101 = vector.broadcast %eq3A_100 : i32 to vector<64x512xi32>
    %eq3A_102 = arith.cmpi eq, %select_n3A, %eq3A_101 : vector<64x512xi32>
    %slice3A_103 = vector.extract_strided_slice %get3A_4 {offsets = [6, 0, 0], sizes = [1, 64, 512], strides = [1, 1, 1]} : vector<19x64x512xf32> to vector<1x64x512xf32>
    %squeeze3A_104 = vector.shape_cast %slice3A_103 : vector<1x64x512xf32> to vector<64x512xf32>
    %jit3A_105 = arith.constant 0.000000e+00 : f32
    %broadcast_in_dim3A_106 = vector.broadcast %jit3A_105 : f32 to vector<64x512xf32>
    %select_n3A_107 = arith.select %eq3A_102, %squeeze3A_104, %broadcast_in_dim3A_106 : vector<64x512xi1>, vector<64x512xf32>
    %add3A_108 = arith.addf %add3A_94, %select_n3A_107 : vector<64x512xf32>
    %slice3A_109 = vector.extract_strided_slice %get3A_4 {offsets = [7, 0, 0], sizes = [1, 64, 512], strides = [1, 1, 1]} : vector<19x64x512xf32> to vector<1x64x512xf32>
    %squeeze3A_110 = vector.shape_cast %slice3A_109 : vector<1x64x512xf32> to vector<64x512xf32>
    %sub3A_111 = arith.subf %squeeze3A_110, %reduce_max3A_10 : vector<64x512xf32>
    %exp3A_112 = math.exp %sub3A_111 : vector<64x512xf32>
    %add3A_113 = arith.addf %add3A_99, %exp3A_112 : vector<64x512xf32>
    %eq3A_114 = arith.constant 7 : i32
    %eq3A_115 = vector.broadcast %eq3A_114 : i32 to vector<64x512xi32>
    %eq3A_116 = arith.cmpi eq, %select_n3A, %eq3A_115 : vector<64x512xi32>
    %slice3A_117 = vector.extract_strided_slice %get3A_4 {offsets = [7, 0, 0], sizes = [1, 64, 512], strides = [1, 1, 1]} : vector<19x64x512xf32> to vector<1x64x512xf32>
    %squeeze3A_118 = vector.shape_cast %slice3A_117 : vector<1x64x512xf32> to vector<64x512xf32>
    %jit3A_119 = arith.constant 0.000000e+00 : f32
    %broadcast_in_dim3A_120 = vector.broadcast %jit3A_119 : f32 to vector<64x512xf32>
    %select_n3A_121 = arith.select %eq3A_116, %squeeze3A_118, %broadcast_in_dim3A_120 : vector<64x512xi1>, vector<64x512xf32>
    %add3A_122 = arith.addf %add3A_108, %select_n3A_121 : vector<64x512xf32>
    %slice3A_123 = vector.extract_strided_slice %get3A_4 {offsets = [8, 0, 0], sizes = [1, 64, 512], strides = [1, 1, 1]} : vector<19x64x512xf32> to vector<1x64x512xf32>
    %squeeze3A_124 = vector.shape_cast %slice3A_123 : vector<1x64x512xf32> to vector<64x512xf32>
    %sub3A_125 = arith.subf %squeeze3A_124, %reduce_max3A_10 : vector<64x512xf32>
    %exp3A_126 = math.exp %sub3A_125 : vector<64x512xf32>
    %add3A_127 = arith.addf %add3A_113, %exp3A_126 : vector<64x512xf32>
    %eq3A_128 = arith.constant 8 : i32
    %eq3A_129 = vector.broadcast %eq3A_128 : i32 to vector<64x512xi32>
    %eq3A_130 = arith.cmpi eq, %select_n3A, %eq3A_129 : vector<64x512xi32>
    %slice3A_131 = vector.extract_strided_slice %get3A_4 {offsets = [8, 0, 0], sizes = [1, 64, 512], strides = [1, 1, 1]} : vector<19x64x512xf32> to vector<1x64x512xf32>
    %squeeze3A_132 = vector.shape_cast %slice3A_131 : vector<1x64x512xf32> to vector<64x512xf32>
    %jit3A_133 = arith.constant 0.000000e+00 : f32
    %broadcast_in_dim3A_134 = vector.broadcast %jit3A_133 : f32 to vector<64x512xf32>
    %select_n3A_135 = arith.select %eq3A_130, %squeeze3A_132, %broadcast_in_dim3A_134 : vector<64x512xi1>, vector<64x512xf32>
    %add3A_136 = arith.addf %add3A_122, %select_n3A_135 : vector<64x512xf32>
    %slice3A_137 = vector.extract_strided_slice %get3A_4 {offsets = [9, 0, 0], sizes = [1, 64, 512], strides = [1, 1, 1]} : vector<19x64x512xf32> to vector<1x64x512xf32>
    %squeeze3A_138 = vector.shape_cast %slice3A_137 : vector<1x64x512xf32> to vector<64x512xf32>
    %sub3A_139 = arith.subf %squeeze3A_138, %reduce_max3A_10 : vector<64x512xf32>
    %exp3A_140 = math.exp %sub3A_139 : vector<64x512xf32>
    %add3A_141 = arith.addf %add3A_127, %exp3A_140 : vector<64x512xf32>
    %eq3A_142 = arith.constant 9 : i32
    %eq3A_143 = vector.broadcast %eq3A_142 : i32 to vector<64x512xi32>
    %eq3A_144 = arith.cmpi eq, %select_n3A, %eq3A_143 : vector<64x512xi32>
    %slice3A_145 = vector.extract_strided_slice %get3A_4 {offsets = [9, 0, 0], sizes = [1, 64, 512], strides = [1, 1, 1]} : vector<19x64x512xf32> to vector<1x64x512xf32>
    %squeeze3A_146 = vector.shape_cast %slice3A_145 : vector<1x64x512xf32> to vector<64x512xf32>
    %jit3A_147 = arith.constant 0.000000e+00 : f32
    %broadcast_in_dim3A_148 = vector.broadcast %jit3A_147 : f32 to vector<64x512xf32>
    %select_n3A_149 = arith.select %eq3A_144, %squeeze3A_146, %broadcast_in_dim3A_148 : vector<64x512xi1>, vector<64x512xf32>
    %add3A_150 = arith.addf %add3A_136, %select_n3A_149 : vector<64x512xf32>
    %slice3A_151 = vector.extract_strided_slice %get3A_4 {offsets = [10, 0, 0], sizes = [1, 64, 512], strides = [1, 1, 1]} : vector<19x64x512xf32> to vector<1x64x512xf32>
    %squeeze3A_152 = vector.shape_cast %slice3A_151 : vector<1x64x512xf32> to vector<64x512xf32>
    %sub3A_153 = arith.subf %squeeze3A_152, %reduce_max3A_10 : vector<64x512xf32>
    %exp3A_154 = math.exp %sub3A_153 : vector<64x512xf32>
    %add3A_155 = arith.addf %add3A_141, %exp3A_154 : vector<64x512xf32>
    %eq3A_156 = arith.constant 10 : i32
    %eq3A_157 = vector.broadcast %eq3A_156 : i32 to vector<64x512xi32>
    %eq3A_158 = arith.cmpi eq, %select_n3A, %eq3A_157 : vector<64x512xi32>
    %slice3A_159 = vector.extract_strided_slice %get3A_4 {offsets = [10, 0, 0], sizes = [1, 64, 512], strides = [1, 1, 1]} : vector<19x64x512xf32> to vector<1x64x512xf32>
    %squeeze3A_160 = vector.shape_cast %slice3A_159 : vector<1x64x512xf32> to vector<64x512xf32>
    %jit3A_161 = arith.constant 0.000000e+00 : f32
    %broadcast_in_dim3A_162 = vector.broadcast %jit3A_161 : f32 to vector<64x512xf32>
    %select_n3A_163 = arith.select %eq3A_158, %squeeze3A_160, %broadcast_in_dim3A_162 : vector<64x512xi1>, vector<64x512xf32>
    %add3A_164 = arith.addf %add3A_150, %select_n3A_163 : vector<64x512xf32>
    %slice3A_165 = vector.extract_strided_slice %get3A_4 {offsets = [11, 0, 0], sizes = [1, 64, 512], strides = [1, 1, 1]} : vector<19x64x512xf32> to vector<1x64x512xf32>
    %squeeze3A_166 = vector.shape_cast %slice3A_165 : vector<1x64x512xf32> to vector<64x512xf32>
    %sub3A_167 = arith.subf %squeeze3A_166, %reduce_max3A_10 : vector<64x512xf32>
    %exp3A_168 = math.exp %sub3A_167 : vector<64x512xf32>
    %add3A_169 = arith.addf %add3A_155, %exp3A_168 : vector<64x512xf32>
    %eq3A_170 = arith.constant 11 : i32
    %eq3A_171 = vector.broadcast %eq3A_170 : i32 to vector<64x512xi32>
    %eq3A_172 = arith.cmpi eq, %select_n3A, %eq3A_171 : vector<64x512xi32>
    %slice3A_173 = vector.extract_strided_slice %get3A_4 {offsets = [11, 0, 0], sizes = [1, 64, 512], strides = [1, 1, 1]} : vector<19x64x512xf32> to vector<1x64x512xf32>
    %squeeze3A_174 = vector.shape_cast %slice3A_173 : vector<1x64x512xf32> to vector<64x512xf32>
    %jit3A_175 = arith.constant 0.000000e+00 : f32
    %broadcast_in_dim3A_176 = vector.broadcast %jit3A_175 : f32 to vector<64x512xf32>
    %select_n3A_177 = arith.select %eq3A_172, %squeeze3A_174, %broadcast_in_dim3A_176 : vector<64x512xi1>, vector<64x512xf32>
    %add3A_178 = arith.addf %add3A_164, %select_n3A_177 : vector<64x512xf32>
    %slice3A_179 = vector.extract_strided_slice %get3A_4 {offsets = [12, 0, 0], sizes = [1, 64, 512], strides = [1, 1, 1]} : vector<19x64x512xf32> to vector<1x64x512xf32>
    %squeeze3A_180 = vector.shape_cast %slice3A_179 : vector<1x64x512xf32> to vector<64x512xf32>
    %sub3A_181 = arith.subf %squeeze3A_180, %reduce_max3A_10 : vector<64x512xf32>
    %exp3A_182 = math.exp %sub3A_181 : vector<64x512xf32>
    %add3A_183 = arith.addf %add3A_169, %exp3A_182 : vector<64x512xf32>
    %eq3A_184 = arith.constant 12 : i32
    %eq3A_185 = vector.broadcast %eq3A_184 : i32 to vector<64x512xi32>
    %eq3A_186 = arith.cmpi eq, %select_n3A, %eq3A_185 : vector<64x512xi32>
    %slice3A_187 = vector.extract_strided_slice %get3A_4 {offsets = [12, 0, 0], sizes = [1, 64, 512], strides = [1, 1, 1]} : vector<19x64x512xf32> to vector<1x64x512xf32>
    %squeeze3A_188 = vector.shape_cast %slice3A_187 : vector<1x64x512xf32> to vector<64x512xf32>
    %jit3A_189 = arith.constant 0.000000e+00 : f32
    %broadcast_in_dim3A_190 = vector.broadcast %jit3A_189 : f32 to vector<64x512xf32>
    %select_n3A_191 = arith.select %eq3A_186, %squeeze3A_188, %broadcast_in_dim3A_190 : vector<64x512xi1>, vector<64x512xf32>
    %add3A_192 = arith.addf %add3A_178, %select_n3A_191 : vector<64x512xf32>
    %slice3A_193 = vector.extract_strided_slice %get3A_4 {offsets = [13, 0, 0], sizes = [1, 64, 512], strides = [1, 1, 1]} : vector<19x64x512xf32> to vector<1x64x512xf32>
    %squeeze3A_194 = vector.shape_cast %slice3A_193 : vector<1x64x512xf32> to vector<64x512xf32>
    %sub3A_195 = arith.subf %squeeze3A_194, %reduce_max3A_10 : vector<64x512xf32>
    %exp3A_196 = math.exp %sub3A_195 : vector<64x512xf32>
    %add3A_197 = arith.addf %add3A_183, %exp3A_196 : vector<64x512xf32>
    %eq3A_198 = arith.constant 13 : i32
    %eq3A_199 = vector.broadcast %eq3A_198 : i32 to vector<64x512xi32>
    %eq3A_200 = arith.cmpi eq, %select_n3A, %eq3A_199 : vector<64x512xi32>
    %slice3A_201 = vector.extract_strided_slice %get3A_4 {offsets = [13, 0, 0], sizes = [1, 64, 512], strides = [1, 1, 1]} : vector<19x64x512xf32> to vector<1x64x512xf32>
    %squeeze3A_202 = vector.shape_cast %slice3A_201 : vector<1x64x512xf32> to vector<64x512xf32>
    %jit3A_203 = arith.constant 0.000000e+00 : f32
    %broadcast_in_dim3A_204 = vector.broadcast %jit3A_203 : f32 to vector<64x512xf32>
    %select_n3A_205 = arith.select %eq3A_200, %squeeze3A_202, %broadcast_in_dim3A_204 : vector<64x512xi1>, vector<64x512xf32>
    %add3A_206 = arith.addf %add3A_192, %select_n3A_205 : vector<64x512xf32>
    %slice3A_207 = vector.extract_strided_slice %get3A_4 {offsets = [14, 0, 0], sizes = [1, 64, 512], strides = [1, 1, 1]} : vector<19x64x512xf32> to vector<1x64x512xf32>
    %squeeze3A_208 = vector.shape_cast %slice3A_207 : vector<1x64x512xf32> to vector<64x512xf32>
    %sub3A_209 = arith.subf %squeeze3A_208, %reduce_max3A_10 : vector<64x512xf32>
    %exp3A_210 = math.exp %sub3A_209 : vector<64x512xf32>
    %add3A_211 = arith.addf %add3A_197, %exp3A_210 : vector<64x512xf32>
    %eq3A_212 = arith.constant 14 : i32
    %eq3A_213 = vector.broadcast %eq3A_212 : i32 to vector<64x512xi32>
    %eq3A_214 = arith.cmpi eq, %select_n3A, %eq3A_213 : vector<64x512xi32>
    %slice3A_215 = vector.extract_strided_slice %get3A_4 {offsets = [14, 0, 0], sizes = [1, 64, 512], strides = [1, 1, 1]} : vector<19x64x512xf32> to vector<1x64x512xf32>
    %squeeze3A_216 = vector.shape_cast %slice3A_215 : vector<1x64x512xf32> to vector<64x512xf32>
    %jit3A_217 = arith.constant 0.000000e+00 : f32
    %broadcast_in_dim3A_218 = vector.broadcast %jit3A_217 : f32 to vector<64x512xf32>
    %select_n3A_219 = arith.select %eq3A_214, %squeeze3A_216, %broadcast_in_dim3A_218 : vector<64x512xi1>, vector<64x512xf32>
    %add3A_220 = arith.addf %add3A_206, %select_n3A_219 : vector<64x512xf32>
    %slice3A_221 = vector.extract_strided_slice %get3A_4 {offsets = [15, 0, 0], sizes = [1, 64, 512], strides = [1, 1, 1]} : vector<19x64x512xf32> to vector<1x64x512xf32>
    %squeeze3A_222 = vector.shape_cast %slice3A_221 : vector<1x64x512xf32> to vector<64x512xf32>
    %sub3A_223 = arith.subf %squeeze3A_222, %reduce_max3A_10 : vector<64x512xf32>
    %exp3A_224 = math.exp %sub3A_223 : vector<64x512xf32>
    %add3A_225 = arith.addf %add3A_211, %exp3A_224 : vector<64x512xf32>
    %eq3A_226 = arith.constant 15 : i32
    %eq3A_227 = vector.broadcast %eq3A_226 : i32 to vector<64x512xi32>
    %eq3A_228 = arith.cmpi eq, %select_n3A, %eq3A_227 : vector<64x512xi32>
    %slice3A_229 = vector.extract_strided_slice %get3A_4 {offsets = [15, 0, 0], sizes = [1, 64, 512], strides = [1, 1, 1]} : vector<19x64x512xf32> to vector<1x64x512xf32>
    %squeeze3A_230 = vector.shape_cast %slice3A_229 : vector<1x64x512xf32> to vector<64x512xf32>
    %jit3A_231 = arith.constant 0.000000e+00 : f32
    %broadcast_in_dim3A_232 = vector.broadcast %jit3A_231 : f32 to vector<64x512xf32>
    %select_n3A_233 = arith.select %eq3A_228, %squeeze3A_230, %broadcast_in_dim3A_232 : vector<64x512xi1>, vector<64x512xf32>
    %add3A_234 = arith.addf %add3A_220, %select_n3A_233 : vector<64x512xf32>
    %slice3A_235 = vector.extract_strided_slice %get3A_4 {offsets = [16, 0, 0], sizes = [1, 64, 512], strides = [1, 1, 1]} : vector<19x64x512xf32> to vector<1x64x512xf32>
    %squeeze3A_236 = vector.shape_cast %slice3A_235 : vector<1x64x512xf32> to vector<64x512xf32>
    %sub3A_237 = arith.subf %squeeze3A_236, %reduce_max3A_10 : vector<64x512xf32>
    %exp3A_238 = math.exp %sub3A_237 : vector<64x512xf32>
    %add3A_239 = arith.addf %add3A_225, %exp3A_238 : vector<64x512xf32>
    %eq3A_240 = arith.constant 16 : i32
    %eq3A_241 = vector.broadcast %eq3A_240 : i32 to vector<64x512xi32>
    %eq3A_242 = arith.cmpi eq, %select_n3A, %eq3A_241 : vector<64x512xi32>
    %slice3A_243 = vector.extract_strided_slice %get3A_4 {offsets = [16, 0, 0], sizes = [1, 64, 512], strides = [1, 1, 1]} : vector<19x64x512xf32> to vector<1x64x512xf32>
    %squeeze3A_244 = vector.shape_cast %slice3A_243 : vector<1x64x512xf32> to vector<64x512xf32>
    %jit3A_245 = arith.constant 0.000000e+00 : f32
    %broadcast_in_dim3A_246 = vector.broadcast %jit3A_245 : f32 to vector<64x512xf32>
    %select_n3A_247 = arith.select %eq3A_242, %squeeze3A_244, %broadcast_in_dim3A_246 : vector<64x512xi1>, vector<64x512xf32>
    %add3A_248 = arith.addf %add3A_234, %select_n3A_247 : vector<64x512xf32>
    %slice3A_249 = vector.extract_strided_slice %get3A_4 {offsets = [17, 0, 0], sizes = [1, 64, 512], strides = [1, 1, 1]} : vector<19x64x512xf32> to vector<1x64x512xf32>
    %squeeze3A_250 = vector.shape_cast %slice3A_249 : vector<1x64x512xf32> to vector<64x512xf32>
    %sub3A_251 = arith.subf %squeeze3A_250, %reduce_max3A_10 : vector<64x512xf32>
    %exp3A_252 = math.exp %sub3A_251 : vector<64x512xf32>
    %add3A_253 = arith.addf %add3A_239, %exp3A_252 : vector<64x512xf32>
    %eq3A_254 = arith.constant 17 : i32
    %eq3A_255 = vector.broadcast %eq3A_254 : i32 to vector<64x512xi32>
    %eq3A_256 = arith.cmpi eq, %select_n3A, %eq3A_255 : vector<64x512xi32>
    %slice3A_257 = vector.extract_strided_slice %get3A_4 {offsets = [17, 0, 0], sizes = [1, 64, 512], strides = [1, 1, 1]} : vector<19x64x512xf32> to vector<1x64x512xf32>
    %squeeze3A_258 = vector.shape_cast %slice3A_257 : vector<1x64x512xf32> to vector<64x512xf32>
    %jit3A_259 = arith.constant 0.000000e+00 : f32
    %broadcast_in_dim3A_260 = vector.broadcast %jit3A_259 : f32 to vector<64x512xf32>
    %select_n3A_261 = arith.select %eq3A_256, %squeeze3A_258, %broadcast_in_dim3A_260 : vector<64x512xi1>, vector<64x512xf32>
    %add3A_262 = arith.addf %add3A_248, %select_n3A_261 : vector<64x512xf32>
    %slice3A_263 = vector.extract_strided_slice %get3A_4 {offsets = [18, 0, 0], sizes = [1, 64, 512], strides = [1, 1, 1]} : vector<19x64x512xf32> to vector<1x64x512xf32>
    %squeeze3A_264 = vector.shape_cast %slice3A_263 : vector<1x64x512xf32> to vector<64x512xf32>
    %sub3A_265 = arith.subf %squeeze3A_264, %reduce_max3A_10 : vector<64x512xf32>
    %exp3A_266 = math.exp %sub3A_265 : vector<64x512xf32>
    %add3A_267 = arith.addf %add3A_253, %exp3A_266 : vector<64x512xf32>
    %eq3A_268 = arith.constant 18 : i32
    %eq3A_269 = vector.broadcast %eq3A_268 : i32 to vector<64x512xi32>
    %eq3A_270 = arith.cmpi eq, %select_n3A, %eq3A_269 : vector<64x512xi32>
    %slice3A_271 = vector.extract_strided_slice %get3A_4 {offsets = [18, 0, 0], sizes = [1, 64, 512], strides = [1, 1, 1]} : vector<19x64x512xf32> to vector<1x64x512xf32>
    %squeeze3A_272 = vector.shape_cast %slice3A_271 : vector<1x64x512xf32> to vector<64x512xf32>
    %jit3A_273 = arith.constant 0.000000e+00 : f32
    %broadcast_in_dim3A_274 = vector.broadcast %jit3A_273 : f32 to vector<64x512xf32>
    %select_n3A_275 = arith.select %eq3A_270, %squeeze3A_272, %broadcast_in_dim3A_274 : vector<64x512xi1>, vector<64x512xf32>
    %add3A_276 = arith.addf %add3A_262, %select_n3A_275 : vector<64x512xf32>
    %sub3A_277 = arith.subf %add3A_276, %reduce_max3A_10 : vector<64x512xf32>
    %log3A = math.log %add3A_267 : vector<64x512xf32>
    %sub3A_278 = arith.subf %sub3A_277, %log3A : vector<64x512xf32>
    %neg3A = arith.constant 0.000000e+00 : f32
    %neg3A_279 = vector.broadcast %neg3A : f32 to vector<64x512xf32>
    %neg3A_280 = arith.subf %neg3A_279, %sub3A_278 : vector<64x512xf32>
    %jit3A_281 = arith.constant 0.000000e+00 : f32
    %broadcast_in_dim3A_282 = vector.broadcast %jit3A_281 : f32 to vector<64x512xf32>
    %select_n3A_283 = arith.select %ne3A_12, %neg3A_280, %broadcast_in_dim3A_282 : vector<64x512xi1>, vector<64x512xf32>
    %exp3A_284 = math.exp %sub3A_278 : vector<64x512xf32>
    %jit3A_285 = arith.constant 0x7F800000 : f32
    %broadcast_in_dim3A_286 = vector.broadcast %jit3A_285 : f32 to vector<64x512xf32>
    %select_n3A_287 = arith.select %ne3A_12, %exp3A_284, %broadcast_in_dim3A_286 : vector<64x512xi1>, vector<64x512xf32>
    %swap3A = arith.constant 0 : index
    %swap3A_288 = arith.constant 0 : index
    %swap3A_289 = arith.constant 0 : index
    %swap3A_290 = vector.load %arg4[%swap3A, %swap3A_288, %swap3A_289] : memref<1x64x512xf32, #tpu.memory_space<vmem>>, vector<1x64x512xf32>
    %swap3A_291 = vector.shape_cast %swap3A_290 : vector<1x64x512xf32> to vector<64x512xf32>
    %swap3A_292 = vector.shape_cast %select_n3A_287 : vector<64x512xf32> to vector<1x64x512xf32>
    tpu.vector_store %arg4[%swap3A, %swap3A_288, %swap3A_289], %swap3A_292 {strides = array<i32>} : memref<1x64x512xf32, #tpu.memory_space<vmem>>, vector<1x64x512xf32>,
    %swap3A_293 = arith.constant 0 : index
    %swap3A_294 = arith.constant 0 : index
    %swap3A_295 = arith.constant 0 : index
    %swap3A_296 = vector.load %arg5[%swap3A_293, %swap3A_294, %swap3A_295] : memref<1x64x512xf32, #tpu.memory_space<vmem>>, vector<1x64x512xf32>
    %swap3A_297 = vector.shape_cast %swap3A_296 : vector<1x64x512xf32> to vector<64x512xf32>
    %swap3A_298 = vector.shape_cast %select_n3A_283 : vector<64x512xf32> to vector<1x64x512xf32>
    tpu.vector_store %arg5[%swap3A_293, %swap3A_294, %swap3A_295], %swap3A_298 {strides = array<i32>} : memref<1x64x512xf32, #tpu.memory_space<vmem>>, vector<1x64x512xf32>,
    return
  }
  func.func @transform_0(%arg0: i32, %arg1: i32) -> (i32, i32, i32, i32) {
    %c0_i32 = arith.constant 0 : i32
    %c0_i32_0 = arith.constant 0 : i32
    %c0_i32_1 = arith.constant 0 : i32
    return %arg0, %c0_i32, %arg1, %c0_i32_0 : i32, i32, i32, i32
  }
  func.func @transform_1(%arg0: i32, %arg1: i32) -> (i32, i32, i32) {
    %c0_i32 = arith.constant 0 : i32
    %c0_i32_0 = arith.constant 0 : i32
    return %arg0, %arg1, %c0_i32 : i32, i32, i32
  }
  func.func @transform_2(%arg0: i32, %arg1: i32) -> (i32, i32, i32) {
    %c0_i32 = arith.constant 0 : i32
    %c0_i32_0 = arith.constant 0 : i32
    return %arg0, %arg1, %c0_i32 : i32, i32, i32
  }
  func.func @transform_3(%arg0: i32, %arg1: i32) -> (i32, i32, i32) {
    %c0_i32 = arith.constant 0 : i32
    %c0_i32_0 = arith.constant 0 : i32
    return %arg0, %arg1, %c0_i32 : i32, i32, i32
  }
}

module attributes {stable_mosaic.version = 14 : i64} {
  func.func @_ce_stats_body(%arg0: i32, %arg1: i32, %arg2: memref<1x19x64x512xf32, #tpu.memory_space<vmem>>, %arg3: memref<1x64x512xi32, #tpu.memory_space<vmem>>, %arg4: memref<1x1xi32, #tpu.memory_space<smem>>, %arg5: memref<1x1xi32, #tpu.memory_space<smem>>, %arg6: memref<1x1xf32, #tpu.memory_space<smem>>, %arg7: memref<1x1xf32, #tpu.memory_space<smem>>, %arg8: memref<1x1xi32, #tpu.memory_space<smem>>) attributes {dimension_semantics = [#tpu.dimension_semantics<arbitrary>, #tpu.dimension_semantics<arbitrary>], iteration_bounds = array<i64: 8, 8>, scalar_prefetch = 0 : i64, scratch_operands = 2 : i64, tpu.core_type = #tpu.core_type<tc>, window_params = [{transform_indices = @transform_0, window_bounds = array<i64: 1, 19, 64, 512>}, {transform_indices = @transform_1, window_bounds = array<i64: 1, 64, 512>}, {transform_indices = @transform_2, window_bounds = array<i64: 1, 1>}, {transform_indices = @transform_3, window_bounds = array<i64: 1, 1>}, {transform_indices = @transform_4, window_bounds = array<i64: 1, 1>}]} {
    %get3A = arith.constant 0 : index
    %get3A_0 = arith.constant 0 : index
    %get3A_1 = arith.constant 0 : index
    %get3A_2 = arith.constant 0 : index
    %get3A_3 = vector.load %arg2[%get3A, %get3A_0, %get3A_1, %get3A_2] : memref<1x19x64x512xf32, #tpu.memory_space<vmem>>, vector<1x19x64x512xf32>
    %get3A_4 = vector.shape_cast %get3A_3 : vector<1x19x64x512xf32> to vector<19x64x512xf32>
    %get3A_5 = arith.constant 0 : index
    %get3A_6 = arith.constant 0 : index
    %get3A_7 = arith.constant 0 : index
    %get3A_8 = vector.load %arg3[%get3A_5, %get3A_6, %get3A_7] : memref<1x64x512xi32, #tpu.memory_space<vmem>>, vector<1x64x512xi32>
    %get3A_9 = vector.shape_cast %get3A_8 : vector<1x64x512xi32> to vector<64x512xi32>
    %reduce_max3A = arith.constant dense<0xFF800000> : vector<64x512xf32>
    %reduce_max3A_10 = vector.multi_reduction <maximumf>, %get3A_4, %reduce_max3A [0] : vector<19x64x512xf32> to vector<64x512xf32>
    %ne3A = arith.constant 255 : i32
    %ne3A_11 = vector.broadcast %ne3A : i32 to vector<64x512xi32>
    %ne3A_12 = arith.cmpi ne, %get3A_9, %ne3A_11 : vector<64x512xi32>
    %jit3A = arith.constant 0 : i32
    %broadcast_in_dim3A = vector.broadcast %jit3A : i32 to vector<64x512xi32>
    %select_n3A = arith.select %ne3A_12, %get3A_9, %broadcast_in_dim3A : vector<64x512xi1>, vector<64x512xi32>
    %broadcast_in_dim3A_13 = arith.constant 0.000000e+00 : f32
    %broadcast_in_dim3A_14 = vector.broadcast %broadcast_in_dim3A_13 : f32 to vector<64x512xf32>
    %broadcast_in_dim3A_15 = arith.constant 0.000000e+00 : f32
    %broadcast_in_dim3A_16 = vector.broadcast %broadcast_in_dim3A_15 : f32 to vector<64x512xf32>
    %slice3A = vector.extract_strided_slice %get3A_4 {offsets = [0, 0, 0], sizes = [1, 64, 512], strides = [1, 1, 1]} : vector<19x64x512xf32> to vector<1x64x512xf32>
    %squeeze3A = vector.shape_cast %slice3A : vector<1x64x512xf32> to vector<64x512xf32>
    %sub3A = arith.subf %squeeze3A, %reduce_max3A_10 : vector<64x512xf32>
    %exp3A = math.exp %sub3A : vector<64x512xf32>
    %add3A = arith.addf %broadcast_in_dim3A_14, %exp3A : vector<64x512xf32>
    %eq3A = arith.constant 0 : i32
    %eq3A_17 = vector.broadcast %eq3A : i32 to vector<64x512xi32>
    %eq3A_18 = arith.cmpi eq, %select_n3A, %eq3A_17 : vector<64x512xi32>
    %slice3A_19 = vector.extract_strided_slice %get3A_4 {offsets = [0, 0, 0], sizes = [1, 64, 512], strides = [1, 1, 1]} : vector<19x64x512xf32> to vector<1x64x512xf32>
    %squeeze3A_20 = vector.shape_cast %slice3A_19 : vector<1x64x512xf32> to vector<64x512xf32>
    %jit3A_21 = arith.constant 0.000000e+00 : f32
    %broadcast_in_dim3A_22 = vector.broadcast %jit3A_21 : f32 to vector<64x512xf32>
    %select_n3A_23 = arith.select %eq3A_18, %squeeze3A_20, %broadcast_in_dim3A_22 : vector<64x512xi1>, vector<64x512xf32>
    %add3A_24 = arith.addf %broadcast_in_dim3A_16, %select_n3A_23 : vector<64x512xf32>
    %slice3A_25 = vector.extract_strided_slice %get3A_4 {offsets = [1, 0, 0], sizes = [1, 64, 512], strides = [1, 1, 1]} : vector<19x64x512xf32> to vector<1x64x512xf32>
    %squeeze3A_26 = vector.shape_cast %slice3A_25 : vector<1x64x512xf32> to vector<64x512xf32>
    %sub3A_27 = arith.subf %squeeze3A_26, %reduce_max3A_10 : vector<64x512xf32>
    %exp3A_28 = math.exp %sub3A_27 : vector<64x512xf32>
    %add3A_29 = arith.addf %add3A, %exp3A_28 : vector<64x512xf32>
    %eq3A_30 = arith.constant 1 : i32
    %eq3A_31 = vector.broadcast %eq3A_30 : i32 to vector<64x512xi32>
    %eq3A_32 = arith.cmpi eq, %select_n3A, %eq3A_31 : vector<64x512xi32>
    %slice3A_33 = vector.extract_strided_slice %get3A_4 {offsets = [1, 0, 0], sizes = [1, 64, 512], strides = [1, 1, 1]} : vector<19x64x512xf32> to vector<1x64x512xf32>
    %squeeze3A_34 = vector.shape_cast %slice3A_33 : vector<1x64x512xf32> to vector<64x512xf32>
    %jit3A_35 = arith.constant 0.000000e+00 : f32
    %broadcast_in_dim3A_36 = vector.broadcast %jit3A_35 : f32 to vector<64x512xf32>
    %select_n3A_37 = arith.select %eq3A_32, %squeeze3A_34, %broadcast_in_dim3A_36 : vector<64x512xi1>, vector<64x512xf32>
    %add3A_38 = arith.addf %add3A_24, %select_n3A_37 : vector<64x512xf32>
    %slice3A_39 = vector.extract_strided_slice %get3A_4 {offsets = [2, 0, 0], sizes = [1, 64, 512], strides = [1, 1, 1]} : vector<19x64x512xf32> to vector<1x64x512xf32>
    %squeeze3A_40 = vector.shape_cast %slice3A_39 : vector<1x64x512xf32> to vector<64x512xf32>
    %sub3A_41 = arith.subf %squeeze3A_40, %reduce_max3A_10 : vector<64x512xf32>
    %exp3A_42 = math.exp %sub3A_41 : vector<64x512xf32>
    %add3A_43 = arith.addf %add3A_29, %exp3A_42 : vector<64x512xf32>
    %eq3A_44 = arith.constant 2 : i32
    %eq3A_45 = vector.broadcast %eq3A_44 : i32 to vector<64x512xi32>
    %eq3A_46 = arith.cmpi eq, %select_n3A, %eq3A_45 : vector<64x512xi32>
    %slice3A_47 = vector.extract_strided_slice %get3A_4 {offsets = [2, 0, 0], sizes = [1, 64, 512], strides = [1, 1, 1]} : vector<19x64x512xf32> to vector<1x64x512xf32>
    %squeeze3A_48 = vector.shape_cast %slice3A_47 : vector<1x64x512xf32> to vector<64x512xf32>
    %jit3A_49 = arith.constant 0.000000e+00 : f32
    %broadcast_in_dim3A_50 = vector.broadcast %jit3A_49 : f32 to vector<64x512xf32>
    %select_n3A_51 = arith.select %eq3A_46, %squeeze3A_48, %broadcast_in_dim3A_50 : vector<64x512xi1>, vector<64x512xf32>
    %add3A_52 = arith.addf %add3A_38, %select_n3A_51 : vector<64x512xf32>
    %slice3A_53 = vector.extract_strided_slice %get3A_4 {offsets = [3, 0, 0], sizes = [1, 64, 512], strides = [1, 1, 1]} : vector<19x64x512xf32> to vector<1x64x512xf32>
    %squeeze3A_54 = vector.shape_cast %slice3A_53 : vector<1x64x512xf32> to vector<64x512xf32>
    %sub3A_55 = arith.subf %squeeze3A_54, %reduce_max3A_10 : vector<64x512xf32>
    %exp3A_56 = math.exp %sub3A_55 : vector<64x512xf32>
    %add3A_57 = arith.addf %add3A_43, %exp3A_56 : vector<64x512xf32>
    %eq3A_58 = arith.constant 3 : i32
    %eq3A_59 = vector.broadcast %eq3A_58 : i32 to vector<64x512xi32>
    %eq3A_60 = arith.cmpi eq, %select_n3A, %eq3A_59 : vector<64x512xi32>
    %slice3A_61 = vector.extract_strided_slice %get3A_4 {offsets = [3, 0, 0], sizes = [1, 64, 512], strides = [1, 1, 1]} : vector<19x64x512xf32> to vector<1x64x512xf32>
    %squeeze3A_62 = vector.shape_cast %slice3A_61 : vector<1x64x512xf32> to vector<64x512xf32>
    %jit3A_63 = arith.constant 0.000000e+00 : f32
    %broadcast_in_dim3A_64 = vector.broadcast %jit3A_63 : f32 to vector<64x512xf32>
    %select_n3A_65 = arith.select %eq3A_60, %squeeze3A_62, %broadcast_in_dim3A_64 : vector<64x512xi1>, vector<64x512xf32>
    %add3A_66 = arith.addf %add3A_52, %select_n3A_65 : vector<64x512xf32>
    %slice3A_67 = vector.extract_strided_slice %get3A_4 {offsets = [4, 0, 0], sizes = [1, 64, 512], strides = [1, 1, 1]} : vector<19x64x512xf32> to vector<1x64x512xf32>
    %squeeze3A_68 = vector.shape_cast %slice3A_67 : vector<1x64x512xf32> to vector<64x512xf32>
    %sub3A_69 = arith.subf %squeeze3A_68, %reduce_max3A_10 : vector<64x512xf32>
    %exp3A_70 = math.exp %sub3A_69 : vector<64x512xf32>
    %add3A_71 = arith.addf %add3A_57, %exp3A_70 : vector<64x512xf32>
    %eq3A_72 = arith.constant 4 : i32
    %eq3A_73 = vector.broadcast %eq3A_72 : i32 to vector<64x512xi32>
    %eq3A_74 = arith.cmpi eq, %select_n3A, %eq3A_73 : vector<64x512xi32>
    %slice3A_75 = vector.extract_strided_slice %get3A_4 {offsets = [4, 0, 0], sizes = [1, 64, 512], strides = [1, 1, 1]} : vector<19x64x512xf32> to vector<1x64x512xf32>
    %squeeze3A_76 = vector.shape_cast %slice3A_75 : vector<1x64x512xf32> to vector<64x512xf32>
    %jit3A_77 = arith.constant 0.000000e+00 : f32
    %broadcast_in_dim3A_78 = vector.broadcast %jit3A_77 : f32 to vector<64x512xf32>
    %select_n3A_79 = arith.select %eq3A_74, %squeeze3A_76, %broadcast_in_dim3A_78 : vector<64x512xi1>, vector<64x512xf32>
    %add3A_80 = arith.addf %add3A_66, %select_n3A_79 : vector<64x512xf32>
    %slice3A_81 = vector.extract_strided_slice %get3A_4 {offsets = [5, 0, 0], sizes = [1, 64, 512], strides = [1, 1, 1]} : vector<19x64x512xf32> to vector<1x64x512xf32>
    %squeeze3A_82 = vector.shape_cast %slice3A_81 : vector<1x64x512xf32> to vector<64x512xf32>
    %sub3A_83 = arith.subf %squeeze3A_82, %reduce_max3A_10 : vector<64x512xf32>
    %exp3A_84 = math.exp %sub3A_83 : vector<64x512xf32>
    %add3A_85 = arith.addf %add3A_71, %exp3A_84 : vector<64x512xf32>
    %eq3A_86 = arith.constant 5 : i32
    %eq3A_87 = vector.broadcast %eq3A_86 : i32 to vector<64x512xi32>
    %eq3A_88 = arith.cmpi eq, %select_n3A, %eq3A_87 : vector<64x512xi32>
    %slice3A_89 = vector.extract_strided_slice %get3A_4 {offsets = [5, 0, 0], sizes = [1, 64, 512], strides = [1, 1, 1]} : vector<19x64x512xf32> to vector<1x64x512xf32>
    %squeeze3A_90 = vector.shape_cast %slice3A_89 : vector<1x64x512xf32> to vector<64x512xf32>
    %jit3A_91 = arith.constant 0.000000e+00 : f32
    %broadcast_in_dim3A_92 = vector.broadcast %jit3A_91 : f32 to vector<64x512xf32>
    %select_n3A_93 = arith.select %eq3A_88, %squeeze3A_90, %broadcast_in_dim3A_92 : vector<64x512xi1>, vector<64x512xf32>
    %add3A_94 = arith.addf %add3A_80, %select_n3A_93 : vector<64x512xf32>
    %slice3A_95 = vector.extract_strided_slice %get3A_4 {offsets = [6, 0, 0], sizes = [1, 64, 512], strides = [1, 1, 1]} : vector<19x64x512xf32> to vector<1x64x512xf32>
    %squeeze3A_96 = vector.shape_cast %slice3A_95 : vector<1x64x512xf32> to vector<64x512xf32>
    %sub3A_97 = arith.subf %squeeze3A_96, %reduce_max3A_10 : vector<64x512xf32>
    %exp3A_98 = math.exp %sub3A_97 : vector<64x512xf32>
    %add3A_99 = arith.addf %add3A_85, %exp3A_98 : vector<64x512xf32>
    %eq3A_100 = arith.constant 6 : i32
    %eq3A_101 = vector.broadcast %eq3A_100 : i32 to vector<64x512xi32>
    %eq3A_102 = arith.cmpi eq, %select_n3A, %eq3A_101 : vector<64x512xi32>
    %slice3A_103 = vector.extract_strided_slice %get3A_4 {offsets = [6, 0, 0], sizes = [1, 64, 512], strides = [1, 1, 1]} : vector<19x64x512xf32> to vector<1x64x512xf32>
    %squeeze3A_104 = vector.shape_cast %slice3A_103 : vector<1x64x512xf32> to vector<64x512xf32>
    %jit3A_105 = arith.constant 0.000000e+00 : f32
    %broadcast_in_dim3A_106 = vector.broadcast %jit3A_105 : f32 to vector<64x512xf32>
    %select_n3A_107 = arith.select %eq3A_102, %squeeze3A_104, %broadcast_in_dim3A_106 : vector<64x512xi1>, vector<64x512xf32>
    %add3A_108 = arith.addf %add3A_94, %select_n3A_107 : vector<64x512xf32>
    %slice3A_109 = vector.extract_strided_slice %get3A_4 {offsets = [7, 0, 0], sizes = [1, 64, 512], strides = [1, 1, 1]} : vector<19x64x512xf32> to vector<1x64x512xf32>
    %squeeze3A_110 = vector.shape_cast %slice3A_109 : vector<1x64x512xf32> to vector<64x512xf32>
    %sub3A_111 = arith.subf %squeeze3A_110, %reduce_max3A_10 : vector<64x512xf32>
    %exp3A_112 = math.exp %sub3A_111 : vector<64x512xf32>
    %add3A_113 = arith.addf %add3A_99, %exp3A_112 : vector<64x512xf32>
    %eq3A_114 = arith.constant 7 : i32
    %eq3A_115 = vector.broadcast %eq3A_114 : i32 to vector<64x512xi32>
    %eq3A_116 = arith.cmpi eq, %select_n3A, %eq3A_115 : vector<64x512xi32>
    %slice3A_117 = vector.extract_strided_slice %get3A_4 {offsets = [7, 0, 0], sizes = [1, 64, 512], strides = [1, 1, 1]} : vector<19x64x512xf32> to vector<1x64x512xf32>
    %squeeze3A_118 = vector.shape_cast %slice3A_117 : vector<1x64x512xf32> to vector<64x512xf32>
    %jit3A_119 = arith.constant 0.000000e+00 : f32
    %broadcast_in_dim3A_120 = vector.broadcast %jit3A_119 : f32 to vector<64x512xf32>
    %select_n3A_121 = arith.select %eq3A_116, %squeeze3A_118, %broadcast_in_dim3A_120 : vector<64x512xi1>, vector<64x512xf32>
    %add3A_122 = arith.addf %add3A_108, %select_n3A_121 : vector<64x512xf32>
    %slice3A_123 = vector.extract_strided_slice %get3A_4 {offsets = [8, 0, 0], sizes = [1, 64, 512], strides = [1, 1, 1]} : vector<19x64x512xf32> to vector<1x64x512xf32>
    %squeeze3A_124 = vector.shape_cast %slice3A_123 : vector<1x64x512xf32> to vector<64x512xf32>
    %sub3A_125 = arith.subf %squeeze3A_124, %reduce_max3A_10 : vector<64x512xf32>
    %exp3A_126 = math.exp %sub3A_125 : vector<64x512xf32>
    %add3A_127 = arith.addf %add3A_113, %exp3A_126 : vector<64x512xf32>
    %eq3A_128 = arith.constant 8 : i32
    %eq3A_129 = vector.broadcast %eq3A_128 : i32 to vector<64x512xi32>
    %eq3A_130 = arith.cmpi eq, %select_n3A, %eq3A_129 : vector<64x512xi32>
    %slice3A_131 = vector.extract_strided_slice %get3A_4 {offsets = [8, 0, 0], sizes = [1, 64, 512], strides = [1, 1, 1]} : vector<19x64x512xf32> to vector<1x64x512xf32>
    %squeeze3A_132 = vector.shape_cast %slice3A_131 : vector<1x64x512xf32> to vector<64x512xf32>
    %jit3A_133 = arith.constant 0.000000e+00 : f32
    %broadcast_in_dim3A_134 = vector.broadcast %jit3A_133 : f32 to vector<64x512xf32>
    %select_n3A_135 = arith.select %eq3A_130, %squeeze3A_132, %broadcast_in_dim3A_134 : vector<64x512xi1>, vector<64x512xf32>
    %add3A_136 = arith.addf %add3A_122, %select_n3A_135 : vector<64x512xf32>
    %slice3A_137 = vector.extract_strided_slice %get3A_4 {offsets = [9, 0, 0], sizes = [1, 64, 512], strides = [1, 1, 1]} : vector<19x64x512xf32> to vector<1x64x512xf32>
    %squeeze3A_138 = vector.shape_cast %slice3A_137 : vector<1x64x512xf32> to vector<64x512xf32>
    %sub3A_139 = arith.subf %squeeze3A_138, %reduce_max3A_10 : vector<64x512xf32>
    %exp3A_140 = math.exp %sub3A_139 : vector<64x512xf32>
    %add3A_141 = arith.addf %add3A_127, %exp3A_140 : vector<64x512xf32>
    %eq3A_142 = arith.constant 9 : i32
    %eq3A_143 = vector.broadcast %eq3A_142 : i32 to vector<64x512xi32>
    %eq3A_144 = arith.cmpi eq, %select_n3A, %eq3A_143 : vector<64x512xi32>
    %slice3A_145 = vector.extract_strided_slice %get3A_4 {offsets = [9, 0, 0], sizes = [1, 64, 512], strides = [1, 1, 1]} : vector<19x64x512xf32> to vector<1x64x512xf32>
    %squeeze3A_146 = vector.shape_cast %slice3A_145 : vector<1x64x512xf32> to vector<64x512xf32>
    %jit3A_147 = arith.constant 0.000000e+00 : f32
    %broadcast_in_dim3A_148 = vector.broadcast %jit3A_147 : f32 to vector<64x512xf32>
    %select_n3A_149 = arith.select %eq3A_144, %squeeze3A_146, %broadcast_in_dim3A_148 : vector<64x512xi1>, vector<64x512xf32>
    %add3A_150 = arith.addf %add3A_136, %select_n3A_149 : vector<64x512xf32>
    %slice3A_151 = vector.extract_strided_slice %get3A_4 {offsets = [10, 0, 0], sizes = [1, 64, 512], strides = [1, 1, 1]} : vector<19x64x512xf32> to vector<1x64x512xf32>
    %squeeze3A_152 = vector.shape_cast %slice3A_151 : vector<1x64x512xf32> to vector<64x512xf32>
    %sub3A_153 = arith.subf %squeeze3A_152, %reduce_max3A_10 : vector<64x512xf32>
    %exp3A_154 = math.exp %sub3A_153 : vector<64x512xf32>
    %add3A_155 = arith.addf %add3A_141, %exp3A_154 : vector<64x512xf32>
    %eq3A_156 = arith.constant 10 : i32
    %eq3A_157 = vector.broadcast %eq3A_156 : i32 to vector<64x512xi32>
    %eq3A_158 = arith.cmpi eq, %select_n3A, %eq3A_157 : vector<64x512xi32>
    %slice3A_159 = vector.extract_strided_slice %get3A_4 {offsets = [10, 0, 0], sizes = [1, 64, 512], strides = [1, 1, 1]} : vector<19x64x512xf32> to vector<1x64x512xf32>
    %squeeze3A_160 = vector.shape_cast %slice3A_159 : vector<1x64x512xf32> to vector<64x512xf32>
    %jit3A_161 = arith.constant 0.000000e+00 : f32
    %broadcast_in_dim3A_162 = vector.broadcast %jit3A_161 : f32 to vector<64x512xf32>
    %select_n3A_163 = arith.select %eq3A_158, %squeeze3A_160, %broadcast_in_dim3A_162 : vector<64x512xi1>, vector<64x512xf32>
    %add3A_164 = arith.addf %add3A_150, %select_n3A_163 : vector<64x512xf32>
    %slice3A_165 = vector.extract_strided_slice %get3A_4 {offsets = [11, 0, 0], sizes = [1, 64, 512], strides = [1, 1, 1]} : vector<19x64x512xf32> to vector<1x64x512xf32>
    %squeeze3A_166 = vector.shape_cast %slice3A_165 : vector<1x64x512xf32> to vector<64x512xf32>
    %sub3A_167 = arith.subf %squeeze3A_166, %reduce_max3A_10 : vector<64x512xf32>
    %exp3A_168 = math.exp %sub3A_167 : vector<64x512xf32>
    %add3A_169 = arith.addf %add3A_155, %exp3A_168 : vector<64x512xf32>
    %eq3A_170 = arith.constant 11 : i32
    %eq3A_171 = vector.broadcast %eq3A_170 : i32 to vector<64x512xi32>
    %eq3A_172 = arith.cmpi eq, %select_n3A, %eq3A_171 : vector<64x512xi32>
    %slice3A_173 = vector.extract_strided_slice %get3A_4 {offsets = [11, 0, 0], sizes = [1, 64, 512], strides = [1, 1, 1]} : vector<19x64x512xf32> to vector<1x64x512xf32>
    %squeeze3A_174 = vector.shape_cast %slice3A_173 : vector<1x64x512xf32> to vector<64x512xf32>
    %jit3A_175 = arith.constant 0.000000e+00 : f32
    %broadcast_in_dim3A_176 = vector.broadcast %jit3A_175 : f32 to vector<64x512xf32>
    %select_n3A_177 = arith.select %eq3A_172, %squeeze3A_174, %broadcast_in_dim3A_176 : vector<64x512xi1>, vector<64x512xf32>
    %add3A_178 = arith.addf %add3A_164, %select_n3A_177 : vector<64x512xf32>
    %slice3A_179 = vector.extract_strided_slice %get3A_4 {offsets = [12, 0, 0], sizes = [1, 64, 512], strides = [1, 1, 1]} : vector<19x64x512xf32> to vector<1x64x512xf32>
    %squeeze3A_180 = vector.shape_cast %slice3A_179 : vector<1x64x512xf32> to vector<64x512xf32>
    %sub3A_181 = arith.subf %squeeze3A_180, %reduce_max3A_10 : vector<64x512xf32>
    %exp3A_182 = math.exp %sub3A_181 : vector<64x512xf32>
    %add3A_183 = arith.addf %add3A_169, %exp3A_182 : vector<64x512xf32>
    %eq3A_184 = arith.constant 12 : i32
    %eq3A_185 = vector.broadcast %eq3A_184 : i32 to vector<64x512xi32>
    %eq3A_186 = arith.cmpi eq, %select_n3A, %eq3A_185 : vector<64x512xi32>
    %slice3A_187 = vector.extract_strided_slice %get3A_4 {offsets = [12, 0, 0], sizes = [1, 64, 512], strides = [1, 1, 1]} : vector<19x64x512xf32> to vector<1x64x512xf32>
    %squeeze3A_188 = vector.shape_cast %slice3A_187 : vector<1x64x512xf32> to vector<64x512xf32>
    %jit3A_189 = arith.constant 0.000000e+00 : f32
    %broadcast_in_dim3A_190 = vector.broadcast %jit3A_189 : f32 to vector<64x512xf32>
    %select_n3A_191 = arith.select %eq3A_186, %squeeze3A_188, %broadcast_in_dim3A_190 : vector<64x512xi1>, vector<64x512xf32>
    %add3A_192 = arith.addf %add3A_178, %select_n3A_191 : vector<64x512xf32>
    %slice3A_193 = vector.extract_strided_slice %get3A_4 {offsets = [13, 0, 0], sizes = [1, 64, 512], strides = [1, 1, 1]} : vector<19x64x512xf32> to vector<1x64x512xf32>
    %squeeze3A_194 = vector.shape_cast %slice3A_193 : vector<1x64x512xf32> to vector<64x512xf32>
    %sub3A_195 = arith.subf %squeeze3A_194, %reduce_max3A_10 : vector<64x512xf32>
    %exp3A_196 = math.exp %sub3A_195 : vector<64x512xf32>
    %add3A_197 = arith.addf %add3A_183, %exp3A_196 : vector<64x512xf32>
    %eq3A_198 = arith.constant 13 : i32
    %eq3A_199 = vector.broadcast %eq3A_198 : i32 to vector<64x512xi32>
    %eq3A_200 = arith.cmpi eq, %select_n3A, %eq3A_199 : vector<64x512xi32>
    %slice3A_201 = vector.extract_strided_slice %get3A_4 {offsets = [13, 0, 0], sizes = [1, 64, 512], strides = [1, 1, 1]} : vector<19x64x512xf32> to vector<1x64x512xf32>
    %squeeze3A_202 = vector.shape_cast %slice3A_201 : vector<1x64x512xf32> to vector<64x512xf32>
    %jit3A_203 = arith.constant 0.000000e+00 : f32
    %broadcast_in_dim3A_204 = vector.broadcast %jit3A_203 : f32 to vector<64x512xf32>
    %select_n3A_205 = arith.select %eq3A_200, %squeeze3A_202, %broadcast_in_dim3A_204 : vector<64x512xi1>, vector<64x512xf32>
    %add3A_206 = arith.addf %add3A_192, %select_n3A_205 : vector<64x512xf32>
    %slice3A_207 = vector.extract_strided_slice %get3A_4 {offsets = [14, 0, 0], sizes = [1, 64, 512], strides = [1, 1, 1]} : vector<19x64x512xf32> to vector<1x64x512xf32>
    %squeeze3A_208 = vector.shape_cast %slice3A_207 : vector<1x64x512xf32> to vector<64x512xf32>
    %sub3A_209 = arith.subf %squeeze3A_208, %reduce_max3A_10 : vector<64x512xf32>
    %exp3A_210 = math.exp %sub3A_209 : vector<64x512xf32>
    %add3A_211 = arith.addf %add3A_197, %exp3A_210 : vector<64x512xf32>
    %eq3A_212 = arith.constant 14 : i32
    %eq3A_213 = vector.broadcast %eq3A_212 : i32 to vector<64x512xi32>
    %eq3A_214 = arith.cmpi eq, %select_n3A, %eq3A_213 : vector<64x512xi32>
    %slice3A_215 = vector.extract_strided_slice %get3A_4 {offsets = [14, 0, 0], sizes = [1, 64, 512], strides = [1, 1, 1]} : vector<19x64x512xf32> to vector<1x64x512xf32>
    %squeeze3A_216 = vector.shape_cast %slice3A_215 : vector<1x64x512xf32> to vector<64x512xf32>
    %jit3A_217 = arith.constant 0.000000e+00 : f32
    %broadcast_in_dim3A_218 = vector.broadcast %jit3A_217 : f32 to vector<64x512xf32>
    %select_n3A_219 = arith.select %eq3A_214, %squeeze3A_216, %broadcast_in_dim3A_218 : vector<64x512xi1>, vector<64x512xf32>
    %add3A_220 = arith.addf %add3A_206, %select_n3A_219 : vector<64x512xf32>
    %slice3A_221 = vector.extract_strided_slice %get3A_4 {offsets = [15, 0, 0], sizes = [1, 64, 512], strides = [1, 1, 1]} : vector<19x64x512xf32> to vector<1x64x512xf32>
    %squeeze3A_222 = vector.shape_cast %slice3A_221 : vector<1x64x512xf32> to vector<64x512xf32>
    %sub3A_223 = arith.subf %squeeze3A_222, %reduce_max3A_10 : vector<64x512xf32>
    %exp3A_224 = math.exp %sub3A_223 : vector<64x512xf32>
    %add3A_225 = arith.addf %add3A_211, %exp3A_224 : vector<64x512xf32>
    %eq3A_226 = arith.constant 15 : i32
    %eq3A_227 = vector.broadcast %eq3A_226 : i32 to vector<64x512xi32>
    %eq3A_228 = arith.cmpi eq, %select_n3A, %eq3A_227 : vector<64x512xi32>
    %slice3A_229 = vector.extract_strided_slice %get3A_4 {offsets = [15, 0, 0], sizes = [1, 64, 512], strides = [1, 1, 1]} : vector<19x64x512xf32> to vector<1x64x512xf32>
    %squeeze3A_230 = vector.shape_cast %slice3A_229 : vector<1x64x512xf32> to vector<64x512xf32>
    %jit3A_231 = arith.constant 0.000000e+00 : f32
    %broadcast_in_dim3A_232 = vector.broadcast %jit3A_231 : f32 to vector<64x512xf32>
    %select_n3A_233 = arith.select %eq3A_228, %squeeze3A_230, %broadcast_in_dim3A_232 : vector<64x512xi1>, vector<64x512xf32>
    %add3A_234 = arith.addf %add3A_220, %select_n3A_233 : vector<64x512xf32>
    %slice3A_235 = vector.extract_strided_slice %get3A_4 {offsets = [16, 0, 0], sizes = [1, 64, 512], strides = [1, 1, 1]} : vector<19x64x512xf32> to vector<1x64x512xf32>
    %squeeze3A_236 = vector.shape_cast %slice3A_235 : vector<1x64x512xf32> to vector<64x512xf32>
    %sub3A_237 = arith.subf %squeeze3A_236, %reduce_max3A_10 : vector<64x512xf32>
    %exp3A_238 = math.exp %sub3A_237 : vector<64x512xf32>
    %add3A_239 = arith.addf %add3A_225, %exp3A_238 : vector<64x512xf32>
    %eq3A_240 = arith.constant 16 : i32
    %eq3A_241 = vector.broadcast %eq3A_240 : i32 to vector<64x512xi32>
    %eq3A_242 = arith.cmpi eq, %select_n3A, %eq3A_241 : vector<64x512xi32>
    %slice3A_243 = vector.extract_strided_slice %get3A_4 {offsets = [16, 0, 0], sizes = [1, 64, 512], strides = [1, 1, 1]} : vector<19x64x512xf32> to vector<1x64x512xf32>
    %squeeze3A_244 = vector.shape_cast %slice3A_243 : vector<1x64x512xf32> to vector<64x512xf32>
    %jit3A_245 = arith.constant 0.000000e+00 : f32
    %broadcast_in_dim3A_246 = vector.broadcast %jit3A_245 : f32 to vector<64x512xf32>
    %select_n3A_247 = arith.select %eq3A_242, %squeeze3A_244, %broadcast_in_dim3A_246 : vector<64x512xi1>, vector<64x512xf32>
    %add3A_248 = arith.addf %add3A_234, %select_n3A_247 : vector<64x512xf32>
    %slice3A_249 = vector.extract_strided_slice %get3A_4 {offsets = [17, 0, 0], sizes = [1, 64, 512], strides = [1, 1, 1]} : vector<19x64x512xf32> to vector<1x64x512xf32>
    %squeeze3A_250 = vector.shape_cast %slice3A_249 : vector<1x64x512xf32> to vector<64x512xf32>
    %sub3A_251 = arith.subf %squeeze3A_250, %reduce_max3A_10 : vector<64x512xf32>
    %exp3A_252 = math.exp %sub3A_251 : vector<64x512xf32>
    %add3A_253 = arith.addf %add3A_239, %exp3A_252 : vector<64x512xf32>
    %eq3A_254 = arith.constant 17 : i32
    %eq3A_255 = vector.broadcast %eq3A_254 : i32 to vector<64x512xi32>
    %eq3A_256 = arith.cmpi eq, %select_n3A, %eq3A_255 : vector<64x512xi32>
    %slice3A_257 = vector.extract_strided_slice %get3A_4 {offsets = [17, 0, 0], sizes = [1, 64, 512], strides = [1, 1, 1]} : vector<19x64x512xf32> to vector<1x64x512xf32>
    %squeeze3A_258 = vector.shape_cast %slice3A_257 : vector<1x64x512xf32> to vector<64x512xf32>
    %jit3A_259 = arith.constant 0.000000e+00 : f32
    %broadcast_in_dim3A_260 = vector.broadcast %jit3A_259 : f32 to vector<64x512xf32>
    %select_n3A_261 = arith.select %eq3A_256, %squeeze3A_258, %broadcast_in_dim3A_260 : vector<64x512xi1>, vector<64x512xf32>
    %add3A_262 = arith.addf %add3A_248, %select_n3A_261 : vector<64x512xf32>
    %slice3A_263 = vector.extract_strided_slice %get3A_4 {offsets = [18, 0, 0], sizes = [1, 64, 512], strides = [1, 1, 1]} : vector<19x64x512xf32> to vector<1x64x512xf32>
    %squeeze3A_264 = vector.shape_cast %slice3A_263 : vector<1x64x512xf32> to vector<64x512xf32>
    %sub3A_265 = arith.subf %squeeze3A_264, %reduce_max3A_10 : vector<64x512xf32>
    %exp3A_266 = math.exp %sub3A_265 : vector<64x512xf32>
    %add3A_267 = arith.addf %add3A_253, %exp3A_266 : vector<64x512xf32>
    %eq3A_268 = arith.constant 18 : i32
    %eq3A_269 = vector.broadcast %eq3A_268 : i32 to vector<64x512xi32>
    %eq3A_270 = arith.cmpi eq, %select_n3A, %eq3A_269 : vector<64x512xi32>
    %slice3A_271 = vector.extract_strided_slice %get3A_4 {offsets = [18, 0, 0], sizes = [1, 64, 512], strides = [1, 1, 1]} : vector<19x64x512xf32> to vector<1x64x512xf32>
    %squeeze3A_272 = vector.shape_cast %slice3A_271 : vector<1x64x512xf32> to vector<64x512xf32>
    %jit3A_273 = arith.constant 0.000000e+00 : f32
    %broadcast_in_dim3A_274 = vector.broadcast %jit3A_273 : f32 to vector<64x512xf32>
    %select_n3A_275 = arith.select %eq3A_270, %squeeze3A_272, %broadcast_in_dim3A_274 : vector<64x512xi1>, vector<64x512xf32>
    %add3A_276 = arith.addf %add3A_262, %select_n3A_275 : vector<64x512xf32>
    %sub3A_277 = arith.subf %add3A_276, %reduce_max3A_10 : vector<64x512xf32>
    %log3A = math.log %add3A_267 : vector<64x512xf32>
    %sub3A_278 = arith.subf %sub3A_277, %log3A : vector<64x512xf32>
    %neg3A = arith.constant 0.000000e+00 : f32
    %neg3A_279 = vector.broadcast %neg3A : f32 to vector<64x512xf32>
    %neg3A_280 = arith.subf %neg3A_279, %sub3A_278 : vector<64x512xf32>
    %jit3A_281 = arith.constant 0.000000e+00 : f32
    %broadcast_in_dim3A_282 = vector.broadcast %jit3A_281 : f32 to vector<64x512xf32>
    %select_n3A_283 = arith.select %ne3A_12, %neg3A_280, %broadcast_in_dim3A_282 : vector<64x512xi1>, vector<64x512xf32>
    %exp3A_284 = math.exp %sub3A_278 : vector<64x512xf32>
    %jit3A_285 = arith.constant 0x7F800000 : f32
    %broadcast_in_dim3A_286 = vector.broadcast %jit3A_285 : f32 to vector<64x512xf32>
    %select_n3A_287 = arith.select %ne3A_12, %exp3A_284, %broadcast_in_dim3A_286 : vector<64x512xi1>, vector<64x512xf32>
    %convert_element_type3A = arith.extui %ne3A_12 : vector<64x512xi1> to vector<64x512xi32>
    %reduce_sum3A = vector.shape_cast %convert_element_type3A : vector<64x512xi32> to vector<1x64x512xi32>
    %reduce_sum3A_288 = arith.constant dense<0> : vector<1xi32>
    %reduce_sum3A_289 = vector.multi_reduction <add>, %reduce_sum3A, %reduce_sum3A_288 [1, 2] : vector<1x64x512xi32> to vector<1xi32>
    %reduce_sum3A_290 = vector.shape_cast %reduce_sum3A_289 : vector<1xi32> to vector<1x1x1xi32>
    %reduce_sum3A_291 = vector.extract %reduce_sum3A_290[0, 0, 0] : i32 from vector<1x1x1xi32>
    %le3A = arith.constant 0.699999988 : f32
    %le3A_292 = vector.broadcast %le3A : f32 to vector<64x512xf32>
    %le3A_293 = arith.cmpf ole, %select_n3A_287, %le3A_292 : vector<64x512xf32>
    %convert_element_type3A_294 = arith.extui %le3A_293 : vector<64x512xi1> to vector<64x512xi32>
    %reduce_sum3A_295 = vector.shape_cast %convert_element_type3A_294 : vector<64x512xi32> to vector<1x64x512xi32>
    %reduce_sum3A_296 = arith.constant dense<0> : vector<1xi32>
    %reduce_sum3A_297 = vector.multi_reduction <add>, %reduce_sum3A_295, %reduce_sum3A_296 [1, 2] : vector<1x64x512xi32> to vector<1xi32>
    %reduce_sum3A_298 = vector.shape_cast %reduce_sum3A_297 : vector<1xi32> to vector<1x1x1xi32>
    %reduce_sum3A_299 = vector.extract %reduce_sum3A_298[0, 0, 0] : i32 from vector<1x1x1xi32>
    %lt3A = arith.constant 0.699999988 : f32
    %lt3A_300 = vector.broadcast %lt3A : f32 to vector<64x512xf32>
    %lt3A_301 = arith.cmpf olt, %select_n3A_287, %lt3A_300 : vector<64x512xf32>
    %convert_element_type3A_302 = arith.extui %lt3A_301 : vector<64x512xi1> to vector<64x512xi32>
    %reduce_sum3A_303 = vector.shape_cast %convert_element_type3A_302 : vector<64x512xi32> to vector<1x64x512xi32>
    %reduce_sum3A_304 = arith.constant dense<0> : vector<1xi32>
    %reduce_sum3A_305 = vector.multi_reduction <add>, %reduce_sum3A_303, %reduce_sum3A_304 [1, 2] : vector<1x64x512xi32> to vector<1xi32>
    %reduce_sum3A_306 = vector.shape_cast %reduce_sum3A_305 : vector<1xi32> to vector<1x1x1xi32>
    %reduce_sum3A_307 = vector.extract %reduce_sum3A_306[0, 0, 0] : i32 from vector<1x1x1xi32>
    %lt3A_308 = arith.constant 0.699999988 : f32
    %lt3A_309 = vector.broadcast %lt3A_308 : f32 to vector<64x512xf32>
    %lt3A_310 = arith.cmpf olt, %select_n3A_287, %lt3A_309 : vector<64x512xf32>
    %jit3A_311 = arith.constant 0.000000e+00 : f32
    %broadcast_in_dim3A_312 = vector.broadcast %jit3A_311 : f32 to vector<64x512xf32>
    %select_n3A_313 = arith.select %lt3A_310, %select_n3A_283, %broadcast_in_dim3A_312 : vector<64x512xi1>, vector<64x512xf32>
    %reduce_sum3A_314 = vector.shape_cast %select_n3A_313 : vector<64x512xf32> to vector<1x64x512xf32>
    %reduce_sum3A_315 = arith.constant dense<0.000000e+00> : vector<1xf32>
    %reduce_sum3A_316 = vector.multi_reduction <add>, %reduce_sum3A_314, %reduce_sum3A_315 [1, 2] : vector<1x64x512xf32> to vector<1xf32>
    %reduce_sum3A_317 = vector.shape_cast %reduce_sum3A_316 : vector<1xf32> to vector<1x1x1xf32>
    %reduce_sum3A_318 = vector.extract %reduce_sum3A_317[0, 0, 0] : f32 from vector<1x1x1xf32>
    %eq3A_319 = arith.constant 0 : i32
    %eq3A_320 = arith.cmpi eq, %arg0, %eq3A_319 : i32
    %eq3A_321 = arith.constant 0 : i32
    %eq3A_322 = arith.cmpi eq, %arg1, %eq3A_321 : i32
    %and3A = arith.andi %eq3A_320, %eq3A_322 : i1
    %eq3A_323 = arith.constant 7 : i32
    %eq3A_324 = arith.cmpi eq, %arg0, %eq3A_323 : i32
    %eq3A_325 = arith.constant 7 : i32
    %eq3A_326 = arith.cmpi eq, %arg1, %eq3A_325 : i32
    %and3A_327 = arith.andi %eq3A_324, %eq3A_326 : i1
    %convert_element_type3A_328 = arith.extui %and3A : i1 to i32
    %cond3A = arith.constant 0 : i32
    %cond3A_329 = arith.cmpi ne, %convert_element_type3A_328, %cond3A : i32
    scf.if %cond3A_329 {
      %swap3A = arith.constant 0 : index
      %swap3A_337 = arith.constant 0 : index
      %swap3A_338 = memref.load %arg4[%swap3A, %swap3A_337] : memref<1x1xi32, #tpu.memory_space<smem>>
      memref.store %reduce_sum3A_291, %arg4[%swap3A, %swap3A_337] : memref<1x1xi32, #tpu.memory_space<smem>>
      %swap3A_339 = arith.constant 0 : index
      %swap3A_340 = arith.constant 0 : index
      %swap3A_341 = memref.load %arg5[%swap3A_339, %swap3A_340] : memref<1x1xi32, #tpu.memory_space<smem>>
      memref.store %reduce_sum3A_299, %arg5[%swap3A_339, %swap3A_340] : memref<1x1xi32, #tpu.memory_space<smem>>
      %swap3A_342 = arith.constant 0 : index
      %swap3A_343 = arith.constant 0 : index
      %swap3A_344 = memref.load %arg8[%swap3A_342, %swap3A_343] : memref<1x1xi32, #tpu.memory_space<smem>>
      memref.store %reduce_sum3A_307, %arg8[%swap3A_342, %swap3A_343] : memref<1x1xi32, #tpu.memory_space<smem>>
      %swap3A_345 = arith.constant 0 : index
      %swap3A_346 = arith.constant 0 : index
      %swap3A_347 = memref.load %arg7[%swap3A_345, %swap3A_346] : memref<1x1xf32, #tpu.memory_space<smem>>
      memref.store %reduce_sum3A_318, %arg7[%swap3A_345, %swap3A_346] : memref<1x1xf32, #tpu.memory_space<smem>>
    } else {
    }
    %not3A = arith.constant true
    %not3A_330 = arith.xori %and3A, %not3A : i1
    %convert_element_type3A_331 = arith.extui %not3A_330 : i1 to i32
    %cond3A_332 = arith.constant 0 : i32
    %cond3A_333 = arith.cmpi ne, %convert_element_type3A_331, %cond3A_332 : i32
    scf.if %cond3A_333 {
      %get3A_337 = arith.constant 0 : index
      %get3A_338 = arith.constant 0 : index
      %get3A_339 = memref.load %arg4[%get3A_337, %get3A_338] : memref<1x1xi32, #tpu.memory_space<smem>>
      %add3A_340 = arith.addi %get3A_339, %reduce_sum3A_291 : i32
      %swap3A = arith.constant 0 : index
      %swap3A_341 = arith.constant 0 : index
      %swap3A_342 = memref.load %arg4[%swap3A, %swap3A_341] : memref<1x1xi32, #tpu.memory_space<smem>>
      memref.store %add3A_340, %arg4[%swap3A, %swap3A_341] : memref<1x1xi32, #tpu.memory_space<smem>>
      %get3A_343 = arith.constant 0 : index
      %get3A_344 = arith.constant 0 : index
      %get3A_345 = memref.load %arg5[%get3A_343, %get3A_344] : memref<1x1xi32, #tpu.memory_space<smem>>
      %add3A_346 = arith.addi %get3A_345, %reduce_sum3A_299 : i32
      %swap3A_347 = arith.constant 0 : index
      %swap3A_348 = arith.constant 0 : index
      %swap3A_349 = memref.load %arg5[%swap3A_347, %swap3A_348] : memref<1x1xi32, #tpu.memory_space<smem>>
      memref.store %add3A_346, %arg5[%swap3A_347, %swap3A_348] : memref<1x1xi32, #tpu.memory_space<smem>>
      %get3A_350 = arith.constant 0 : index
      %get3A_351 = arith.constant 0 : index
      %get3A_352 = memref.load %arg8[%get3A_350, %get3A_351] : memref<1x1xi32, #tpu.memory_space<smem>>
      %add3A_353 = arith.addi %get3A_352, %reduce_sum3A_307 : i32
      %swap3A_354 = arith.constant 0 : index
      %swap3A_355 = arith.constant 0 : index
      %swap3A_356 = memref.load %arg8[%swap3A_354, %swap3A_355] : memref<1x1xi32, #tpu.memory_space<smem>>
      memref.store %add3A_353, %arg8[%swap3A_354, %swap3A_355] : memref<1x1xi32, #tpu.memory_space<smem>>
      %get3A_357 = arith.constant 0 : index
      %get3A_358 = arith.constant 0 : index
      %get3A_359 = memref.load %arg7[%get3A_357, %get3A_358] : memref<1x1xf32, #tpu.memory_space<smem>>
      %add3A_360 = arith.addf %get3A_359, %reduce_sum3A_318 : f32
      %swap3A_361 = arith.constant 0 : index
      %swap3A_362 = arith.constant 0 : index
      %swap3A_363 = memref.load %arg7[%swap3A_361, %swap3A_362] : memref<1x1xf32, #tpu.memory_space<smem>>
      memref.store %add3A_360, %arg7[%swap3A_361, %swap3A_362] : memref<1x1xf32, #tpu.memory_space<smem>>
    } else {
    }
    %convert_element_type3A_334 = arith.extui %and3A_327 : i1 to i32
    %cond3A_335 = arith.constant 0 : i32
    %cond3A_336 = arith.cmpi ne, %convert_element_type3A_334, %cond3A_335 : i32
    scf.if %cond3A_336 {
      %get3A_337 = arith.constant 0 : index
      %get3A_338 = arith.constant 0 : index
      %get3A_339 = memref.load %arg8[%get3A_337, %get3A_338] : memref<1x1xi32, #tpu.memory_space<smem>>
      %max3A = arith.constant 1 : i32
      %max3A_340 = arith.maxsi %get3A_339, %max3A : i32
      %convert_element_type3A_341 = arith.sitofp %max3A_340 : i32 to f32
      %get3A_342 = arith.constant 0 : index
      %get3A_343 = arith.constant 0 : index
      %get3A_344 = memref.load %arg7[%get3A_342, %get3A_343] : memref<1x1xf32, #tpu.memory_space<smem>>
      %div3A = arith.divf %get3A_344, %convert_element_type3A_341 : f32
      %swap3A = arith.constant 0 : index
      %swap3A_345 = arith.constant 0 : index
      %swap3A_346 = memref.load %arg6[%swap3A, %swap3A_345] : memref<1x1xf32, #tpu.memory_space<smem>>
      memref.store %div3A, %arg6[%swap3A, %swap3A_345] : memref<1x1xf32, #tpu.memory_space<smem>>
    } else {
    }
    return
  }
  func.func @transform_0(%arg0: i32, %arg1: i32) -> (i32, i32, i32, i32) {
    %c0_i32 = arith.constant 0 : i32
    %c0_i32_0 = arith.constant 0 : i32
    %c0_i32_1 = arith.constant 0 : i32
    return %arg0, %c0_i32, %arg1, %c0_i32_0 : i32, i32, i32, i32
  }
  func.func @transform_1(%arg0: i32, %arg1: i32) -> (i32, i32, i32) {
    %c0_i32 = arith.constant 0 : i32
    %c0_i32_0 = arith.constant 0 : i32
    return %arg0, %arg1, %c0_i32 : i32, i32, i32
  }
  func.func @transform_2(%arg0: i32, %arg1: i32) -> (i32, i32) {
    %c0_i32 = arith.constant 0 : i32
    %c0_i32_0 = arith.constant 0 : i32
    %c0_i32_1 = arith.constant 0 : i32
    return %c0_i32, %c0_i32_0 : i32, i32
  }
  func.func @transform_3(%arg0: i32, %arg1: i32) -> (i32, i32) {
    %c0_i32 = arith.constant 0 : i32
    %c0_i32_0 = arith.constant 0 : i32
    %c0_i32_1 = arith.constant 0 : i32
    return %c0_i32, %c0_i32_0 : i32, i32
  }
  func.func @transform_4(%arg0: i32, %arg1: i32) -> (i32, i32) {
    %c0_i32 = arith.constant 0 : i32
    %c0_i32_0 = arith.constant 0 : i32
    %c0_i32_1 = arith.constant 0 : i32
    return %c0_i32, %c0_i32_0 : i32, i32
  }
}

module attributes {stable_mosaic.version = 14 : i64} {
  func.func @_find1_body(%arg0: memref<32x65552xi32, #tpu.memory_space<vmem>>, %arg1: memref<1x1xi32, #tpu.memory_space<smem>>, %arg2: memref<1x1xi32, #tpu.memory_space<smem>>) attributes {dimension_semantics = [], scalar_prefetch = 0 : i64, scratch_operands = 0 : i64, tpu.core_type = #tpu.core_type<tc>} {
    %get3A = arith.constant 0 : index
    %get3A_0 = arith.constant 0 : index
    %get3A_1 = vector.load %arg0[%get3A, %get3A_0] : memref<32x65552xi32, #tpu.memory_space<vmem>>, vector<32x65552xi32>
    %reduce_sum3A = arith.constant dense<0> : vector<65552xi32>
    %reduce_sum3A_2 = vector.multi_reduction <add>, %get3A_1, %reduce_sum3A [0] : vector<32x65552xi32> to vector<65552xi32>
    %broadcast_in_dim3A = vector.shape_cast %reduce_sum3A_2 : vector<65552xi32> to vector<1x65552xi32>
    %iota3A = tpu.iota {dimensions = array<i32: 1>} : vector<1x65552xi32>
    %lt3A = arith.constant 32640 : i32
    %lt3A_3 = vector.broadcast %lt3A : i32 to vector<1x65552xi32>
    %lt3A_4 = arith.cmpi slt, %iota3A, %lt3A_3 : vector<1x65552xi32>
    %jit3A = arith.constant 0 : i32
    %broadcast_in_dim3A_5 = vector.broadcast %jit3A : i32 to vector<1x65552xi32>
    %select_n3A = arith.select %lt3A_4, %broadcast_in_dim3A, %broadcast_in_dim3A_5 : vector<1x65552xi1>, vector<1x65552xi32>
    %reduce_sum3A_6 = vector.shape_cast %select_n3A : vector<1x65552xi32> to vector<1x1x65552xi32>
    %reduce_sum3A_7 = arith.constant dense<0> : vector<1xi32>
    %reduce_sum3A_8 = vector.multi_reduction <add>, %reduce_sum3A_6, %reduce_sum3A_7 [1, 2] : vector<1x1x65552xi32> to vector<1xi32>
    %reduce_sum3A_9 = vector.shape_cast %reduce_sum3A_8 : vector<1xi32> to vector<1x1x1xi32>
    %reduce_sum3A_10 = vector.extract %reduce_sum3A_9[0, 0, 0] : i32 from vector<1x1x1xi32>
    %sub3A = arith.constant 1 : i32
    %sub3A_11 = arith.subi %reduce_sum3A_10, %sub3A : i32
    %min3A = arith.constant 100000 : i32
    %min3A_12 = arith.minsi %min3A, %sub3A_11 : i32
    %max3A = arith.constant 0 : i32
    %max3A_13 = arith.maxsi %min3A_12, %max3A : i32
    %lt3A_14 = arith.constant 65536 : i32
    %lt3A_15 = vector.broadcast %lt3A_14 : i32 to vector<1x65552xi32>
    %lt3A_16 = arith.cmpi slt, %iota3A, %lt3A_15 : vector<1x65552xi32>
    %jit3A_17 = arith.constant 0 : i32
    %broadcast_in_dim3A_18 = vector.broadcast %jit3A_17 : i32 to vector<1x65552xi32>
    %select_n3A_19 = arith.select %lt3A_16, %broadcast_in_dim3A, %broadcast_in_dim3A_18 : vector<1x65552xi1>, vector<1x65552xi32>
    %add3A = arith.constant 1 : i32
    %add3A_20 = arith.addi %max3A_13, %add3A : i32
    %add3A_21 = arith.constant 0 : i32
    %add3A_22 = arith.constant 2048 : i32
    %add3A_23 = arith.addi %add3A_21, %add3A_22 : i32
    %sub3A_24 = arith.constant 1 : i32
    %sub3A_25 = arith.subi %add3A_23, %sub3A_24 : i32
    %add3A_26 = arith.constant 1 : i32
    %add3A_27 = arith.addi %sub3A_25, %add3A_26 : i32
    %mul3A = arith.constant 16 : i32
    %mul3A_28 = arith.muli %add3A_27, %mul3A : i32
    %lt3A_29 = vector.broadcast %mul3A_28 : i32 to vector<1x65552xi32>
    %lt3A_30 = arith.cmpi slt, %iota3A, %lt3A_29 : vector<1x65552xi32>
    %jit3A_31 = arith.constant 0 : i32
    %broadcast_in_dim3A_32 = vector.broadcast %jit3A_31 : i32 to vector<1x65552xi32>
    %select_n3A_33 = arith.select %lt3A_30, %select_n3A_19, %broadcast_in_dim3A_32 : vector<1x65552xi1>, vector<1x65552xi32>
    %reduce_sum3A_34 = vector.shape_cast %select_n3A_33 : vector<1x65552xi32> to vector<1x1x65552xi32>
    %reduce_sum3A_35 = arith.constant dense<0> : vector<1xi32>
    %reduce_sum3A_36 = vector.multi_reduction <add>, %reduce_sum3A_34, %reduce_sum3A_35 [1, 2] : vector<1x1x65552xi32> to vector<1xi32>
    %reduce_sum3A_37 = vector.shape_cast %reduce_sum3A_36 : vector<1xi32> to vector<1x1x1xi32>
    %reduce_sum3A_38 = vector.extract %reduce_sum3A_37[0, 0, 0] : i32 from vector<1x1x1xi32>
    %lt3A_39 = arith.cmpi slt, %reduce_sum3A_38, %add3A_20 : i32
    %jit3A_40 = arith.constant 0 : i32
    %select_n3A_41 = arith.select %lt3A_39, %add3A_23, %jit3A_40 : i32
    %add3A_42 = arith.constant 1024 : i32
    %add3A_43 = arith.addi %select_n3A_41, %add3A_42 : i32
    %sub3A_44 = arith.constant 1 : i32
    %sub3A_45 = arith.subi %add3A_43, %sub3A_44 : i32
    %add3A_46 = arith.constant 1 : i32
    %add3A_47 = arith.addi %sub3A_45, %add3A_46 : i32
    %mul3A_48 = arith.constant 16 : i32
    %mul3A_49 = arith.muli %add3A_47, %mul3A_48 : i32
    %lt3A_50 = vector.broadcast %mul3A_49 : i32 to vector<1x65552xi32>
    %lt3A_51 = arith.cmpi slt, %iota3A, %lt3A_50 : vector<1x65552xi32>
    %jit3A_52 = arith.constant 0 : i32
    %broadcast_in_dim3A_53 = vector.broadcast %jit3A_52 : i32 to vector<1x65552xi32>
    %select_n3A_54 = arith.select %lt3A_51, %select_n3A_19, %broadcast_in_dim3A_53 : vector<1x65552xi1>, vector<1x65552xi32>
    %reduce_sum3A_55 = vector.shape_cast %select_n3A_54 : vector<1x65552xi32> to vector<1x1x65552xi32>
    %reduce_sum3A_56 = arith.constant dense<0> : vector<1xi32>
    %reduce_sum3A_57 = vector.multi_reduction <add>, %reduce_sum3A_55, %reduce_sum3A_56 [1, 2] : vector<1x1x65552xi32> to vector<1xi32>
    %reduce_sum3A_58 = vector.shape_cast %reduce_sum3A_57 : vector<1xi32> to vector<1x1x1xi32>
    %reduce_sum3A_59 = vector.extract %reduce_sum3A_58[0, 0, 0] : i32 from vector<1x1x1xi32>
    %lt3A_60 = arith.cmpi slt, %reduce_sum3A_59, %add3A_20 : i32
    %select_n3A_61 = arith.select %lt3A_60, %add3A_43, %select_n3A_41 : i32
    %add3A_62 = arith.constant 512 : i32
    %add3A_63 = arith.addi %select_n3A_61, %add3A_62 : i32
    %sub3A_64 = arith.constant 1 : i32
    %sub3A_65 = arith.subi %add3A_63, %sub3A_64 : i32
    %add3A_66 = arith.constant 1 : i32
    %add3A_67 = arith.addi %sub3A_65, %add3A_66 : i32
    %mul3A_68 = arith.constant 16 : i32
    %mul3A_69 = arith.muli %add3A_67, %mul3A_68 : i32
    %lt3A_70 = vector.broadcast %mul3A_69 : i32 to vector<1x65552xi32>
    %lt3A_71 = arith.cmpi slt, %iota3A, %lt3A_70 : vector<1x65552xi32>
    %jit3A_72 = arith.constant 0 : i32
    %broadcast_in_dim3A_73 = vector.broadcast %jit3A_72 : i32 to vector<1x65552xi32>
    %select_n3A_74 = arith.select %lt3A_71, %select_n3A_19, %broadcast_in_dim3A_73 : vector<1x65552xi1>, vector<1x65552xi32>
    %reduce_sum3A_75 = vector.shape_cast %select_n3A_74 : vector<1x65552xi32> to vector<1x1x65552xi32>
    %reduce_sum3A_76 = arith.constant dense<0> : vector<1xi32>
    %reduce_sum3A_77 = vector.multi_reduction <add>, %reduce_sum3A_75, %reduce_sum3A_76 [1, 2] : vector<1x1x65552xi32> to vector<1xi32>
    %reduce_sum3A_78 = vector.shape_cast %reduce_sum3A_77 : vector<1xi32> to vector<1x1x1xi32>
    %reduce_sum3A_79 = vector.extract %reduce_sum3A_78[0, 0, 0] : i32 from vector<1x1x1xi32>
    %lt3A_80 = arith.cmpi slt, %reduce_sum3A_79, %add3A_20 : i32
    %select_n3A_81 = arith.select %lt3A_80, %add3A_63, %select_n3A_61 : i32
    %add3A_82 = arith.constant 256 : i32
    %add3A_83 = arith.addi %select_n3A_81, %add3A_82 : i32
    %sub3A_84 = arith.constant 1 : i32
    %sub3A_85 = arith.subi %add3A_83, %sub3A_84 : i32
    %add3A_86 = arith.constant 1 : i32
    %add3A_87 = arith.addi %sub3A_85, %add3A_86 : i32
    %mul3A_88 = arith.constant 16 : i32
    %mul3A_89 = arith.muli %add3A_87, %mul3A_88 : i32
    %lt3A_90 = vector.broadcast %mul3A_89 : i32 to vector<1x65552xi32>
    %lt3A_91 = arith.cmpi slt, %iota3A, %lt3A_90 : vector<1x65552xi32>
    %jit3A_92 = arith.constant 0 : i32
    %broadcast_in_dim3A_93 = vector.broadcast %jit3A_92 : i32 to vector<1x65552xi32>
    %select_n3A_94 = arith.select %lt3A_91, %select_n3A_19, %broadcast_in_dim3A_93 : vector<1x65552xi1>, vector<1x65552xi32>
    %reduce_sum3A_95 = vector.shape_cast %select_n3A_94 : vector<1x65552xi32> to vector<1x1x65552xi32>
    %reduce_sum3A_96 = arith.constant dense<0> : vector<1xi32>
    %reduce_sum3A_97 = vector.multi_reduction <add>, %reduce_sum3A_95, %reduce_sum3A_96 [1, 2] : vector<1x1x65552xi32> to vector<1xi32>
    %reduce_sum3A_98 = vector.shape_cast %reduce_sum3A_97 : vector<1xi32> to vector<1x1x1xi32>
    %reduce_sum3A_99 = vector.extract %reduce_sum3A_98[0, 0, 0] : i32 from vector<1x1x1xi32>
    %lt3A_100 = arith.cmpi slt, %reduce_sum3A_99, %add3A_20 : i32
    %select_n3A_101 = arith.select %lt3A_100, %add3A_83, %select_n3A_81 : i32
    %add3A_102 = arith.constant 128 : i32
    %add3A_103 = arith.addi %select_n3A_101, %add3A_102 : i32
    %sub3A_104 = arith.constant 1 : i32
    %sub3A_105 = arith.subi %add3A_103, %sub3A_104 : i32
    %add3A_106 = arith.constant 1 : i32
    %add3A_107 = arith.addi %sub3A_105, %add3A_106 : i32
    %mul3A_108 = arith.constant 16 : i32
    %mul3A_109 = arith.muli %add3A_107, %mul3A_108 : i32
    %lt3A_110 = vector.broadcast %mul3A_109 : i32 to vector<1x65552xi32>
    %lt3A_111 = arith.cmpi slt, %iota3A, %lt3A_110 : vector<1x65552xi32>
    %jit3A_112 = arith.constant 0 : i32
    %broadcast_in_dim3A_113 = vector.broadcast %jit3A_112 : i32 to vector<1x65552xi32>
    %select_n3A_114 = arith.select %lt3A_111, %select_n3A_19, %broadcast_in_dim3A_113 : vector<1x65552xi1>, vector<1x65552xi32>
    %reduce_sum3A_115 = vector.shape_cast %select_n3A_114 : vector<1x65552xi32> to vector<1x1x65552xi32>
    %reduce_sum3A_116 = arith.constant dense<0> : vector<1xi32>
    %reduce_sum3A_117 = vector.multi_reduction <add>, %reduce_sum3A_115, %reduce_sum3A_116 [1, 2] : vector<1x1x65552xi32> to vector<1xi32>
    %reduce_sum3A_118 = vector.shape_cast %reduce_sum3A_117 : vector<1xi32> to vector<1x1x1xi32>
    %reduce_sum3A_119 = vector.extract %reduce_sum3A_118[0, 0, 0] : i32 from vector<1x1x1xi32>
    %lt3A_120 = arith.cmpi slt, %reduce_sum3A_119, %add3A_20 : i32
    %select_n3A_121 = arith.select %lt3A_120, %add3A_103, %select_n3A_101 : i32
    %add3A_122 = arith.constant 64 : i32
    %add3A_123 = arith.addi %select_n3A_121, %add3A_122 : i32
    %sub3A_124 = arith.constant 1 : i32
    %sub3A_125 = arith.subi %add3A_123, %sub3A_124 : i32
    %add3A_126 = arith.constant 1 : i32
    %add3A_127 = arith.addi %sub3A_125, %add3A_126 : i32
    %mul3A_128 = arith.constant 16 : i32
    %mul3A_129 = arith.muli %add3A_127, %mul3A_128 : i32
    %lt3A_130 = vector.broadcast %mul3A_129 : i32 to vector<1x65552xi32>
    %lt3A_131 = arith.cmpi slt, %iota3A, %lt3A_130 : vector<1x65552xi32>
    %jit3A_132 = arith.constant 0 : i32
    %broadcast_in_dim3A_133 = vector.broadcast %jit3A_132 : i32 to vector<1x65552xi32>
    %select_n3A_134 = arith.select %lt3A_131, %select_n3A_19, %broadcast_in_dim3A_133 : vector<1x65552xi1>, vector<1x65552xi32>
    %reduce_sum3A_135 = vector.shape_cast %select_n3A_134 : vector<1x65552xi32> to vector<1x1x65552xi32>
    %reduce_sum3A_136 = arith.constant dense<0> : vector<1xi32>
    %reduce_sum3A_137 = vector.multi_reduction <add>, %reduce_sum3A_135, %reduce_sum3A_136 [1, 2] : vector<1x1x65552xi32> to vector<1xi32>
    %reduce_sum3A_138 = vector.shape_cast %reduce_sum3A_137 : vector<1xi32> to vector<1x1x1xi32>
    %reduce_sum3A_139 = vector.extract %reduce_sum3A_138[0, 0, 0] : i32 from vector<1x1x1xi32>
    %lt3A_140 = arith.cmpi slt, %reduce_sum3A_139, %add3A_20 : i32
    %select_n3A_141 = arith.select %lt3A_140, %add3A_123, %select_n3A_121 : i32
    %add3A_142 = arith.constant 32 : i32
    %add3A_143 = arith.addi %select_n3A_141, %add3A_142 : i32
    %sub3A_144 = arith.constant 1 : i32
    %sub3A_145 = arith.subi %add3A_143, %sub3A_144 : i32
    %add3A_146 = arith.constant 1 : i32
    %add3A_147 = arith.addi %sub3A_145, %add3A_146 : i32
    %mul3A_148 = arith.constant 16 : i32
    %mul3A_149 = arith.muli %add3A_147, %mul3A_148 : i32
    %lt3A_150 = vector.broadcast %mul3A_149 : i32 to vector<1x65552xi32>
    %lt3A_151 = arith.cmpi slt, %iota3A, %lt3A_150 : vector<1x65552xi32>
    %jit3A_152 = arith.constant 0 : i32
    %broadcast_in_dim3A_153 = vector.broadcast %jit3A_152 : i32 to vector<1x65552xi32>
    %select_n3A_154 = arith.select %lt3A_151, %select_n3A_19, %broadcast_in_dim3A_153 : vector<1x65552xi1>, vector<1x65552xi32>
    %reduce_sum3A_155 = vector.shape_cast %select_n3A_154 : vector<1x65552xi32> to vector<1x1x65552xi32>
    %reduce_sum3A_156 = arith.constant dense<0> : vector<1xi32>
    %reduce_sum3A_157 = vector.multi_reduction <add>, %reduce_sum3A_155, %reduce_sum3A_156 [1, 2] : vector<1x1x65552xi32> to vector<1xi32>
    %reduce_sum3A_158 = vector.shape_cast %reduce_sum3A_157 : vector<1xi32> to vector<1x1x1xi32>
    %reduce_sum3A_159 = vector.extract %reduce_sum3A_158[0, 0, 0] : i32 from vector<1x1x1xi32>
    %lt3A_160 = arith.cmpi slt, %reduce_sum3A_159, %add3A_20 : i32
    %select_n3A_161 = arith.select %lt3A_160, %add3A_143, %select_n3A_141 : i32
    %add3A_162 = arith.constant 16 : i32
    %add3A_163 = arith.addi %select_n3A_161, %add3A_162 : i32
    %sub3A_164 = arith.constant 1 : i32
    %sub3A_165 = arith.subi %add3A_163, %sub3A_164 : i32
    %add3A_166 = arith.constant 1 : i32
    %add3A_167 = arith.addi %sub3A_165, %add3A_166 : i32
    %mul3A_168 = arith.constant 16 : i32
    %mul3A_169 = arith.muli %add3A_167, %mul3A_168 : i32
    %lt3A_170 = vector.broadcast %mul3A_169 : i32 to vector<1x65552xi32>
    %lt3A_171 = arith.cmpi slt, %iota3A, %lt3A_170 : vector<1x65552xi32>
    %jit3A_172 = arith.constant 0 : i32
    %broadcast_in_dim3A_173 = vector.broadcast %jit3A_172 : i32 to vector<1x65552xi32>
    %select_n3A_174 = arith.select %lt3A_171, %select_n3A_19, %broadcast_in_dim3A_173 : vector<1x65552xi1>, vector<1x65552xi32>
    %reduce_sum3A_175 = vector.shape_cast %select_n3A_174 : vector<1x65552xi32> to vector<1x1x65552xi32>
    %reduce_sum3A_176 = arith.constant dense<0> : vector<1xi32>
    %reduce_sum3A_177 = vector.multi_reduction <add>, %reduce_sum3A_175, %reduce_sum3A_176 [1, 2] : vector<1x1x65552xi32> to vector<1xi32>
    %reduce_sum3A_178 = vector.shape_cast %reduce_sum3A_177 : vector<1xi32> to vector<1x1x1xi32>
    %reduce_sum3A_179 = vector.extract %reduce_sum3A_178[0, 0, 0] : i32 from vector<1x1x1xi32>
    %lt3A_180 = arith.cmpi slt, %reduce_sum3A_179, %add3A_20 : i32
    %select_n3A_181 = arith.select %lt3A_180, %add3A_163, %select_n3A_161 : i32
    %add3A_182 = arith.constant 8 : i32
    %add3A_183 = arith.addi %select_n3A_181, %add3A_182 : i32
    %sub3A_184 = arith.constant 1 : i32
    %sub3A_185 = arith.subi %add3A_183, %sub3A_184 : i32
    %add3A_186 = arith.constant 1 : i32
    %add3A_187 = arith.addi %sub3A_185, %add3A_186 : i32
    %mul3A_188 = arith.constant 16 : i32
    %mul3A_189 = arith.muli %add3A_187, %mul3A_188 : i32
    %lt3A_190 = vector.broadcast %mul3A_189 : i32 to vector<1x65552xi32>
    %lt3A_191 = arith.cmpi slt, %iota3A, %lt3A_190 : vector<1x65552xi32>
    %jit3A_192 = arith.constant 0 : i32
    %broadcast_in_dim3A_193 = vector.broadcast %jit3A_192 : i32 to vector<1x65552xi32>
    %select_n3A_194 = arith.select %lt3A_191, %select_n3A_19, %broadcast_in_dim3A_193 : vector<1x65552xi1>, vector<1x65552xi32>
    %reduce_sum3A_195 = vector.shape_cast %select_n3A_194 : vector<1x65552xi32> to vector<1x1x65552xi32>
    %reduce_sum3A_196 = arith.constant dense<0> : vector<1xi32>
    %reduce_sum3A_197 = vector.multi_reduction <add>, %reduce_sum3A_195, %reduce_sum3A_196 [1, 2] : vector<1x1x65552xi32> to vector<1xi32>
    %reduce_sum3A_198 = vector.shape_cast %reduce_sum3A_197 : vector<1xi32> to vector<1x1x1xi32>
    %reduce_sum3A_199 = vector.extract %reduce_sum3A_198[0, 0, 0] : i32 from vector<1x1x1xi32>
    %lt3A_200 = arith.cmpi slt, %reduce_sum3A_199, %add3A_20 : i32
    %select_n3A_201 = arith.select %lt3A_200, %add3A_183, %select_n3A_181 : i32
    %add3A_202 = arith.constant 4 : i32
    %add3A_203 = arith.addi %select_n3A_201, %add3A_202 : i32
    %sub3A_204 = arith.constant 1 : i32
    %sub3A_205 = arith.subi %add3A_203, %sub3A_204 : i32
    %add3A_206 = arith.constant 1 : i32
    %add3A_207 = arith.addi %sub3A_205, %add3A_206 : i32
    %mul3A_208 = arith.constant 16 : i32
    %mul3A_209 = arith.muli %add3A_207, %mul3A_208 : i32
    %lt3A_210 = vector.broadcast %mul3A_209 : i32 to vector<1x65552xi32>
    %lt3A_211 = arith.cmpi slt, %iota3A, %lt3A_210 : vector<1x65552xi32>
    %jit3A_212 = arith.constant 0 : i32
    %broadcast_in_dim3A_213 = vector.broadcast %jit3A_212 : i32 to vector<1x65552xi32>
    %select_n3A_214 = arith.select %lt3A_211, %select_n3A_19, %broadcast_in_dim3A_213 : vector<1x65552xi1>, vector<1x65552xi32>
    %reduce_sum3A_215 = vector.shape_cast %select_n3A_214 : vector<1x65552xi32> to vector<1x1x65552xi32>
    %reduce_sum3A_216 = arith.constant dense<0> : vector<1xi32>
    %reduce_sum3A_217 = vector.multi_reduction <add>, %reduce_sum3A_215, %reduce_sum3A_216 [1, 2] : vector<1x1x65552xi32> to vector<1xi32>
    %reduce_sum3A_218 = vector.shape_cast %reduce_sum3A_217 : vector<1xi32> to vector<1x1x1xi32>
    %reduce_sum3A_219 = vector.extract %reduce_sum3A_218[0, 0, 0] : i32 from vector<1x1x1xi32>
    %lt3A_220 = arith.cmpi slt, %reduce_sum3A_219, %add3A_20 : i32
    %select_n3A_221 = arith.select %lt3A_220, %add3A_203, %select_n3A_201 : i32
    %add3A_222 = arith.constant 2 : i32
    %add3A_223 = arith.addi %select_n3A_221, %add3A_222 : i32
    %sub3A_224 = arith.constant 1 : i32
    %sub3A_225 = arith.subi %add3A_223, %sub3A_224 : i32
    %add3A_226 = arith.constant 1 : i32
    %add3A_227 = arith.addi %sub3A_225, %add3A_226 : i32
    %mul3A_228 = arith.constant 16 : i32
    %mul3A_229 = arith.muli %add3A_227, %mul3A_228 : i32
    %lt3A_230 = vector.broadcast %mul3A_229 : i32 to vector<1x65552xi32>
    %lt3A_231 = arith.cmpi slt, %iota3A, %lt3A_230 : vector<1x65552xi32>
    %jit3A_232 = arith.constant 0 : i32
    %broadcast_in_dim3A_233 = vector.broadcast %jit3A_232 : i32 to vector<1x65552xi32>
    %select_n3A_234 = arith.select %lt3A_231, %select_n3A_19, %broadcast_in_dim3A_233 : vector<1x65552xi1>, vector<1x65552xi32>
    %reduce_sum3A_235 = vector.shape_cast %select_n3A_234 : vector<1x65552xi32> to vector<1x1x65552xi32>
    %reduce_sum3A_236 = arith.constant dense<0> : vector<1xi32>
    %reduce_sum3A_237 = vector.multi_reduction <add>, %reduce_sum3A_235, %reduce_sum3A_236 [1, 2] : vector<1x1x65552xi32> to vector<1xi32>
    %reduce_sum3A_238 = vector.shape_cast %reduce_sum3A_237 : vector<1xi32> to vector<1x1x1xi32>
    %reduce_sum3A_239 = vector.extract %reduce_sum3A_238[0, 0, 0] : i32 from vector<1x1x1xi32>
    %lt3A_240 = arith.cmpi slt, %reduce_sum3A_239, %add3A_20 : i32
    %select_n3A_241 = arith.select %lt3A_240, %add3A_223, %select_n3A_221 : i32
    %add3A_242 = arith.constant 1 : i32
    %add3A_243 = arith.addi %select_n3A_241, %add3A_242 : i32
    %sub3A_244 = arith.constant 1 : i32
    %sub3A_245 = arith.subi %add3A_243, %sub3A_244 : i32
    %add3A_246 = arith.constant 1 : i32
    %add3A_247 = arith.addi %sub3A_245, %add3A_246 : i32
    %mul3A_248 = arith.constant 16 : i32
    %mul3A_249 = arith.muli %add3A_247, %mul3A_248 : i32
    %lt3A_250 = vector.broadcast %mul3A_249 : i32 to vector<1x65552xi32>
    %lt3A_251 = arith.cmpi slt, %iota3A, %lt3A_250 : vector<1x65552xi32>
    %jit3A_252 = arith.constant 0 : i32
    %broadcast_in_dim3A_253 = vector.broadcast %jit3A_252 : i32 to vector<1x65552xi32>
    %select_n3A_254 = arith.select %lt3A_251, %select_n3A_19, %broadcast_in_dim3A_253 : vector<1x65552xi1>, vector<1x65552xi32>
    %reduce_sum3A_255 = vector.shape_cast %select_n3A_254 : vector<1x65552xi32> to vector<1x1x65552xi32>
    %reduce_sum3A_256 = arith.constant dense<0> : vector<1xi32>
    %reduce_sum3A_257 = vector.multi_reduction <add>, %reduce_sum3A_255, %reduce_sum3A_256 [1, 2] : vector<1x1x65552xi32> to vector<1xi32>
    %reduce_sum3A_258 = vector.shape_cast %reduce_sum3A_257 : vector<1xi32> to vector<1x1x1xi32>
    %reduce_sum3A_259 = vector.extract %reduce_sum3A_258[0, 0, 0] : i32 from vector<1x1x1xi32>
    %lt3A_260 = arith.cmpi slt, %reduce_sum3A_259, %add3A_20 : i32
    %select_n3A_261 = arith.select %lt3A_260, %add3A_243, %select_n3A_241 : i32
    %sub3A_262 = arith.constant 1 : i32
    %sub3A_263 = arith.subi %add3A_20, %sub3A_262 : i32
    %sub3A_264 = arith.constant 1 : i32
    %sub3A_265 = arith.subi %select_n3A_261, %sub3A_264 : i32
    %add3A_266 = arith.constant 1 : i32
    %add3A_267 = arith.addi %sub3A_265, %add3A_266 : i32
    %mul3A_268 = arith.constant 16 : i32
    %mul3A_269 = arith.muli %add3A_267, %mul3A_268 : i32
    %lt3A_270 = vector.broadcast %mul3A_269 : i32 to vector<1x65552xi32>
    %lt3A_271 = arith.cmpi slt, %iota3A, %lt3A_270 : vector<1x65552xi32>
    %jit3A_272 = arith.constant 0 : i32
    %broadcast_in_dim3A_273 = vector.broadcast %jit3A_272 : i32 to vector<1x65552xi32>
    %select_n3A_274 = arith.select %lt3A_271, %select_n3A_19, %broadcast_in_dim3A_273 : vector<1x65552xi1>, vector<1x65552xi32>
    %reduce_sum3A_275 = vector.shape_cast %select_n3A_274 : vector<1x65552xi32> to vector<1x1x65552xi32>
    %reduce_sum3A_276 = arith.constant dense<0> : vector<1xi32>
    %reduce_sum3A_277 = vector.multi_reduction <add>, %reduce_sum3A_275, %reduce_sum3A_276 [1, 2] : vector<1x1x65552xi32> to vector<1xi32>
    %reduce_sum3A_278 = vector.shape_cast %reduce_sum3A_277 : vector<1xi32> to vector<1x1x1xi32>
    %reduce_sum3A_279 = vector.extract %reduce_sum3A_278[0, 0, 0] : i32 from vector<1x1x1xi32>
    %sub3A_280 = arith.subi %sub3A_263, %reduce_sum3A_279 : i32
    %swap3A = arith.constant 0 : index
    %swap3A_281 = arith.constant 0 : index
    %swap3A_282 = memref.load %arg1[%swap3A, %swap3A_281] : memref<1x1xi32, #tpu.memory_space<smem>>
    memref.store %select_n3A_261, %arg1[%swap3A, %swap3A_281] : memref<1x1xi32, #tpu.memory_space<smem>>
    %swap3A_283 = arith.constant 0 : index
    %swap3A_284 = arith.constant 0 : index
    %swap3A_285 = memref.load %arg2[%swap3A_283, %swap3A_284] : memref<1x1xi32, #tpu.memory_space<smem>>
    memref.store %sub3A_280, %arg2[%swap3A_283, %swap3A_284] : memref<1x1xi32, #tpu.memory_space<smem>>
    return
  }
}

module attributes {stable_mosaic.version = 14 : i64} {
  func.func @_findn_body(%arg0: memref<32x65552xi32, #tpu.memory_space<vmem>>, %arg1: memref<1x1xi32, #tpu.memory_space<smem>>, %arg2: memref<1x1xi32, #tpu.memory_space<smem>>, %arg3: memref<1x1xi32, #tpu.memory_space<smem>>) attributes {dimension_semantics = [], scalar_prefetch = 0 : i64, scratch_operands = 0 : i64, tpu.core_type = #tpu.core_type<tc>} {
    %get3A = arith.constant 0 : index
    %get3A_0 = arith.constant 0 : index
    %get3A_1 = vector.load %arg0[%get3A, %get3A_0] : memref<32x65552xi32, #tpu.memory_space<vmem>>, vector<32x65552xi32>
    %reduce_sum3A = arith.constant dense<0> : vector<65552xi32>
    %reduce_sum3A_2 = vector.multi_reduction <add>, %get3A_1, %reduce_sum3A [0] : vector<32x65552xi32> to vector<65552xi32>
    %broadcast_in_dim3A = vector.shape_cast %reduce_sum3A_2 : vector<65552xi32> to vector<1x65552xi32>
    %iota3A = tpu.iota {dimensions = array<i32: 1>} : vector<1x65552xi32>
    %lt3A = arith.constant 65536 : i32
    %lt3A_3 = vector.broadcast %lt3A : i32 to vector<1x65552xi32>
    %lt3A_4 = arith.cmpi slt, %iota3A, %lt3A_3 : vector<1x65552xi32>
    %jit3A = arith.constant 0 : i32
    %broadcast_in_dim3A_5 = vector.broadcast %jit3A : i32 to vector<1x65552xi32>
    %select_n3A = arith.select %lt3A_4, %broadcast_in_dim3A, %broadcast_in_dim3A_5 : vector<1x65552xi1>, vector<1x65552xi32>
    %get3A_6 = arith.constant 0 : index
    %get3A_7 = arith.constant 0 : index
    %get3A_8 = memref.load %arg1[%get3A_6, %get3A_7] : memref<1x1xi32, #tpu.memory_space<smem>>
    %add3A = arith.constant 1 : i32
    %add3A_9 = arith.addi %get3A_8, %add3A : i32
    %add3A_10 = arith.constant 0 : i32
    %add3A_11 = arith.constant 2048 : i32
    %add3A_12 = arith.addi %add3A_10, %add3A_11 : i32
    %sub3A = arith.constant 1 : i32
    %sub3A_13 = arith.subi %add3A_12, %sub3A : i32
    %add3A_14 = arith.constant 1 : i32
    %add3A_15 = arith.addi %sub3A_13, %add3A_14 : i32
    %mul3A = arith.constant 16 : i32
    %mul3A_16 = arith.muli %add3A_15, %mul3A : i32
    %lt3A_17 = vector.broadcast %mul3A_16 : i32 to vector<1x65552xi32>
    %lt3A_18 = arith.cmpi slt, %iota3A, %lt3A_17 : vector<1x65552xi32>
    %jit3A_19 = arith.constant 0 : i32
    %broadcast_in_dim3A_20 = vector.broadcast %jit3A_19 : i32 to vector<1x65552xi32>
    %select_n3A_21 = arith.select %lt3A_18, %select_n3A, %broadcast_in_dim3A_20 : vector<1x65552xi1>, vector<1x65552xi32>
    %reduce_sum3A_22 = vector.shape_cast %select_n3A_21 : vector<1x65552xi32> to vector<1x1x65552xi32>
    %reduce_sum3A_23 = arith.constant dense<0> : vector<1xi32>
    %reduce_sum3A_24 = vector.multi_reduction <add>, %reduce_sum3A_22, %reduce_sum3A_23 [1, 2] : vector<1x1x65552xi32> to vector<1xi32>
    %reduce_sum3A_25 = vector.shape_cast %reduce_sum3A_24 : vector<1xi32> to vector<1x1x1xi32>
    %reduce_sum3A_26 = vector.extract %reduce_sum3A_25[0, 0, 0] : i32 from vector<1x1x1xi32>
    %lt3A_27 = arith.cmpi slt, %reduce_sum3A_26, %add3A_9 : i32
    %jit3A_28 = arith.constant 0 : i32
    %select_n3A_29 = arith.select %lt3A_27, %add3A_12, %jit3A_28 : i32
    %add3A_30 = arith.constant 1024 : i32
    %add3A_31 = arith.addi %select_n3A_29, %add3A_30 : i32
    %sub3A_32 = arith.constant 1 : i32
    %sub3A_33 = arith.subi %add3A_31, %sub3A_32 : i32
    %add3A_34 = arith.constant 1 : i32
    %add3A_35 = arith.addi %sub3A_33, %add3A_34 : i32
    %mul3A_36 = arith.constant 16 : i32
    %mul3A_37 = arith.muli %add3A_35, %mul3A_36 : i32
    %lt3A_38 = vector.broadcast %mul3A_37 : i32 to vector<1x65552xi32>
    %lt3A_39 = arith.cmpi slt, %iota3A, %lt3A_38 : vector<1x65552xi32>
    %jit3A_40 = arith.constant 0 : i32
    %broadcast_in_dim3A_41 = vector.broadcast %jit3A_40 : i32 to vector<1x65552xi32>
    %select_n3A_42 = arith.select %lt3A_39, %select_n3A, %broadcast_in_dim3A_41 : vector<1x65552xi1>, vector<1x65552xi32>
    %reduce_sum3A_43 = vector.shape_cast %select_n3A_42 : vector<1x65552xi32> to vector<1x1x65552xi32>
    %reduce_sum3A_44 = arith.constant dense<0> : vector<1xi32>
    %reduce_sum3A_45 = vector.multi_reduction <add>, %reduce_sum3A_43, %reduce_sum3A_44 [1, 2] : vector<1x1x65552xi32> to vector<1xi32>
    %reduce_sum3A_46 = vector.shape_cast %reduce_sum3A_45 : vector<1xi32> to vector<1x1x1xi32>
    %reduce_sum3A_47 = vector.extract %reduce_sum3A_46[0, 0, 0] : i32 from vector<1x1x1xi32>
    %lt3A_48 = arith.cmpi slt, %reduce_sum3A_47, %add3A_9 : i32
    %select_n3A_49 = arith.select %lt3A_48, %add3A_31, %select_n3A_29 : i32
    %add3A_50 = arith.constant 512 : i32
    %add3A_51 = arith.addi %select_n3A_49, %add3A_50 : i32
    %sub3A_52 = arith.constant 1 : i32
    %sub3A_53 = arith.subi %add3A_51, %sub3A_52 : i32
    %add3A_54 = arith.constant 1 : i32
    %add3A_55 = arith.addi %sub3A_53, %add3A_54 : i32
    %mul3A_56 = arith.constant 16 : i32
    %mul3A_57 = arith.muli %add3A_55, %mul3A_56 : i32
    %lt3A_58 = vector.broadcast %mul3A_57 : i32 to vector<1x65552xi32>
    %lt3A_59 = arith.cmpi slt, %iota3A, %lt3A_58 : vector<1x65552xi32>
    %jit3A_60 = arith.constant 0 : i32
    %broadcast_in_dim3A_61 = vector.broadcast %jit3A_60 : i32 to vector<1x65552xi32>
    %select_n3A_62 = arith.select %lt3A_59, %select_n3A, %broadcast_in_dim3A_61 : vector<1x65552xi1>, vector<1x65552xi32>
    %reduce_sum3A_63 = vector.shape_cast %select_n3A_62 : vector<1x65552xi32> to vector<1x1x65552xi32>
    %reduce_sum3A_64 = arith.constant dense<0> : vector<1xi32>
    %reduce_sum3A_65 = vector.multi_reduction <add>, %reduce_sum3A_63, %reduce_sum3A_64 [1, 2] : vector<1x1x65552xi32> to vector<1xi32>
    %reduce_sum3A_66 = vector.shape_cast %reduce_sum3A_65 : vector<1xi32> to vector<1x1x1xi32>
    %reduce_sum3A_67 = vector.extract %reduce_sum3A_66[0, 0, 0] : i32 from vector<1x1x1xi32>
    %lt3A_68 = arith.cmpi slt, %reduce_sum3A_67, %add3A_9 : i32
    %select_n3A_69 = arith.select %lt3A_68, %add3A_51, %select_n3A_49 : i32
    %add3A_70 = arith.constant 256 : i32
    %add3A_71 = arith.addi %select_n3A_69, %add3A_70 : i32
    %sub3A_72 = arith.constant 1 : i32
    %sub3A_73 = arith.subi %add3A_71, %sub3A_72 : i32
    %add3A_74 = arith.constant 1 : i32
    %add3A_75 = arith.addi %sub3A_73, %add3A_74 : i32
    %mul3A_76 = arith.constant 16 : i32
    %mul3A_77 = arith.muli %add3A_75, %mul3A_76 : i32
    %lt3A_78 = vector.broadcast %mul3A_77 : i32 to vector<1x65552xi32>
    %lt3A_79 = arith.cmpi slt, %iota3A, %lt3A_78 : vector<1x65552xi32>
    %jit3A_80 = arith.constant 0 : i32
    %broadcast_in_dim3A_81 = vector.broadcast %jit3A_80 : i32 to vector<1x65552xi32>
    %select_n3A_82 = arith.select %lt3A_79, %select_n3A, %broadcast_in_dim3A_81 : vector<1x65552xi1>, vector<1x65552xi32>
    %reduce_sum3A_83 = vector.shape_cast %select_n3A_82 : vector<1x65552xi32> to vector<1x1x65552xi32>
    %reduce_sum3A_84 = arith.constant dense<0> : vector<1xi32>
    %reduce_sum3A_85 = vector.multi_reduction <add>, %reduce_sum3A_83, %reduce_sum3A_84 [1, 2] : vector<1x1x65552xi32> to vector<1xi32>
    %reduce_sum3A_86 = vector.shape_cast %reduce_sum3A_85 : vector<1xi32> to vector<1x1x1xi32>
    %reduce_sum3A_87 = vector.extract %reduce_sum3A_86[0, 0, 0] : i32 from vector<1x1x1xi32>
    %lt3A_88 = arith.cmpi slt, %reduce_sum3A_87, %add3A_9 : i32
    %select_n3A_89 = arith.select %lt3A_88, %add3A_71, %select_n3A_69 : i32
    %add3A_90 = arith.constant 128 : i32
    %add3A_91 = arith.addi %select_n3A_89, %add3A_90 : i32
    %sub3A_92 = arith.constant 1 : i32
    %sub3A_93 = arith.subi %add3A_91, %sub3A_92 : i32
    %add3A_94 = arith.constant 1 : i32
    %add3A_95 = arith.addi %sub3A_93, %add3A_94 : i32
    %mul3A_96 = arith.constant 16 : i32
    %mul3A_97 = arith.muli %add3A_95, %mul3A_96 : i32
    %lt3A_98 = vector.broadcast %mul3A_97 : i32 to vector<1x65552xi32>
    %lt3A_99 = arith.cmpi slt, %iota3A, %lt3A_98 : vector<1x65552xi32>
    %jit3A_100 = arith.constant 0 : i32
    %broadcast_in_dim3A_101 = vector.broadcast %jit3A_100 : i32 to vector<1x65552xi32>
    %select_n3A_102 = arith.select %lt3A_99, %select_n3A, %broadcast_in_dim3A_101 : vector<1x65552xi1>, vector<1x65552xi32>
    %reduce_sum3A_103 = vector.shape_cast %select_n3A_102 : vector<1x65552xi32> to vector<1x1x65552xi32>
    %reduce_sum3A_104 = arith.constant dense<0> : vector<1xi32>
    %reduce_sum3A_105 = vector.multi_reduction <add>, %reduce_sum3A_103, %reduce_sum3A_104 [1, 2] : vector<1x1x65552xi32> to vector<1xi32>
    %reduce_sum3A_106 = vector.shape_cast %reduce_sum3A_105 : vector<1xi32> to vector<1x1x1xi32>
    %reduce_sum3A_107 = vector.extract %reduce_sum3A_106[0, 0, 0] : i32 from vector<1x1x1xi32>
    %lt3A_108 = arith.cmpi slt, %reduce_sum3A_107, %add3A_9 : i32
    %select_n3A_109 = arith.select %lt3A_108, %add3A_91, %select_n3A_89 : i32
    %add3A_110 = arith.constant 64 : i32
    %add3A_111 = arith.addi %select_n3A_109, %add3A_110 : i32
    %sub3A_112 = arith.constant 1 : i32
    %sub3A_113 = arith.subi %add3A_111, %sub3A_112 : i32
    %add3A_114 = arith.constant 1 : i32
    %add3A_115 = arith.addi %sub3A_113, %add3A_114 : i32
    %mul3A_116 = arith.constant 16 : i32
    %mul3A_117 = arith.muli %add3A_115, %mul3A_116 : i32
    %lt3A_118 = vector.broadcast %mul3A_117 : i32 to vector<1x65552xi32>
    %lt3A_119 = arith.cmpi slt, %iota3A, %lt3A_118 : vector<1x65552xi32>
    %jit3A_120 = arith.constant 0 : i32
    %broadcast_in_dim3A_121 = vector.broadcast %jit3A_120 : i32 to vector<1x65552xi32>
    %select_n3A_122 = arith.select %lt3A_119, %select_n3A, %broadcast_in_dim3A_121 : vector<1x65552xi1>, vector<1x65552xi32>
    %reduce_sum3A_123 = vector.shape_cast %select_n3A_122 : vector<1x65552xi32> to vector<1x1x65552xi32>
    %reduce_sum3A_124 = arith.constant dense<0> : vector<1xi32>
    %reduce_sum3A_125 = vector.multi_reduction <add>, %reduce_sum3A_123, %reduce_sum3A_124 [1, 2] : vector<1x1x65552xi32> to vector<1xi32>
    %reduce_sum3A_126 = vector.shape_cast %reduce_sum3A_125 : vector<1xi32> to vector<1x1x1xi32>
    %reduce_sum3A_127 = vector.extract %reduce_sum3A_126[0, 0, 0] : i32 from vector<1x1x1xi32>
    %lt3A_128 = arith.cmpi slt, %reduce_sum3A_127, %add3A_9 : i32
    %select_n3A_129 = arith.select %lt3A_128, %add3A_111, %select_n3A_109 : i32
    %add3A_130 = arith.constant 32 : i32
    %add3A_131 = arith.addi %select_n3A_129, %add3A_130 : i32
    %sub3A_132 = arith.constant 1 : i32
    %sub3A_133 = arith.subi %add3A_131, %sub3A_132 : i32
    %add3A_134 = arith.constant 1 : i32
    %add3A_135 = arith.addi %sub3A_133, %add3A_134 : i32
    %mul3A_136 = arith.constant 16 : i32
    %mul3A_137 = arith.muli %add3A_135, %mul3A_136 : i32
    %lt3A_138 = vector.broadcast %mul3A_137 : i32 to vector<1x65552xi32>
    %lt3A_139 = arith.cmpi slt, %iota3A, %lt3A_138 : vector<1x65552xi32>
    %jit3A_140 = arith.constant 0 : i32
    %broadcast_in_dim3A_141 = vector.broadcast %jit3A_140 : i32 to vector<1x65552xi32>
    %select_n3A_142 = arith.select %lt3A_139, %select_n3A, %broadcast_in_dim3A_141 : vector<1x65552xi1>, vector<1x65552xi32>
    %reduce_sum3A_143 = vector.shape_cast %select_n3A_142 : vector<1x65552xi32> to vector<1x1x65552xi32>
    %reduce_sum3A_144 = arith.constant dense<0> : vector<1xi32>
    %reduce_sum3A_145 = vector.multi_reduction <add>, %reduce_sum3A_143, %reduce_sum3A_144 [1, 2] : vector<1x1x65552xi32> to vector<1xi32>
    %reduce_sum3A_146 = vector.shape_cast %reduce_sum3A_145 : vector<1xi32> to vector<1x1x1xi32>
    %reduce_sum3A_147 = vector.extract %reduce_sum3A_146[0, 0, 0] : i32 from vector<1x1x1xi32>
    %lt3A_148 = arith.cmpi slt, %reduce_sum3A_147, %add3A_9 : i32
    %select_n3A_149 = arith.select %lt3A_148, %add3A_131, %select_n3A_129 : i32
    %add3A_150 = arith.constant 16 : i32
    %add3A_151 = arith.addi %select_n3A_149, %add3A_150 : i32
    %sub3A_152 = arith.constant 1 : i32
    %sub3A_153 = arith.subi %add3A_151, %sub3A_152 : i32
    %add3A_154 = arith.constant 1 : i32
    %add3A_155 = arith.addi %sub3A_153, %add3A_154 : i32
    %mul3A_156 = arith.constant 16 : i32
    %mul3A_157 = arith.muli %add3A_155, %mul3A_156 : i32
    %lt3A_158 = vector.broadcast %mul3A_157 : i32 to vector<1x65552xi32>
    %lt3A_159 = arith.cmpi slt, %iota3A, %lt3A_158 : vector<1x65552xi32>
    %jit3A_160 = arith.constant 0 : i32
    %broadcast_in_dim3A_161 = vector.broadcast %jit3A_160 : i32 to vector<1x65552xi32>
    %select_n3A_162 = arith.select %lt3A_159, %select_n3A, %broadcast_in_dim3A_161 : vector<1x65552xi1>, vector<1x65552xi32>
    %reduce_sum3A_163 = vector.shape_cast %select_n3A_162 : vector<1x65552xi32> to vector<1x1x65552xi32>
    %reduce_sum3A_164 = arith.constant dense<0> : vector<1xi32>
    %reduce_sum3A_165 = vector.multi_reduction <add>, %reduce_sum3A_163, %reduce_sum3A_164 [1, 2] : vector<1x1x65552xi32> to vector<1xi32>
    %reduce_sum3A_166 = vector.shape_cast %reduce_sum3A_165 : vector<1xi32> to vector<1x1x1xi32>
    %reduce_sum3A_167 = vector.extract %reduce_sum3A_166[0, 0, 0] : i32 from vector<1x1x1xi32>
    %lt3A_168 = arith.cmpi slt, %reduce_sum3A_167, %add3A_9 : i32
    %select_n3A_169 = arith.select %lt3A_168, %add3A_151, %select_n3A_149 : i32
    %add3A_170 = arith.constant 8 : i32
    %add3A_171 = arith.addi %select_n3A_169, %add3A_170 : i32
    %sub3A_172 = arith.constant 1 : i32
    %sub3A_173 = arith.subi %add3A_171, %sub3A_172 : i32
    %add3A_174 = arith.constant 1 : i32
    %add3A_175 = arith.addi %sub3A_173, %add3A_174 : i32
    %mul3A_176 = arith.constant 16 : i32
    %mul3A_177 = arith.muli %add3A_175, %mul3A_176 : i32
    %lt3A_178 = vector.broadcast %mul3A_177 : i32 to vector<1x65552xi32>
    %lt3A_179 = arith.cmpi slt, %iota3A, %lt3A_178 : vector<1x65552xi32>
    %jit3A_180 = arith.constant 0 : i32
    %broadcast_in_dim3A_181 = vector.broadcast %jit3A_180 : i32 to vector<1x65552xi32>
    %select_n3A_182 = arith.select %lt3A_179, %select_n3A, %broadcast_in_dim3A_181 : vector<1x65552xi1>, vector<1x65552xi32>
    %reduce_sum3A_183 = vector.shape_cast %select_n3A_182 : vector<1x65552xi32> to vector<1x1x65552xi32>
    %reduce_sum3A_184 = arith.constant dense<0> : vector<1xi32>
    %reduce_sum3A_185 = vector.multi_reduction <add>, %reduce_sum3A_183, %reduce_sum3A_184 [1, 2] : vector<1x1x65552xi32> to vector<1xi32>
    %reduce_sum3A_186 = vector.shape_cast %reduce_sum3A_185 : vector<1xi32> to vector<1x1x1xi32>
    %reduce_sum3A_187 = vector.extract %reduce_sum3A_186[0, 0, 0] : i32 from vector<1x1x1xi32>
    %lt3A_188 = arith.cmpi slt, %reduce_sum3A_187, %add3A_9 : i32
    %select_n3A_189 = arith.select %lt3A_188, %add3A_171, %select_n3A_169 : i32
    %add3A_190 = arith.constant 4 : i32
    %add3A_191 = arith.addi %select_n3A_189, %add3A_190 : i32
    %sub3A_192 = arith.constant 1 : i32
    %sub3A_193 = arith.subi %add3A_191, %sub3A_192 : i32
    %add3A_194 = arith.constant 1 : i32
    %add3A_195 = arith.addi %sub3A_193, %add3A_194 : i32
    %mul3A_196 = arith.constant 16 : i32
    %mul3A_197 = arith.muli %add3A_195, %mul3A_196 : i32
    %lt3A_198 = vector.broadcast %mul3A_197 : i32 to vector<1x65552xi32>
    %lt3A_199 = arith.cmpi slt, %iota3A, %lt3A_198 : vector<1x65552xi32>
    %jit3A_200 = arith.constant 0 : i32
    %broadcast_in_dim3A_201 = vector.broadcast %jit3A_200 : i32 to vector<1x65552xi32>
    %select_n3A_202 = arith.select %lt3A_199, %select_n3A, %broadcast_in_dim3A_201 : vector<1x65552xi1>, vector<1x65552xi32>
    %reduce_sum3A_203 = vector.shape_cast %select_n3A_202 : vector<1x65552xi32> to vector<1x1x65552xi32>
    %reduce_sum3A_204 = arith.constant dense<0> : vector<1xi32>
    %reduce_sum3A_205 = vector.multi_reduction <add>, %reduce_sum3A_203, %reduce_sum3A_204 [1, 2] : vector<1x1x65552xi32> to vector<1xi32>
    %reduce_sum3A_206 = vector.shape_cast %reduce_sum3A_205 : vector<1xi32> to vector<1x1x1xi32>
    %reduce_sum3A_207 = vector.extract %reduce_sum3A_206[0, 0, 0] : i32 from vector<1x1x1xi32>
    %lt3A_208 = arith.cmpi slt, %reduce_sum3A_207, %add3A_9 : i32
    %select_n3A_209 = arith.select %lt3A_208, %add3A_191, %select_n3A_189 : i32
    %add3A_210 = arith.constant 2 : i32
    %add3A_211 = arith.addi %select_n3A_209, %add3A_210 : i32
    %sub3A_212 = arith.constant 1 : i32
    %sub3A_213 = arith.subi %add3A_211, %sub3A_212 : i32
    %add3A_214 = arith.constant 1 : i32
    %add3A_215 = arith.addi %sub3A_213, %add3A_214 : i32
    %mul3A_216 = arith.constant 16 : i32
    %mul3A_217 = arith.muli %add3A_215, %mul3A_216 : i32
    %lt3A_218 = vector.broadcast %mul3A_217 : i32 to vector<1x65552xi32>
    %lt3A_219 = arith.cmpi slt, %iota3A, %lt3A_218 : vector<1x65552xi32>
    %jit3A_220 = arith.constant 0 : i32
    %broadcast_in_dim3A_221 = vector.broadcast %jit3A_220 : i32 to vector<1x65552xi32>
    %select_n3A_222 = arith.select %lt3A_219, %select_n3A, %broadcast_in_dim3A_221 : vector<1x65552xi1>, vector<1x65552xi32>
    %reduce_sum3A_223 = vector.shape_cast %select_n3A_222 : vector<1x65552xi32> to vector<1x1x65552xi32>
    %reduce_sum3A_224 = arith.constant dense<0> : vector<1xi32>
    %reduce_sum3A_225 = vector.multi_reduction <add>, %reduce_sum3A_223, %reduce_sum3A_224 [1, 2] : vector<1x1x65552xi32> to vector<1xi32>
    %reduce_sum3A_226 = vector.shape_cast %reduce_sum3A_225 : vector<1xi32> to vector<1x1x1xi32>
    %reduce_sum3A_227 = vector.extract %reduce_sum3A_226[0, 0, 0] : i32 from vector<1x1x1xi32>
    %lt3A_228 = arith.cmpi slt, %reduce_sum3A_227, %add3A_9 : i32
    %select_n3A_229 = arith.select %lt3A_228, %add3A_211, %select_n3A_209 : i32
    %add3A_230 = arith.constant 1 : i32
    %add3A_231 = arith.addi %select_n3A_229, %add3A_230 : i32
    %sub3A_232 = arith.constant 1 : i32
    %sub3A_233 = arith.subi %add3A_231, %sub3A_232 : i32
    %add3A_234 = arith.constant 1 : i32
    %add3A_235 = arith.addi %sub3A_233, %add3A_234 : i32
    %mul3A_236 = arith.constant 16 : i32
    %mul3A_237 = arith.muli %add3A_235, %mul3A_236 : i32
    %lt3A_238 = vector.broadcast %mul3A_237 : i32 to vector<1x65552xi32>
    %lt3A_239 = arith.cmpi slt, %iota3A, %lt3A_238 : vector<1x65552xi32>
    %jit3A_240 = arith.constant 0 : i32
    %broadcast_in_dim3A_241 = vector.broadcast %jit3A_240 : i32 to vector<1x65552xi32>
    %select_n3A_242 = arith.select %lt3A_239, %select_n3A, %broadcast_in_dim3A_241 : vector<1x65552xi1>, vector<1x65552xi32>
    %reduce_sum3A_243 = vector.shape_cast %select_n3A_242 : vector<1x65552xi32> to vector<1x1x65552xi32>
    %reduce_sum3A_244 = arith.constant dense<0> : vector<1xi32>
    %reduce_sum3A_245 = vector.multi_reduction <add>, %reduce_sum3A_243, %reduce_sum3A_244 [1, 2] : vector<1x1x65552xi32> to vector<1xi32>
    %reduce_sum3A_246 = vector.shape_cast %reduce_sum3A_245 : vector<1xi32> to vector<1x1x1xi32>
    %reduce_sum3A_247 = vector.extract %reduce_sum3A_246[0, 0, 0] : i32 from vector<1x1x1xi32>
    %lt3A_248 = arith.cmpi slt, %reduce_sum3A_247, %add3A_9 : i32
    %select_n3A_249 = arith.select %lt3A_248, %add3A_231, %select_n3A_229 : i32
    %sub3A_250 = arith.constant 1 : i32
    %sub3A_251 = arith.subi %add3A_9, %sub3A_250 : i32
    %sub3A_252 = arith.constant 1 : i32
    %sub3A_253 = arith.subi %select_n3A_249, %sub3A_252 : i32
    %add3A_254 = arith.constant 1 : i32
    %add3A_255 = arith.addi %sub3A_253, %add3A_254 : i32
    %mul3A_256 = arith.constant 16 : i32
    %mul3A_257 = arith.muli %add3A_255, %mul3A_256 : i32
    %lt3A_258 = vector.broadcast %mul3A_257 : i32 to vector<1x65552xi32>
    %lt3A_259 = arith.cmpi slt, %iota3A, %lt3A_258 : vector<1x65552xi32>
    %jit3A_260 = arith.constant 0 : i32
    %broadcast_in_dim3A_261 = vector.broadcast %jit3A_260 : i32 to vector<1x65552xi32>
    %select_n3A_262 = arith.select %lt3A_259, %select_n3A, %broadcast_in_dim3A_261 : vector<1x65552xi1>, vector<1x65552xi32>
    %reduce_sum3A_263 = vector.shape_cast %select_n3A_262 : vector<1x65552xi32> to vector<1x1x65552xi32>
    %reduce_sum3A_264 = arith.constant dense<0> : vector<1xi32>
    %reduce_sum3A_265 = vector.multi_reduction <add>, %reduce_sum3A_263, %reduce_sum3A_264 [1, 2] : vector<1x1x65552xi32> to vector<1xi32>
    %reduce_sum3A_266 = vector.shape_cast %reduce_sum3A_265 : vector<1xi32> to vector<1x1x1xi32>
    %reduce_sum3A_267 = vector.extract %reduce_sum3A_266[0, 0, 0] : i32 from vector<1x1x1xi32>
    %sub3A_268 = arith.subi %sub3A_251, %reduce_sum3A_267 : i32
    %swap3A = arith.constant 0 : index
    %swap3A_269 = arith.constant 0 : index
    %swap3A_270 = memref.load %arg2[%swap3A, %swap3A_269] : memref<1x1xi32, #tpu.memory_space<smem>>
    memref.store %select_n3A_249, %arg2[%swap3A, %swap3A_269] : memref<1x1xi32, #tpu.memory_space<smem>>
    %swap3A_271 = arith.constant 0 : index
    %swap3A_272 = arith.constant 0 : index
    %swap3A_273 = memref.load %arg3[%swap3A_271, %swap3A_272] : memref<1x1xi32, #tpu.memory_space<smem>>
    memref.store %sub3A_268, %arg3[%swap3A_271, %swap3A_272] : memref<1x1xi32, #tpu.memory_space<smem>>
    return
  }
}

module attributes {stable_mosaic.version = 14 : i64} {
  func.func @_red_body(%arg0: i32, %arg1: memref<1x1xf32, #tpu.memory_space<smem>>, %arg2: memref<128x1024xf32, #tpu.memory_space<vmem>>, %arg3: memref<128x1024xf32, #tpu.memory_space<vmem>>, %arg4: memref<1x1xf32, #tpu.memory_space<smem>>, %arg5: memref<1x1xf32, #tpu.memory_space<smem>>, %arg6: memref<1x1xi32, #tpu.memory_space<smem>>) attributes {dimension_semantics = [#tpu.dimension_semantics<arbitrary>], iteration_bounds = array<i64: 16>, scalar_prefetch = 0 : i64, scratch_operands = 2 : i64, tpu.core_type = #tpu.core_type<tc>, window_params = [{transform_indices = @transform_0, window_bounds = array<i64: 1, 1>}, {transform_indices = @transform_1, window_bounds = array<i64: 128, 1024>}, {transform_indices = @transform_2, window_bounds = array<i64: 128, 1024>}, {transform_indices = @transform_3, window_bounds = array<i64: 1, 1>}]} {
    %get3A = arith.constant 0 : index
    %get3A_0 = arith.constant 0 : index
    %get3A_1 = memref.load %arg1[%get3A, %get3A_0] : memref<1x1xf32, #tpu.memory_space<smem>>
    %get3A_2 = arith.constant 0 : index
    %get3A_3 = arith.constant 0 : index
    %get3A_4 = vector.load %arg2[%get3A_2, %get3A_3] : memref<128x1024xf32, #tpu.memory_space<vmem>>, vector<128x1024xf32>
    %lt3A = vector.broadcast %get3A_1 : f32 to vector<128x1024xf32>
    %lt3A_5 = arith.cmpf olt, %get3A_4, %lt3A : vector<128x1024xf32>
    %get3A_6 = arith.constant 0 : index
    %get3A_7 = arith.constant 0 : index
    %get3A_8 = vector.load %arg3[%get3A_6, %get3A_7] : memref<128x1024xf32, #tpu.memory_space<vmem>>, vector<128x1024xf32>
    %jit3A = arith.constant 0.000000e+00 : f32
    %broadcast_in_dim3A = vector.broadcast %jit3A : f32 to vector<128x1024xf32>
    %select_n3A = arith.select %lt3A_5, %get3A_8, %broadcast_in_dim3A : vector<128x1024xi1>, vector<128x1024xf32>
    %reduce_sum3A = vector.shape_cast %select_n3A : vector<128x1024xf32> to vector<1x128x1024xf32>
    %reduce_sum3A_9 = arith.constant dense<0.000000e+00> : vector<1xf32>
    %reduce_sum3A_10 = vector.multi_reduction <add>, %reduce_sum3A, %reduce_sum3A_9 [1, 2] : vector<1x128x1024xf32> to vector<1xf32>
    %reduce_sum3A_11 = vector.shape_cast %reduce_sum3A_10 : vector<1xf32> to vector<1x1x1xf32>
    %reduce_sum3A_12 = vector.extract %reduce_sum3A_11[0, 0, 0] : f32 from vector<1x1x1xf32>
    %convert_element_type3A = arith.extui %lt3A_5 : vector<128x1024xi1> to vector<128x1024xi32>
    %reduce_sum3A_13 = vector.shape_cast %convert_element_type3A : vector<128x1024xi32> to vector<1x128x1024xi32>
    %reduce_sum3A_14 = arith.constant dense<0> : vector<1xi32>
    %reduce_sum3A_15 = vector.multi_reduction <add>, %reduce_sum3A_13, %reduce_sum3A_14 [1, 2] : vector<1x128x1024xi32> to vector<1xi32>
    %reduce_sum3A_16 = vector.shape_cast %reduce_sum3A_15 : vector<1xi32> to vector<1x1x1xi32>
    %reduce_sum3A_17 = vector.extract %reduce_sum3A_16[0, 0, 0] : i32 from vector<1x1x1xi32>
    %eq3A = arith.constant 0 : i32
    %eq3A_18 = arith.cmpi eq, %arg0, %eq3A : i32
    %convert_element_type3A_19 = arith.extui %eq3A_18 : i1 to i32
    %cond3A = arith.constant 0 : i32
    %cond3A_20 = arith.cmpi ne, %convert_element_type3A_19, %cond3A : i32
    scf.if %cond3A_20 {
      %swap3A = arith.constant 0 : index
      %swap3A_30 = arith.constant 0 : index
      %swap3A_31 = memref.load %arg5[%swap3A, %swap3A_30] : memref<1x1xf32, #tpu.memory_space<smem>>
      memref.store %reduce_sum3A_12, %arg5[%swap3A, %swap3A_30] : memref<1x1xf32, #tpu.memory_space<smem>>
      %swap3A_32 = arith.constant 0 : index
      %swap3A_33 = arith.constant 0 : index
      %swap3A_34 = memref.load %arg6[%swap3A_32, %swap3A_33] : memref<1x1xi32, #tpu.memory_space<smem>>
      memref.store %reduce_sum3A_17, %arg6[%swap3A_32, %swap3A_33] : memref<1x1xi32, #tpu.memory_space<smem>>
    } else {
    }
    %gt3A = arith.constant 0 : i32
    %gt3A_21 = arith.cmpi sgt, %arg0, %gt3A : i32
    %convert_element_type3A_22 = arith.extui %gt3A_21 : i1 to i32
    %cond3A_23 = arith.constant 0 : i32
    %cond3A_24 = arith.cmpi ne, %convert_element_type3A_22, %cond3A_23 : i32
    scf.if %cond3A_24 {
      %get3A_30 = arith.constant 0 : index
      %get3A_31 = arith.constant 0 : index
      %get3A_32 = memref.load %arg5[%get3A_30, %get3A_31] : memref<1x1xf32, #tpu.memory_space<smem>>
      %add3A = arith.addf %get3A_32, %reduce_sum3A_12 : f32
      %swap3A = arith.constant 0 : index
      %swap3A_33 = arith.constant 0 : index
      %swap3A_34 = memref.load %arg5[%swap3A, %swap3A_33] : memref<1x1xf32, #tpu.memory_space<smem>>
      memref.store %add3A, %arg5[%swap3A, %swap3A_33] : memref<1x1xf32, #tpu.memory_space<smem>>
      %get3A_35 = arith.constant 0 : index
      %get3A_36 = arith.constant 0 : index
      %get3A_37 = memref.load %arg6[%get3A_35, %get3A_36] : memref<1x1xi32, #tpu.memory_space<smem>>
      %add3A_38 = arith.addi %get3A_37, %reduce_sum3A_17 : i32
      %swap3A_39 = arith.constant 0 : index
      %swap3A_40 = arith.constant 0 : index
      %swap3A_41 = memref.load %arg6[%swap3A_39, %swap3A_40] : memref<1x1xi32, #tpu.memory_space<smem>>
      memref.store %add3A_38, %arg6[%swap3A_39, %swap3A_40] : memref<1x1xi32, #tpu.memory_space<smem>>
    } else {
    }
    %eq3A_25 = arith.constant 15 : i32
    %eq3A_26 = arith.cmpi eq, %arg0, %eq3A_25 : i32
    %convert_element_type3A_27 = arith.extui %eq3A_26 : i1 to i32
    %cond3A_28 = arith.constant 0 : i32
    %cond3A_29 = arith.cmpi ne, %convert_element_type3A_27, %cond3A_28 : i32
    scf.if %cond3A_29 {
      %get3A_30 = arith.constant 0 : index
      %get3A_31 = arith.constant 0 : index
      %get3A_32 = memref.load %arg6[%get3A_30, %get3A_31] : memref<1x1xi32, #tpu.memory_space<smem>>
      %max3A = arith.constant 1 : i32
      %max3A_33 = arith.maxsi %get3A_32, %max3A : i32
      %convert_element_type3A_34 = arith.sitofp %max3A_33 : i32 to f32
      %get3A_35 = arith.constant 0 : index
      %get3A_36 = arith.constant 0 : index
      %get3A_37 = memref.load %arg5[%get3A_35, %get3A_36] : memref<1x1xf32, #tpu.memory_space<smem>>
      %div3A = arith.divf %get3A_37, %convert_element_type3A_34 : f32
      %swap3A = arith.constant 0 : index
      %swap3A_38 = arith.constant 0 : index
      %swap3A_39 = memref.load %arg4[%swap3A, %swap3A_38] : memref<1x1xf32, #tpu.memory_space<smem>>
      memref.store %div3A, %arg4[%swap3A, %swap3A_38] : memref<1x1xf32, #tpu.memory_space<smem>>
    } else {
    }
    return
  }
  func.func @transform_0(%arg0: i32) -> (i32, i32) {
    %c0_i32 = arith.constant 0 : i32
    %c0_i32_0 = arith.constant 0 : i32
    %c0_i32_1 = arith.constant 0 : i32
    return %c0_i32, %c0_i32_0 : i32, i32
  }
  func.func @transform_1(%arg0: i32) -> (i32, i32) {
    %c0_i32 = arith.constant 0 : i32
    %c0_i32_0 = arith.constant 0 : i32
    return %arg0, %c0_i32 : i32, i32
  }
  func.func @transform_2(%arg0: i32) -> (i32, i32) {
    %c0_i32 = arith.constant 0 : i32
    %c0_i32_0 = arith.constant 0 : i32
    return %arg0, %c0_i32 : i32, i32
  }
  func.func @transform_3(%arg0: i32) -> (i32, i32) {
    %c0_i32 = arith.constant 0 : i32
    %c0_i32_0 = arith.constant 0 : i32
    %c0_i32_1 = arith.constant 0 : i32
    return %c0_i32, %c0_i32_0 : i32, i32
  }
}

</mosaic_0001>

<sc_bundles>
// kernel: branch_0_fun.10.cloned.1.call-start
scs
__scs_entry_jumppad:
0x0: {  	(pc) =	sbr.rel $0x88, $3  }
0x1: {  	(tag) =	ssettag $0x0;
	lr =	simm.s32 $0x1  }
0x2: {  	[smem:$0x3F9F] =	sst lr;
	_ =	strace $0xD0000000  }
0x3: {  	_ = 	snop  }
0x4: {  	_ = 	snop  }
0x5: {  	_ = 	snop  }
0x6: {  	_ = 	snop  }
0x7: {  	_ = 	snop  }
__scs_overlays_trampoline_lowered:
0x8: {  	[smem:$0x3FAE] =	sst s0  }
0x9: {  	[smem:$0x3FAF] =	sst s1  }
0xa: {  	[smem:$0x3FB0] =	sst s2  }
0xb: {  	[smem:$0x3FB1] =	sst s3  }
0xc: {  	[smem:$0x3FB2] =	sst s4  }
0xd: {  	[smem:$0x3FB3] =	sst s5  }
0xe: {  	[smem:$0x3FB4] =	sst s6  }
0xf: {  	[smem:$0x3FB5] =	sst s7  }
0x10: {  	[smem:$0x3FB6] =	sst s8  }
0x11: {  	[smem:$0x3FB7] =	sst s9;
	s0 =	simm.s32 @!p0 $0x0  }
0x12: {  	s1 =	sld [smem:$0x3F9D];
	s0 =	simm.s32 @p0 $0x1  }
0x13: {  	[smem:$0x3FB8] =	sst s0;
	s0 =	simm.s32 @!p1 $0x0  }
0x14: {  	s2 =	sld [smem:$0x3F9C];
	s0 =	simm.s32 @p1 $0x1  }
0x15: {  	[smem:$0x3FB9] =	sst s0;
	s0 =	simm.s32 @!p2 $0x0  }
0x16: {  	s3 =	sld [smem:$0x3FDB];
	s0 =	simm.s32 @p2 $0x1  }
0x17: {  	s4 =	simm.s32 $0x1BF5;
	[smem:$0x3FBB] =	sst s0  }
0x18: {  	s0 =	sld [smem:$0x3F9E];
	_ =	swait.ge [sflag:s4], $0x0  }
0x19: {  	s7 =	sld [smem:$0x3F9F]  }
0x1a: {  	s8 =	sadd.s32 $0xFFFFE003, lr  }
0x1b: {  	s9 =	sadd.s32 $0xFFFFFEF7, lr;
	s5 =	simm.s32 $0xFFFFFFFF;
	p2 =	slt.u32 s8, $0xFFFFF086  }
0x1c: {  	p1 =	slt.u32 s9, $0xF7A;
	s5 =	simm.s32 @!p2 $0x0  }
0x1d: {  	s5 =	simm.s32 @p1 $0x1;
	p0 =	seq.s32 s7, s2  }
0x1e: {  	s7 =	smul.u32 @!p0 $0xF7A, s2;
	p2 =	seq.s32 @!p0 s5, $0x0  }
0x1f: {  	s9 =	smul.u32 $0xF7A, s1;
	s8 =	simm.s32 @!p0 $0x1BF5;
	p2 =	por !p2, p0  }
0x20: {  	[sflag:s8] =	ssyncset.s32 @!p0 $0xFFFFF086;
	s6 =	sadd.s32 @!p0 s3, s7;
	s7 =	simm.s32 @!p0 $0x108  }
0x21: {  	s3 =	sadd.s32 s3, s9;
	s6 =	sadd.s32 @!p0 $0x88, s6;
	s7 =	simm.s32 @p2 $0x1082  }
0x22: {  	[simem:s7], [sflag:s8] =	dma.local @!p0 [hbm:s6], $0xF7A  }
0x23: {  	s9 =	sor.u32 $0xD0000000, s2;
	s6 =	simm.s32 $0x108;
	_ =	swait.ge @!p0 [sflag:s8], $0x0  }
0x24: {  	s3 =	sadd.s32 $0x88, s3;
	s6 =	simm.s32 @!p1 $0x1082;
	[sflag:s4] =	ssyncset.s32 $0xFFFFF086  }
0x25: {  	[simem:s6], [sflag:s4] =	dma.local [hbm:s3], $0xF7A  }
0x26: {  	[smem:$0x3F9F] =	sst s1;
	(tag) =	ssettag s2;
	_ =	strace s9  }
0x27: {  	s1 =	sld [smem:$0x3FAF]  }
0x28: {  	s2 =	sld [smem:$0x3FB0]  }
0x29: {  	s4 =	sld [smem:$0x3FB2]  }
0x2a: {  	p0 =	seq.s32 s5, $0x0;
	s5 =	sld [smem:$0x3FB3]  }
0x2b: {  	s6 =	sld [smem:$0x3FB4]  }
0x2c: {  	s7 =	sld [smem:$0x3FB5]  }
0x2d: {  	s3 =	simm.s32 $0x108;
	s8 =	sld [smem:$0x3FB6]  }
0x2e: {  	s3 =	simm.s32 @!p0 $0x1082;
	s9 =	sld [smem:$0x3FB7]  }
0x2f: {  	lr =	sadd.s32 s0, s3;
	s0 =	sld [smem:$0x3FAE]  }
0x30: {  	s3 =	sld [smem:$0x3FB1]  }
0x31: {  	[smem:$0x3FBA] =	sst s10  }
0x32: {  	s10 =	sld [smem:$0x3FB8];
	_ =	sdelay $0x3  }
0x33: {  	p0 =	seq.s32 s10, $0x1;
	s10 =	sld [smem:$0x3FBA];
	_ =	sdelay $0x3  }
0x34: {  	[smem:$0x3FBA] =	sst s10  }
0x35: {  	s10 =	sld [smem:$0x3FB9];
	_ =	sdelay $0x3  }
0x36: {  	p1 =	seq.s32 s10, $0x1;
	s10 =	sld [smem:$0x3FBA];
	_ =	sdelay $0x3  }
0x37: {  	[smem:$0x3FBA] =	sst s10  }
0x38: {  	s10 =	sld [smem:$0x3FBB]  }
0x39: {  	_ = 	snop;
	(pc) =	sbr.ind lr, $3  }
0x3a: {  	_ = 	snop  }
0x3b: {  	_ = 	snop  }
0x3c: {  	p2 =	seq.s32 s10, $0x1;
	s10 =	sld [smem:$0x3FBA]  }
0x3d: {  	_ =	shalt  }
0x3e: {  	_ =	shalt  }
0x3f: {  	_ =	shalt  }
0x40: {  	_ =	shalt  }
0x41: {  	_ =	shalt  }
0x42: {  	_ =	shalt  }
0x43: {  	_ =	shalt  }
0x44: {  	_ =	shalt  }
0x45: {  	_ =	shalt  }
0x46: {  	_ =	shalt  }
0x47: {  	_ =	shalt  }
0x48: {  	_ =	shalt  }
0x49: {  	_ =	shalt  }
0x4a: {  	_ =	shalt  }
0x4b: {  	_ =	shalt  }
0x4c: {  	_ =	shalt  }
0x4d: {  	_ =	shalt  }
0x4e: {  	_ =	shalt  }
0x4f: {  	_ =	shalt  }
0x50: {  	_ =	shalt  }
0x51: {  	_ =	shalt  }
0x52: {  	_ =	shalt  }
0x53: {  	_ =	shalt  }
0x54: {  	_ =	shalt  }
0x55: {  	_ =	shalt  }
0x56: {  	_ =	shalt  }
0x57: {  	_ =	shalt  }
0x58: {  	_ =	shalt  }
0x59: {  	_ =	shalt  }
0x5a: {  	_ =	shalt  }
0x5b: {  	_ =	shalt  }
0x5c: {  	_ =	shalt  }
0x5d: {  	_ =	shalt  }
0x5e: {  	_ =	shalt  }
0x5f: {  	_ =	shalt  }
0x60: {  	_ =	shalt  }
0x61: {  	_ =	shalt  }
0x62: {  	_ =	shalt  }
0x63: {  	_ =	shalt  }
0x64: {  	_ =	shalt  }
0x65: {  	_ =	shalt  }
0x66: {  	_ =	shalt  }
0x67: {  	_ =	shalt  }
0x68: {  	_ =	shalt  }
0x69: {  	_ =	shalt  }
0x6a: {  	_ =	shalt  }
0x6b: {  	_ =	shalt  }
0x6c: {  	_ =	shalt  }
0x6d: {  	_ =	shalt  }
0x6e: {  	_ =	shalt  }
0x6f: {  	_ =	shalt  }
0x70: {  	_ =	shalt  }
0x71: {  	_ =	shalt  }
0x72: {  	_ =	shalt  }
0x73: {  	_ =	shalt  }
0x74: {  	_ =	shalt  }
0x75: {  	_ =	shalt  }
0x76: {  	_ =	shalt  }
0x77: {  	_ =	shalt  }
0x78: {  	_ =	shalt  }
0x79: {  	_ =	shalt  }
0x7a: {  	_ =	shalt  }
0x7b: {  	_ =	shalt  }
0x7c: {  	_ =	shalt  }
0x7d: {  	_ =	shalt  }
0x7e: {  	_ =	shalt  }
0x7f: {  	_ =	shalt  }
0x80: {  	_ =	shalt  }
0x81: {  	_ =	shalt  }
0x82: {  	_ =	shalt  }
0x83: {  	_ =	shalt  }
0x84: {  	_ =	shalt  }
0x85: {  	_ =	shalt  }
0x86: {  	_ =	shalt  }
0x87: {  	_ =	shalt  }
.Lfunc_end0:
.L_simem_size_0:
called_computation_lowered:
.L_overlay_start_0:
0x88: {  	s2 =	sld [smem:$0x3FD9]  }
0x89: {  	s3 =	sld [smem:$0x3FFE];
	_ =	sdelay $0x1  }
0x8a: {  	s1 =	srdreg.scid  }
0x8b: {  	s0 =	sand.u32 $0x1, s1  }
0x8c: {  	s16 =	sshll.u32 s0, $0xA;
	s2 =	sadd.s32 s3, s2  }
0x8d: {  	s2 =	sadd.s32 s2, s16  }
0x8e: {  	[smem:$0x3FC6] =	sst s2  }
0x8f: {  	_ = 	snop  }
0x90: {  	(tm) =	ssettm $0x1  }
0x91: {  	s17 =	sld [smem:$0x3FFB];
	_ =	sdelay $0x3  }
0x92: {  	_ =	strace s17  }
0x93: {  	s2 =	sld [smem:$0x3FFC];
	_ =	sdelay $0x3  }
0x94: {  	_ =	strace s2  }
0x95: {  	s2 =	sld [smem:$0x3FFD];
	_ =	sdelay $0x3  }
0x96: {  	_ =	strace s2  }
0x97: {  	_ =	strace $0x8FFFFFFF  }
0x98: {  	s18 =	sld [smem:$0x3FDB];
	_ =	sdelay $0x1  }
0x99: {  	s19 =	simm.s32 $_scs_section_size  }
0x9a: {  	s4 =	simm.s32 $_size__tile_overlayer_lowered;
	s5 =	simm.s32 $_tile_overlayer_lowered  }
0x9b: {  	s22 =	simm.s32 $0x1BFF;
	s21 =	sshll.u32 s5, $0x1;
	s2 =	sadd.s32 s19, s18  }
0x9c: {  	s6 =	simm.s32 $0x0;
	s20 =	sshll.u32 s4, $0x1;
	s4 =	sadd.s32 s21, s2  }
0x9d: {  	[timem:s6], [sflag:s22] =	dma.local [hbm:s4], s20  }
0x9e: {  	_ =	swait.ge [sflag:s22], s20  }
0x9f: {  	s3 =	ssub.s32 $0x0, s20;
	[sflag:s22] =	ssyncset.done $0x0  }
0xa0: {  	[sflag:s22] =	ssyncadd.s32 s3;
	_ =	sdelay $0x1  }
0xa1: {  	s23 =	simm.s32 $0x1B8B  }
0xa2: {  	_ =	swait.ge [sflag:s23], $0x1  }
0xa3: {  	[sflag:s23] =	ssyncset.done $0x0  }
0xa4: {  	s25 =	simm.s32 $0x1B8E;
	s24 =	sld [smem:$0x3FFE];
	[sflag:s23] =	ssyncadd.s32 $0xFFFFFFFF  }
0xa5: {  	s26 =	simm.s32 $execute0_lowered;
	[smem:$0x3FD2] =	sst s25  }
0xa6: {  	s4 =	sshll.u32 s26, $0x1;
	_ =	strace $0x80000046;
	[dreg:$0x1] =	wrdreg $0xFFFFFFFF  }
0xa7: {  	s28 =	simm.s32 $_size_execute0_lowered;
	s2 =	sadd.s32 s2, s4;
	[dreg:$0x0] =	wrdreg $0x0  }
0xa8: {  	s4 =	sshll.u32 s28, $0x1;
	[dreg:$0x2] =	wrdreg s2  }
0xa9: {  	[dreg:$0x3] =	wrdreg s4  }
0xaa: {  	[dreg:$0x4] =	wrdreg $0xC0  }
0xab: {  	_ =	task [dreg:s6], $0x5FFFF  }
0xac: {  	[dreg:$0x1] =	wrdreg $0xFFFFFFFF  }
0xad: {  	[dreg:$0x0] =	wrdreg $0x60  }
0xae: {  	[dreg:$0x2] =	wrdreg s24  }
0xaf: {  	[dreg:$0x3] =	wrdreg $0x9  }
0xb0: {  	_ =	task.clear_ibuf [dreg:s6], $0x4FFFF;
	_ =	strace $0x90000046  }
0xb1: {  	s29 =	simm.s32 $0x9;
	_ =	strace $0x80000048  }
0xb2: {  	_ =	swait.ge [sflag:s29], $0x1  }
0xb3: {  	[sflag:s29] =	ssyncadd.s32 $0xFFFFFFFF  }
0xb4: {  	_ =	strace $0x90000048  }
0xb5: {  	_ =	sfence  }
0xb6: {  	s30 =	sld [smem:$0x0];
	_ =	sdelay $0x2  }
0xb7: {  	s31 =	sshll.u32 s1, $0xD;
	s1 =	sshrl.u32 s1, $0x2  }
0xb8: {  	s3 =	sand.u32 $0x4000, s31;
	s1 =	sadd.s32 s1, s30  }
0xb9: {  	s0 =	sor.u32 s3, s0;
	s1 =	sshll.u32 s1, $0x11  }
0xba: {  	s0 =	sor.u32 s1, s0  }
0xbb: {  	s0 =	sadd.s32 $0x8F2B, s0  }
0xbc: {  	[sflag:s0] =	ssyncadd.remote.s32 $0x1  }
0xbd: {  	_ =	sfence.sel $0xFFFF  }
0xbe: {  	[dreg:$0x0] =	wrdreg $0xFFFFFFFF;
	(pc) =	sbr.abs _section_cstart, $3  }
0xbf: {  	[dreg:$0x1] =	wrdreg $0xFFFFFFFF  }
0xc0: {  	_ =	task.clear_ibuf [dreg:s6], $0x2FFFF;
	_ =	strace $0x9FFFFFFF  }
0xc1: {  	(tm) =	ssettm $0x7FFFFFFF  }
tec
execute0_lowered:
.L_overlay_start_1:
0x0: {  	(tag) =	ssettag $0x1  }
0x1: {  	s5 =	rddreg [dreg:$0x0]  }
0x2: {  	s0 =	rddreg [dreg:$0x1]  }
0x3: {  	s3 =	srdreg.scid;
	s1 =	stileid.u32;
	s2 =	simm.s32 $0x0  }
0x4: {  	s12 =	simm.s32 $0x3;
	s13 =	simm.s32 $0x18080;
	s14 =	simm.s32 $0x4000  }
0x5: {  	s15 =	simm.s32 $0x1;
	s16 =	simm.s32 $0x2;
	s17 =	simm.s32 $0x0  }
0x6: {  	s3 =	sand.u32 $0x1, s3;
	s4 =	sshll.u32 s1, $0x1;
	[smem:$0x7FF] =	sst s2  }
0x7: {  	s4 =	sor.u32 s3, s4;
	_ =	strace $0x80000047;
	s7 =	ssub.s32 $0x2, s3  }
0x8: {  	s3 =	sadd.s32 $0x83400, s5;
	s6 =	sshll.u32 s4, $0xD;
	s31 =	smul.u32 $0x2002, s4  }
0x9: {  	s4 =	sadd.s32 $0x85600, s5;
	s9 =	sshrl.u32 s7, $0x1;
	s8 =	sadd.s32 s6, s5  }
0xa: {  	s11 =	ssub.s32 s7, s9;
	s10 =	sadd.s32 s31, s5;
	s5 =	sadd.s32 $0x43400, s8  }
0xb: {  	s6 =	sadd.s32 $0x43C00, s8;
	s7 =	sadd.s32 $0x44400, s8;
	s8 =	sadd.s32 $0x44C00, s8  }
0xc: {  	v0 =	vlaneseq.u32;
	v1 =	vimm.s32 $0x1;
	s9 =	sadd.s32 $0x85800, s10;
	s10 =	smax.u32 s11, $0x1;
	s11 =	simm.s32 $0x8000  }
.LBB2_1:
0xd: {  	[tilespmem:s11], [sflag:$0x3] =	stream.linear.gather [hbm4b:s3+s2], $0x10080, $0x38;
	[tilespmem:$0x18100] =	vst v63  }
0xe: {  	_ =	swait.ge [sflag:s12], $0x10080  }
0xf: {  	[sflag:s12] =	ssyncset.done $0x0  }
0x10: {  	[sflag:s12] =	ssyncadd.s32 $0xFFFEFF80  }
0x11: {  	[tilespmem:s13], [sflag:$0x3] =	stream.linear.gather [hbm4b:s4+s2], $0x80, $0x38;
	[tilespmem:$0x18100] =	vst v63  }
0x12: {  	_ =	swait.ge [sflag:s12], $0x80  }
0x13: {  	[sflag:s12] =	ssyncset.done $0x0  }
0x14: {  	[sflag:s12] =	ssyncadd.s32 $0xFFFFFF80  }
0x15: {  	[tilespmem:s2], [sflag:$0x1] =	stream.linear.gather [hbm4b:s5+s2], $0x4000, $0x38;
	[tilespmem:$0x18100] =	vst v63  }
0x16: {  	_ = 	snop  }
0x17: {  	[tilespmem:s14], [sflag:$0x2] =	stream.linear.gather [hbm4b:s6+s2], $0x4000, $0x38;
	[tilespmem:$0x18100] =	vst v63  }
0x18: {  	_ =	swait.ge [sflag:s15], $0x4000  }
0x19: {  	[sflag:s15] =	ssyncset.done $0x0  }
0x1a: {  	s19 =	simm.s32 $0x0;
	s18 =	simm.s32 $0x40;
	[sflag:s15] =	ssyncadd.s32 $0xFFFFC000  }
.LBB2_2:
0x1b: {  	p0 =	sne.s32 s18, $0xFFC0;
	v2 =	vld [tilespmem:s19+$0x0];
	_ =	sdelay $0x4  }
0x1c: {  	v2 =	vshrl.u32 v2, $0x10  }
0x1d: {  	v2 =	vand.u32 $0xFFF0, v2  }
0x1e: {  	v2 =	vor.u32 v0, v2  }
.Ltmp0:
0x1f: {  	(pc) =	sbr.rel @p0 .LBB2_2-.Ltmp0, $2  }
0x20: {  	_ =	sdelay $0x2  }
0x21: {  	s19 =	sshra.s32 s18, $0x2;
	s18 =	sadd.s32 $0x40, s18;
	[tilespmem:v2+s11+$0x0] =	vst.idx.add.s32.msk $0xffff, v1  }
0x22: {  	v2 =	vld [tilespmem:s19+$0x0];
	_ =	sdelay $0x4  }
0x23: {  	v2 =	vshrl.u32 v2, $0x10  }
0x24: {  	v2 =	vand.u32 $0xFFF0, v2  }
0x25: {  	v2 =	vor.u32 v0, v2;
	_ =	sdelay $0x4  }
0x26: {  	s18 =	simm.s32 $0x0;
	[tilespmem:v2+s11+$0x0] =	vst.idx.add.s32.msk $0xffff, v1  }
0x27: {  	[tilespmem:s18], [sflag:$0x1] =	stream.linear.gather [hbm4b:s7+s18], $0x4000, $0x38;
	[tilespmem:$0x18100] =	vst v63  }
0x28: {  	_ =	swait.ge [sflag:s16], $0x4000  }
0x29: {  	[sflag:s16] =	ssyncset.done $0x0  }
0x2a: {  	s19 =	sand.u32 $0x3FF0, s18;
	s18 =	simm.s32 $0x10;
	[sflag:s16] =	ssyncadd.s32 $0xFFFFC000  }
.LBB2_4:
0x2b: {  	p0 =	sne.s32 s18, $0x3FF0;
	v2 =	vld [tilespmem:s19+$0x4000];
	_ =	sdelay $0x4  }
0x2c: {  	v2 =	vshrl.u32 v2, $0x10  }
0x2d: {  	v2 =	vand.u32 $0xFFF0, v2  }
0x2e: {  	v2 =	vor.u32 v0, v2  }
.Ltmp1:
0x2f: {  	(pc) =	sbr.rel @p0 .LBB2_4-.Ltmp1, $2  }
0x30: {  	_ =	sdelay $0x2  }
0x31: {  	s19 =	sand.u32 $0x3FF0, s18;
	s18 =	sadd.s32 $0x10, s18;
	[tilespmem:v2+s11+$0x0] =	vst.idx.add.s32.msk $0xffff, v1  }
0x32: {  	v2 =	vld [tilespmem:s19+$0x4000];
	_ =	sdelay $0x4  }
0x33: {  	v2 =	vshrl.u32 v2, $0x10  }
0x34: {  	v2 =	vand.u32 $0xFFF0, v2  }
0x35: {  	v2 =	vor.u32 v0, v2;
	_ =	sdelay $0x4  }
0x36: {  	s18 =	simm.s32 $0x0;
	[tilespmem:v2+s11+$0x0] =	vst.idx.add.s32.msk $0xffff, v1  }
0x37: {  	[tilespmem:s14], [sflag:$0x2] =	stream.linear.gather [hbm4b:s8+s18], $0x4000, $0x38;
	[tilespmem:$0x18100] =	vst v63  }
0x38: {  	_ =	swait.ge [sflag:s15], $0x4000  }
0x39: {  	[sflag:s15] =	ssyncset.done $0x0  }
0x3a: {  	s19 =	simm.s32 $0x0;
	s18 =	simm.s32 $0x40;
	[sflag:s15] =	ssyncadd.s32 $0xFFFFC000  }
.LBB2_6:
0x3b: {  	p0 =	sne.s32 s18, $0xFFC0;
	v2 =	vld [tilespmem:s19+$0x0];
	_ =	sdelay $0x4  }
0x3c: {  	v2 =	vshrl.u32 v2, $0x10  }
0x3d: {  	v2 =	vand.u32 $0xFFF0, v2  }
0x3e: {  	v2 =	vor.u32 v0, v2  }
.Ltmp2:
0x3f: {  	(pc) =	sbr.rel @p0 .LBB2_6-.Ltmp2, $2  }
0x40: {  	_ =	sdelay $0x2  }
0x41: {  	s19 =	sshra.s32 s18, $0x2;
	s18 =	sadd.s32 $0x40, s18;
	[tilespmem:v2+s11+$0x0] =	vst.idx.add.s32.msk $0xffff, v1  }
0x42: {  	v2 =	vld [tilespmem:s19+$0x0];
	_ =	sdelay $0x4  }
0x43: {  	v2 =	vshrl.u32 v2, $0x10  }
0x44: {  	v2 =	vand.u32 $0xFFF0, v2  }
0x45: {  	v2 =	vor.u32 v0, v2;
	_ =	sdelay $0x4  }
0x46: {  	[tilespmem:v2+s11+$0x0] =	vst.idx.add.s32.msk $0xffff, v1  }
0x47: {  	_ =	swait.ge [sflag:s16], $0x4000  }
0x48: {  	s18 =	simm.s32 $0x0;
	[sflag:s16] =	ssyncset.done $0x0  }
0x49: {  	s19 =	sand.u32 $0x3FF0, s18;
	s18 =	simm.s32 $0x10;
	[sflag:s16] =	ssyncadd.s32 $0xFFFFC000  }
.LBB2_8:
0x4a: {  	p0 =	sne.s32 s18, $0x3FF0;
	v2 =	vld [tilespmem:s19+$0x4000];
	_ =	sdelay $0x4  }
0x4b: {  	v2 =	vshrl.u32 v2, $0x10  }
0x4c: {  	v2 =	vand.u32 $0xFFF0, v2  }
0x4d: {  	v2 =	vor.u32 v0, v2  }
.Ltmp3:
0x4e: {  	(pc) =	sbr.rel @p0 .LBB2_8-.Ltmp3, $2  }
0x4f: {  	_ =	sdelay $0x2  }
0x50: {  	s19 =	sand.u32 $0x3FF0, s18;
	s18 =	sadd.s32 $0x10, s18;
	[tilespmem:v2+s11+$0x0] =	vst.idx.add.s32.msk $0xffff, v1  }
0x51: {  	v2 =	vld [tilespmem:s19+$0x4000];
	_ =	sdelay $0x4  }
0x52: {  	v2 =	vshrl.u32 v2, $0x10  }
0x53: {  	v2 =	vand.u32 $0xFFF0, v2  }
0x54: {  	v2 =	vor.u32 v0, v2;
	_ =	sdelay $0x2  }
0x55: {  	s17 =	sadd.s32 $0x1, s17  }
0x56: {  	p0 =	sne.s32 s17, s10  }
.Ltmp4:
0x57: {  	[tilespmem:v2+s11+$0x0] =	vst.idx.add.s32.msk $0xffff, v1;
	(pc) =	sbr.rel @p0 .LBB2_1-.Ltmp4, $4  }
0x58: {  	[hbm4b:s9+s2] =	stream.linear.scatter [tilespmem:s11], [sflag:$0x3], $0x10010, $0x38;
	[tilespmem:$0x18100] =	vst v63  }
0x59: {  	_ =	swait.ge [sflag:s12], $0x10010  }
0x5a: {  	[sflag:s12] =	ssyncset.done $0x0  }
0x5b: {  	[sflag:s12] =	ssyncadd.s32 $0xFFFEFFF0  }
0x5c: {  	_ =	sfence.sel $0x180000  }
0x5d: {  	[bflag:$0x0] =	sbarrier.arrive $0xFFFF  }
0x5e: {  	p0 =	sne.s32 s1, $0x0;
	_ =	strace $0x90000047  }
0x5f: {  	s0 =	sadd.s32 @!p0 $0x100000, s0;
	[bflag:$0x2] =	sbarrier.arrive $0xFFFF  }
0x60: {  	[sflag:s0] =	ssyncadd.tile.s32 @!p0 $0x1;
	_ =	shalt  }
.Lfunc_end2:
_tile_overlayer_lowered:
.L_overlay_start_2:
0x61: {  	(tag) =	ssettag $0x2  }
0x62: {  	s0 =	rddreg [dreg:$0x0];
	s2 =	stileid.u32  }
0x63: {  	s1 =	rddreg [dreg:$0x1];
	p0 =	sne.s32 s2, $0x0  }
0x64: {  	s3 =	rddreg [dreg:$0x2];
	[bflag:$0x3] =	sbarrier.arrive $0xFFFF;
	s2 =	simm.s32 @!p0 $0x1C03  }
0x65: {  	[timem:s3], [sflag:s2] =	dma.local @!p0 [hbm:s0], s1  }
0x66: {  	s0 =	simm.s32 @!p0 $0x3  }
0x67: {  	_ =	swait.ge @!p0 [sflag:s0], s1  }
0x68: {  	s1 =	ssub.s32 @!p0 $0x0, s1;
	[sflag:s0] =	ssyncset.done @!p0 $0x0  }
0x69: {  	[sflag:s0] =	ssyncadd.s32 @!p0 s1  }
0x6a: {  	[bflag:$0x3] =	sbarrier.arrive $0xFFFF  }
0x6b: {  	_ =	shalt  }

// kernel: branch_0_fun.13.cloned.1.call-start
scs
__scs_entry_jumppad:
0x0: {  	(pc) =	sbr.rel $0x88, $3  }
0x1: {  	(tag) =	ssettag $0x0;
	lr =	simm.s32 $0x1  }
0x2: {  	[smem:$0x3F9F] =	sst lr;
	_ =	strace $0xD0000000  }
0x3: {  	_ = 	snop  }
0x4: {  	_ = 	snop  }
0x5: {  	_ = 	snop  }
0x6: {  	_ = 	snop  }
0x7: {  	_ = 	snop  }
__scs_overlays_trampoline_lowered:
0x8: {  	[smem:$0x3FAE] =	sst s0  }
0x9: {  	[smem:$0x3FAF] =	sst s1  }
0xa: {  	[smem:$0x3FB0] =	sst s2  }
0xb: {  	[smem:$0x3FB1] =	sst s3  }
0xc: {  	[smem:$0x3FB2] =	sst s4  }
0xd: {  	[smem:$0x3FB3] =	sst s5  }
0xe: {  	[smem:$0x3FB4] =	sst s6  }
0xf: {  	[smem:$0x3FB5] =	sst s7  }
0x10: {  	[smem:$0x3FB6] =	sst s8  }
0x11: {  	[smem:$0x3FB7] =	sst s9;
	s0 =	simm.s32 @!p0 $0x0  }
0x12: {  	s1 =	sld [smem:$0x3F9D];
	s0 =	simm.s32 @p0 $0x1  }
0x13: {  	[smem:$0x3FB8] =	sst s0;
	s0 =	simm.s32 @!p1 $0x0  }
0x14: {  	s2 =	sld [smem:$0x3F9C];
	s0 =	simm.s32 @p1 $0x1  }
0x15: {  	[smem:$0x3FB9] =	sst s0;
	s0 =	simm.s32 @!p2 $0x0  }
0x16: {  	s3 =	sld [smem:$0x3FDB];
	s0 =	simm.s32 @p2 $0x1  }
0x17: {  	s4 =	simm.s32 $0x1BF5;
	[smem:$0x3FBB] =	sst s0  }
0x18: {  	s0 =	sld [smem:$0x3F9E];
	_ =	swait.ge [sflag:s4], $0x0  }
0x19: {  	s7 =	sld [smem:$0x3F9F]  }
0x1a: {  	s8 =	sadd.s32 $0xFFFFE003, lr  }
0x1b: {  	s9 =	sadd.s32 $0xFFFFFEF7, lr;
	s5 =	simm.s32 $0xFFFFFFFF;
	p2 =	slt.u32 s8, $0xFFFFF086  }
0x1c: {  	p1 =	slt.u32 s9, $0xF7A;
	s5 =	simm.s32 @!p2 $0x0  }
0x1d: {  	s5 =	simm.s32 @p1 $0x1;
	p0 =	seq.s32 s7, s2  }
0x1e: {  	s7 =	smul.u32 @!p0 $0xF7A, s2;
	p2 =	seq.s32 @!p0 s5, $0x0  }
0x1f: {  	s9 =	smul.u32 $0xF7A, s1;
	s8 =	simm.s32 @!p0 $0x1BF5;
	p2 =	por !p2, p0  }
0x20: {  	[sflag:s8] =	ssyncset.s32 @!p0 $0xFFFFF086;
	s6 =	sadd.s32 @!p0 s3, s7;
	s7 =	simm.s32 @!p0 $0x108  }
0x21: {  	s3 =	sadd.s32 s3, s9;
	s6 =	sadd.s32 @!p0 $0x88, s6;
	s7 =	simm.s32 @p2 $0x1082  }
0x22: {  	[simem:s7], [sflag:s8] =	dma.local @!p0 [hbm:s6], $0xF7A  }
0x23: {  	s9 =	sor.u32 $0xD0000000, s2;
	s6 =	simm.s32 $0x108;
	_ =	swait.ge @!p0 [sflag:s8], $0x0  }
0x24: {  	s3 =	sadd.s32 $0x88, s3;
	s6 =	simm.s32 @!p1 $0x1082;
	[sflag:s4] =	ssyncset.s32 $0xFFFFF086  }
0x25: {  	[simem:s6], [sflag:s4] =	dma.local [hbm:s3], $0xF7A  }
0x26: {  	[smem:$0x3F9F] =	sst s1;
	(tag) =	ssettag s2;
	_ =	strace s9  }
0x27: {  	s1 =	sld [smem:$0x3FAF]  }
0x28: {  	s2 =	sld [smem:$0x3FB0]  }
0x29: {  	s4 =	sld [smem:$0x3FB2]  }
0x2a: {  	p0 =	seq.s32 s5, $0x0;
	s5 =	sld [smem:$0x3FB3]  }
0x2b: {  	s6 =	sld [smem:$0x3FB4]  }
0x2c: {  	s7 =	sld [smem:$0x3FB5]  }
0x2d: {  	s3 =	simm.s32 $0x108;
	s8 =	sld [smem:$0x3FB6]  }
0x2e: {  	s3 =	simm.s32 @!p0 $0x1082;
	s9 =	sld [smem:$0x3FB7]  }
0x2f: {  	lr =	sadd.s32 s0, s3;
	s0 =	sld [smem:$0x3FAE]  }
0x30: {  	s3 =	sld [smem:$0x3FB1]  }
0x31: {  	[smem:$0x3FBA] =	sst s10  }
0x32: {  	s10 =	sld [smem:$0x3FB8];
	_ =	sdelay $0x3  }
0x33: {  	p0 =	seq.s32 s10, $0x1;
	s10 =	sld [smem:$0x3FBA];
	_ =	sdelay $0x3  }
0x34: {  	[smem:$0x3FBA] =	sst s10  }
0x35: {  	s10 =	sld [smem:$0x3FB9];
	_ =	sdelay $0x3  }
0x36: {  	p1 =	seq.s32 s10, $0x1;
	s10 =	sld [smem:$0x3FBA];
	_ =	sdelay $0x3  }
0x37: {  	[smem:$0x3FBA] =	sst s10  }
0x38: {  	s10 =	sld [smem:$0x3FBB]  }
0x39: {  	_ = 	snop;
	(pc) =	sbr.ind lr, $3  }
0x3a: {  	_ = 	snop  }
0x3b: {  	_ = 	snop  }
0x3c: {  	p2 =	seq.s32 s10, $0x1;
	s10 =	sld [smem:$0x3FBA]  }
0x3d: {  	_ =	shalt  }
0x3e: {  	_ =	shalt  }
0x3f: {  	_ =	shalt  }
0x40: {  	_ =	shalt  }
0x41: {  	_ =	shalt  }
0x42: {  	_ =	shalt  }
0x43: {  	_ =	shalt  }
0x44: {  	_ =	shalt  }
0x45: {  	_ =	shalt  }
0x46: {  	_ =	shalt  }
0x47: {  	_ =	shalt  }
0x48: {  	_ =	shalt  }
0x49: {  	_ =	shalt  }
0x4a: {  	_ =	shalt  }
0x4b: {  	_ =	shalt  }
0x4c: {  	_ =	shalt  }
0x4d: {  	_ =	shalt  }
0x4e: {  	_ =	shalt  }
0x4f: {  	_ =	shalt  }
0x50: {  	_ =	shalt  }
0x51: {  	_ =	shalt  }
0x52: {  	_ =	shalt  }
0x53: {  	_ =	shalt  }
0x54: {  	_ =	shalt  }
0x55: {  	_ =	shalt  }
0x56: {  	_ =	shalt  }
0x57: {  	_ =	shalt  }
0x58: {  	_ =	shalt  }
0x59: {  	_ =	shalt  }
0x5a: {  	_ =	shalt  }
0x5b: {  	_ =	shalt  }
0x5c: {  	_ =	shalt  }
0x5d: {  	_ =	shalt  }
0x5e: {  	_ =	shalt  }
0x5f: {  	_ =	shalt  }
0x60: {  	_ =	shalt  }
0x61: {  	_ =	shalt  }
0x62: {  	_ =	shalt  }
0x63: {  	_ =	shalt  }
0x64: {  	_ =	shalt  }
0x65: {  	_ =	shalt  }
0x66: {  	_ =	shalt  }
0x67: {  	_ =	shalt  }
0x68: {  	_ =	shalt  }
0x69: {  	_ =	shalt  }
0x6a: {  	_ =	shalt  }
0x6b: {  	_ =	shalt  }
0x6c: {  	_ =	shalt  }
0x6d: {  	_ =	shalt  }
0x6e: {  	_ =	shalt  }
0x6f: {  	_ =	shalt  }
0x70: {  	_ =	shalt  }
0x71: {  	_ =	shalt  }
0x72: {  	_ =	shalt  }
0x73: {  	_ =	shalt  }
0x74: {  	_ =	shalt  }
0x75: {  	_ =	shalt  }
0x76: {  	_ =	shalt  }
0x77: {  	_ =	shalt  }
0x78: {  	_ =	shalt  }
0x79: {  	_ =	shalt  }
0x7a: {  	_ =	shalt  }
0x7b: {  	_ =	shalt  }
0x7c: {  	_ =	shalt  }
0x7d: {  	_ =	shalt  }
0x7e: {  	_ =	shalt  }
0x7f: {  	_ =	shalt  }
0x80: {  	_ =	shalt  }
0x81: {  	_ =	shalt  }
0x82: {  	_ =	shalt  }
0x83: {  	_ =	shalt  }
0x84: {  	_ =	shalt  }
0x85: {  	_ =	shalt  }
0x86: {  	_ =	shalt  }
0x87: {  	_ =	shalt  }
.Lfunc_end0:
.L_simem_size_0:
called_computation.1_lowered:
.L_overlay_start_0:
0x88: {  	s2 =	sld [smem:$0x3FD9]  }
0x89: {  	s3 =	sld [smem:$0x3FFE];
	_ =	sdelay $0x1  }
0x8a: {  	s1 =	srdreg.scid  }
0x8b: {  	s0 =	sand.u32 $0x1, s1  }
0x8c: {  	s16 =	sshll.u32 s0, $0xA;
	s2 =	sadd.s32 s3, s2  }
0x8d: {  	s2 =	sadd.s32 s2, s16  }
0x8e: {  	[smem:$0x3FC6] =	sst s2  }
0x8f: {  	_ = 	snop  }
0x90: {  	(tm) =	ssettm $0x1  }
0x91: {  	s17 =	sld [smem:$0x3FFB];
	_ =	sdelay $0x3  }
0x92: {  	_ =	strace s17  }
0x93: {  	s2 =	sld [smem:$0x3FFC];
	_ =	sdelay $0x3  }
0x94: {  	_ =	strace s2  }
0x95: {  	s2 =	sld [smem:$0x3FFD];
	_ =	sdelay $0x3  }
0x96: {  	_ =	strace s2  }
0x97: {  	_ =	strace $0x8FFFFFFF  }
0x98: {  	s18 =	sld [smem:$0x3FDB];
	_ =	sdelay $0x1  }
0x99: {  	s19 =	simm.s32 $_scs_section_size  }
0x9a: {  	s4 =	simm.s32 $_size__tile_overlayer_lowered;
	s5 =	simm.s32 $_tile_overlayer_lowered  }
0x9b: {  	s22 =	simm.s32 $0x1BFF;
	s21 =	sshll.u32 s5, $0x1;
	s2 =	sadd.s32 s19, s18  }
0x9c: {  	s6 =	simm.s32 $0x0;
	s20 =	sshll.u32 s4, $0x1;
	s4 =	sadd.s32 s21, s2  }
0x9d: {  	[timem:s6], [sflag:s22] =	dma.local [hbm:s4], s20  }
0x9e: {  	_ =	swait.ge [sflag:s22], s20  }
0x9f: {  	s3 =	ssub.s32 $0x0, s20;
	[sflag:s22] =	ssyncset.done $0x0  }
0xa0: {  	[sflag:s22] =	ssyncadd.s32 s3;
	_ =	sdelay $0x1  }
0xa1: {  	s23 =	simm.s32 $0x1B8B  }
0xa2: {  	_ =	swait.ge [sflag:s23], $0x1  }
0xa3: {  	[sflag:s23] =	ssyncset.done $0x0  }
0xa4: {  	s25 =	simm.s32 $0x1B8E;
	s24 =	sld [smem:$0x3FFE];
	[sflag:s23] =	ssyncadd.s32 $0xFFFFFFFF  }
0xa5: {  	s26 =	simm.s32 $execute0_lowered;
	[smem:$0x3FD2] =	sst s25  }
0xa6: {  	s4 =	sshll.u32 s26, $0x1;
	_ =	strace $0x80000049;
	[dreg:$0x1] =	wrdreg $0xFFFFFFFF  }
0xa7: {  	s28 =	simm.s32 $_size_execute0_lowered;
	s2 =	sadd.s32 s2, s4;
	[dreg:$0x0] =	wrdreg $0x0  }
0xa8: {  	s4 =	sshll.u32 s28, $0x1;
	[dreg:$0x2] =	wrdreg s2  }
0xa9: {  	[dreg:$0x3] =	wrdreg s4  }
0xaa: {  	[dreg:$0x4] =	wrdreg $0xC0  }
0xab: {  	_ =	task [dreg:s6], $0x5FFFF  }
0xac: {  	[dreg:$0x1] =	wrdreg $0xFFFFFFFF  }
0xad: {  	[dreg:$0x0] =	wrdreg $0x60  }
0xae: {  	[dreg:$0x2] =	wrdreg s24  }
0xaf: {  	[dreg:$0x3] =	wrdreg $0x9  }
0xb0: {  	_ =	task.clear_ibuf [dreg:s6], $0x4FFFF;
	_ =	strace $0x90000049  }
0xb1: {  	s29 =	simm.s32 $0x9;
	_ =	strace $0x8000004B  }
0xb2: {  	_ =	swait.ge [sflag:s29], $0x1  }
0xb3: {  	[sflag:s29] =	ssyncadd.s32 $0xFFFFFFFF  }
0xb4: {  	_ =	strace $0x9000004B  }
0xb5: {  	_ =	sfence  }
0xb6: {  	s30 =	sld [smem:$0x0];
	_ =	sdelay $0x2  }
0xb7: {  	s31 =	sshll.u32 s1, $0xD;
	s1 =	sshrl.u32 s1, $0x2  }
0xb8: {  	s3 =	sand.u32 $0x4000, s31;
	s1 =	sadd.s32 s1, s30  }
0xb9: {  	s0 =	sor.u32 s3, s0;
	s1 =	sshll.u32 s1, $0x11  }
0xba: {  	s0 =	sor.u32 s1, s0  }
0xbb: {  	s0 =	sadd.s32 $0x8F2B, s0  }
0xbc: {  	[sflag:s0] =	ssyncadd.remote.s32 $0x1  }
0xbd: {  	_ =	sfence.sel $0xFFFF  }
0xbe: {  	[dreg:$0x0] =	wrdreg $0xFFFFFFFF;
	(pc) =	sbr.abs _section_cstart, $3  }
0xbf: {  	[dreg:$0x1] =	wrdreg $0xFFFFFFFF  }
0xc0: {  	_ =	task.clear_ibuf [dreg:s6], $0x2FFFF;
	_ =	strace $0x9FFFFFFF  }
0xc1: {  	(tm) =	ssettm $0x7FFFFFFF  }
tec
execute0_lowered:
.L_overlay_start_1:
0x0: {  	(tag) =	ssettag $0x1  }
0x1: {  	s5 =	rddreg [dreg:$0x0]  }
0x2: {  	s0 =	rddreg [dreg:$0x1]  }
0x3: {  	s3 =	srdreg.scid;
	s1 =	stileid.u32;
	s2 =	simm.s32 $0x0  }
0x4: {  	s12 =	simm.s32 $0x3;
	s13 =	simm.s32 $0x18080;
	s14 =	simm.s32 $0x4000  }
0x5: {  	s15 =	simm.s32 $0x1;
	s16 =	simm.s32 $0x2;
	s17 =	simm.s32 $0x0  }
0x6: {  	s3 =	sand.u32 $0x1, s3;
	s4 =	sshll.u32 s1, $0x1;
	[smem:$0x7FF] =	sst s2  }
0x7: {  	s4 =	sor.u32 s3, s4;
	_ =	strace $0x8000004A;
	s7 =	ssub.s32 $0x2, s3  }
0x8: {  	s3 =	sadd.s32 $0x83400, s5;
	s6 =	sshll.u32 s4, $0xD;
	s31 =	smul.u32 $0x2002, s4  }
0x9: {  	s4 =	sadd.s32 $0x85A00, s5;
	s9 =	sshrl.u32 s7, $0x1;
	s8 =	sadd.s32 s6, s5  }
0xa: {  	s11 =	ssub.s32 s7, s9;
	s10 =	sadd.s32 s31, s5;
	s5 =	sadd.s32 $0x43400, s8  }
0xb: {  	v0 =	vlaneseq.u32;
	s6 =	sadd.s32 $0x43C00, s8;
	s7 =	sadd.s32 $0x44400, s8;
	s8 =	sadd.s32 $0x44C00, s8  }
0xc: {  	v2 =	vimm.s32 $0x1;
	v1 =	vor.u32 $0x10000, v0;
	s9 =	sadd.s32 $0x85C00, s10;
	s10 =	smax.u32 s11, $0x1;
	s11 =	simm.s32 $0x8000  }
.LBB2_1:
0xd: {  	[tilespmem:s11], [sflag:$0x3] =	stream.linear.gather [hbm4b:s3+s2], $0x10080, $0x38;
	[tilespmem:$0x18100] =	vst v63  }
0xe: {  	_ =	swait.ge [sflag:s12], $0x10080  }
0xf: {  	[sflag:s12] =	ssyncset.done $0x0  }
0x10: {  	[sflag:s12] =	ssyncadd.s32 $0xFFFEFF80  }
0x11: {  	[tilespmem:s13], [sflag:$0x3] =	stream.linear.gather [hbm4b:s4+s2], $0x80, $0x38;
	[tilespmem:$0x18100] =	vst v63  }
0x12: {  	_ =	swait.ge [sflag:s12], $0x80  }
0x13: {  	[sflag:s12] =	ssyncset.done $0x0  }
0x14: {  	[sflag:s12] =	ssyncadd.s32 $0xFFFFFF80  }
0x15: {  	v3 =	vld [tilespmem:$0x18080];
	[tilespmem:s2], [sflag:$0x1] =	stream.linear.gather [hbm4b:s5+s2], $0x4000, $0x38  }
0x16: {  	_ = 	snop  }
0x17: {  	[tilespmem:s14], [sflag:$0x2] =	stream.linear.gather [hbm4b:s6+s2], $0x4000, $0x38;
	[tilespmem:$0x18100] =	vst v63  }
0x18: {  	_ =	swait.ge [sflag:s15], $0x4000  }
0x19: {  	[sflag:s15] =	ssyncset.done $0x0  }
0x1a: {  	s19 =	simm.s32 $0x0;
	s18 =	simm.s32 $0x40;
	[sflag:s15] =	ssyncadd.s32 $0xFFFFC000  }
.LBB2_2:
0x1b: {  	p0 =	sne.s32 s18, $0xFFC0;
	v4 =	vld [tilespmem:s19+$0x0];
	_ =	sdelay $0x4  }
0x1c: {  	v5 =	vshrl.u32 v4, $0x4  }
0x1d: {  	v4 =	vshrl.u32 v4, $0x14;
	v5 =	vand.u32 $0xFFF0, v5  }
0x1e: {  	vm0 =	veq.s32 v4, v3;
	v4 =	vor.u32 v0, v5  }
0x1f: {  	v4 =	vsel vm0, v4, v1  }
.Ltmp0:
0x20: {  	(pc) =	sbr.rel @p0 .LBB2_2-.Ltmp0, $2  }
0x21: {  	_ =	sdelay $0x2  }
0x22: {  	s19 =	sshra.s32 s18, $0x2;
	s18 =	sadd.s32 $0x40, s18;
	[tilespmem:v4+s11+$0x0] =	vst.idx.add.s32.msk $0xffff, v2  }
0x23: {  	v4 =	vld [tilespmem:s19+$0x0];
	_ =	sdelay $0x4  }
0x24: {  	v5 =	vshrl.u32 v4, $0x4  }
0x25: {  	v4 =	vshrl.u32 v4, $0x14;
	v5 =	vand.u32 $0xFFF0, v5  }
0x26: {  	vm0 =	veq.s32 v4, v3;
	v4 =	vor.u32 v0, v5  }
0x27: {  	v4 =	vsel vm0, v4, v1;
	_ =	sdelay $0x4  }
0x28: {  	s18 =	simm.s32 $0x0;
	[tilespmem:v4+s11+$0x0] =	vst.idx.add.s32.msk $0xffff, v2  }
0x29: {  	[tilespmem:s18], [sflag:$0x1] =	stream.linear.gather [hbm4b:s7+s18], $0x4000, $0x38;
	[tilespmem:$0x18100] =	vst v63  }
0x2a: {  	_ =	swait.ge [sflag:s16], $0x4000  }
0x2b: {  	[sflag:s16] =	ssyncset.done $0x0  }
0x2c: {  	s19 =	sand.u32 $0x3FF0, s18;
	s18 =	simm.s32 $0x10;
	[sflag:s16] =	ssyncadd.s32 $0xFFFFC000  }
.LBB2_4:
0x2d: {  	p0 =	sne.s32 s18, $0x3FF0;
	v4 =	vld [tilespmem:s19+$0x4000];
	_ =	sdelay $0x4  }
0x2e: {  	v5 =	vshrl.u32 v4, $0x4  }
0x2f: {  	v4 =	vshrl.u32 v4, $0x14;
	v5 =	vand.u32 $0xFFF0, v5  }
0x30: {  	vm0 =	veq.s32 v4, v3;
	v4 =	vor.u32 v0, v5  }
0x31: {  	v4 =	vsel vm0, v4, v1  }
.Ltmp1:
0x32: {  	(pc) =	sbr.rel @p0 .LBB2_4-.Ltmp1, $2  }
0x33: {  	_ =	sdelay $0x2  }
0x34: {  	s19 =	sand.u32 $0x3FF0, s18;
	s18 =	sadd.s32 $0x10, s18;
	[tilespmem:v4+s11+$0x0] =	vst.idx.add.s32.msk $0xffff, v2  }
0x35: {  	v4 =	vld [tilespmem:s19+$0x4000];
	_ =	sdelay $0x4  }
0x36: {  	v5 =	vshrl.u32 v4, $0x4  }
0x37: {  	v4 =	vshrl.u32 v4, $0x14;
	v5 =	vand.u32 $0xFFF0, v5  }
0x38: {  	vm0 =	veq.s32 v4, v3;
	v4 =	vor.u32 v0, v5  }
0x39: {  	v4 =	vsel vm0, v4, v1;
	_ =	sdelay $0x4  }
0x3a: {  	s18 =	simm.s32 $0x0;
	[tilespmem:v4+s11+$0x0] =	vst.idx.add.s32.msk $0xffff, v2  }
0x3b: {  	[tilespmem:s14], [sflag:$0x2] =	stream.linear.gather [hbm4b:s8+s18], $0x4000, $0x38;
	[tilespmem:$0x18100] =	vst v63  }
0x3c: {  	_ =	swait.ge [sflag:s15], $0x4000  }
0x3d: {  	[sflag:s15] =	ssyncset.done $0x0  }
0x3e: {  	s19 =	simm.s32 $0x0;
	s18 =	simm.s32 $0x40;
	[sflag:s15] =	ssyncadd.s32 $0xFFFFC000  }
.LBB2_6:
0x3f: {  	p0 =	sne.s32 s18, $0xFFC0;
	v4 =	vld [tilespmem:s19+$0x0];
	_ =	sdelay $0x4  }
0x40: {  	v5 =	vshrl.u32 v4, $0x4  }
0x41: {  	v4 =	vshrl.u32 v4, $0x14;
	v5 =	vand.u32 $0xFFF0, v5  }
0x42: {  	vm0 =	veq.s32 v4, v3;
	v4 =	vor.u32 v0, v5  }
0x43: {  	v4 =	vsel vm0, v4, v1  }
.Ltmp2:
0x44: {  	(pc) =	sbr.rel @p0 .LBB2_6-.Ltmp2, $2  }
0x45: {  	_ =	sdelay $0x2  }
0x46: {  	s19 =	sshra.s32 s18, $0x2;
	s18 =	sadd.s32 $0x40, s18;
	[tilespmem:v4+s11+$0x0] =	vst.idx.add.s32.msk $0xffff, v2  }
0x47: {  	v4 =	vld [tilespmem:s19+$0x0];
	_ =	sdelay $0x4  }
0x48: {  	v5 =	vshrl.u32 v4, $0x4  }
0x49: {  	v4 =	vshrl.u32 v4, $0x14;
	v5 =	vand.u32 $0xFFF0, v5  }
0x4a: {  	vm0 =	veq.s32 v4, v3;
	v4 =	vor.u32 v0, v5  }
0x4b: {  	v4 =	vsel vm0, v4, v1;
	_ =	sdelay $0x4  }
0x4c: {  	[tilespmem:v4+s11+$0x0] =	vst.idx.add.s32.msk $0xffff, v2  }
0x4d: {  	_ =	swait.ge [sflag:s16], $0x4000  }
0x4e: {  	s18 =	simm.s32 $0x0;
	[sflag:s16] =	ssyncset.done $0x0  }
0x4f: {  	s19 =	sand.u32 $0x3FF0, s18;
	s18 =	simm.s32 $0x10;
	[sflag:s16] =	ssyncadd.s32 $0xFFFFC000  }
.LBB2_8:
0x50: {  	p0 =	sne.s32 s18, $0x3FF0;
	v4 =	vld [tilespmem:s19+$0x4000];
	_ =	sdelay $0x4  }
0x51: {  	v5 =	vshrl.u32 v4, $0x4  }
0x52: {  	v4 =	vshrl.u32 v4, $0x14;
	v5 =	vand.u32 $0xFFF0, v5  }
0x53: {  	vm0 =	veq.s32 v4, v3;
	v4 =	vor.u32 v0, v5  }
0x54: {  	v4 =	vsel vm0, v4, v1  }
.Ltmp3:
0x55: {  	(pc) =	sbr.rel @p0 .LBB2_8-.Ltmp3, $2  }
0x56: {  	_ =	sdelay $0x2  }
0x57: {  	s19 =	sand.u32 $0x3FF0, s18;
	s18 =	sadd.s32 $0x10, s18;
	[tilespmem:v4+s11+$0x0] =	vst.idx.add.s32.msk $0xffff, v2  }
0x58: {  	v4 =	vld [tilespmem:s19+$0x4000];
	_ =	sdelay $0x4  }
0x59: {  	v5 =	vshrl.u32 v4, $0x4  }
0x5a: {  	v4 =	vshrl.u32 v4, $0x14;
	v5 =	vand.u32 $0xFFF0, v5  }
0x5b: {  	vm0 =	veq.s32 v4, v3;
	v3 =	vor.u32 v0, v5  }
0x5c: {  	v3 =	vsel vm0, v3, v1;
	_ =	sdelay $0x2  }
0x5d: {  	s17 =	sadd.s32 $0x1, s17  }
0x5e: {  	p0 =	sne.s32 s17, s10  }
.Ltmp4:
0x5f: {  	[tilespmem:v3+s11+$0x0] =	vst.idx.add.s32.msk $0xffff, v2;
	(pc) =	sbr.rel @p0 .LBB2_1-.Ltmp4, $4  }
0x60: {  	[hbm4b:s9+s2] =	stream.linear.scatter [tilespmem:s11], [sflag:$0x3], $0x10010, $0x38;
	[tilespmem:$0x18100] =	vst v63  }
0x61: {  	_ =	swait.ge [sflag:s12], $0x10010  }
0x62: {  	[sflag:s12] =	ssyncset.done $0x0  }
0x63: {  	[sflag:s12] =	ssyncadd.s32 $0xFFFEFFF0  }
0x64: {  	_ =	sfence.sel $0x180000  }
0x65: {  	[bflag:$0x0] =	sbarrier.arrive $0xFFFF  }
0x66: {  	p0 =	sne.s32 s1, $0x0;
	_ =	strace $0x9000004A  }
0x67: {  	s0 =	sadd.s32 @!p0 $0x100000, s0;
	[bflag:$0x2] =	sbarrier.arrive $0xFFFF  }
0x68: {  	[sflag:s0] =	ssyncadd.tile.s32 @!p0 $0x1;
	_ =	shalt  }
.Lfunc_end2:
_tile_overlayer_lowered:
.L_overlay_start_2:
0x69: {  	(tag) =	ssettag $0x2  }
0x6a: {  	s0 =	rddreg [dreg:$0x0];
	s2 =	stileid.u32  }
0x6b: {  	s1 =	rddreg [dreg:$0x1];
	p0 =	sne.s32 s2, $0x0  }
0x6c: {  	s3 =	rddreg [dreg:$0x2];
	[bflag:$0x3] =	sbarrier.arrive $0xFFFF;
	s2 =	simm.s32 @!p0 $0x1C03  }
0x6d: {  	[timem:s3], [sflag:s2] =	dma.local @!p0 [hbm:s0], s1  }
0x6e: {  	s0 =	simm.s32 @!p0 $0x3  }
0x6f: {  	_ =	swait.ge @!p0 [sflag:s0], s1  }
0x70: {  	s1 =	ssub.s32 @!p0 $0x0, s1;
	[sflag:s0] =	ssyncset.done @!p0 $0x0  }
0x71: {  	[sflag:s0] =	ssyncadd.s32 @!p0 s1  }
0x72: {  	[bflag:$0x3] =	sbarrier.arrive $0xFFFF  }
0x73: {  	_ =	shalt  }

// kernel: branch_0_fun.16.cloned.1.call-start
scs
__scs_entry_jumppad:
0x0: {  	(pc) =	sbr.rel $0x88, $3  }
0x1: {  	(tag) =	ssettag $0x0;
	lr =	simm.s32 $0x1  }
0x2: {  	[smem:$0x3F9F] =	sst lr;
	_ =	strace $0xD0000000  }
0x3: {  	_ = 	snop  }
0x4: {  	_ = 	snop  }
0x5: {  	_ = 	snop  }
0x6: {  	_ = 	snop  }
0x7: {  	_ = 	snop  }
__scs_overlays_trampoline_lowered:
0x8: {  	[smem:$0x3FAE] =	sst s0  }
0x9: {  	[smem:$0x3FAF] =	sst s1  }
0xa: {  	[smem:$0x3FB0] =	sst s2  }
0xb: {  	[smem:$0x3FB1] =	sst s3  }
0xc: {  	[smem:$0x3FB2] =	sst s4  }
0xd: {  	[smem:$0x3FB3] =	sst s5  }
0xe: {  	[smem:$0x3FB4] =	sst s6  }
0xf: {  	[smem:$0x3FB5] =	sst s7  }
0x10: {  	[smem:$0x3FB6] =	sst s8  }
0x11: {  	[smem:$0x3FB7] =	sst s9;
	s0 =	simm.s32 @!p0 $0x0  }
0x12: {  	s1 =	sld [smem:$0x3F9D];
	s0 =	simm.s32 @p0 $0x1  }
0x13: {  	[smem:$0x3FB8] =	sst s0;
	s0 =	simm.s32 @!p1 $0x0  }
0x14: {  	s2 =	sld [smem:$0x3F9C];
	s0 =	simm.s32 @p1 $0x1  }
0x15: {  	[smem:$0x3FB9] =	sst s0;
	s0 =	simm.s32 @!p2 $0x0  }
0x16: {  	s3 =	sld [smem:$0x3FDB];
	s0 =	simm.s32 @p2 $0x1  }
0x17: {  	s4 =	simm.s32 $0x1BF5;
	[smem:$0x3FBB] =	sst s0  }
0x18: {  	s0 =	sld [smem:$0x3F9E];
	_ =	swait.ge [sflag:s4], $0x0  }
0x19: {  	s7 =	sld [smem:$0x3F9F]  }
0x1a: {  	s8 =	sadd.s32 $0xFFFFE003, lr  }
0x1b: {  	s9 =	sadd.s32 $0xFFFFFEF7, lr;
	s5 =	simm.s32 $0xFFFFFFFF;
	p2 =	slt.u32 s8, $0xFFFFF086  }
0x1c: {  	p1 =	slt.u32 s9, $0xF7A;
	s5 =	simm.s32 @!p2 $0x0  }
0x1d: {  	s5 =	simm.s32 @p1 $0x1;
	p0 =	seq.s32 s7, s2  }
0x1e: {  	s7 =	smul.u32 @!p0 $0xF7A, s2;
	p2 =	seq.s32 @!p0 s5, $0x0  }
0x1f: {  	s9 =	smul.u32 $0xF7A, s1;
	s8 =	simm.s32 @!p0 $0x1BF5;
	p2 =	por !p2, p0  }
0x20: {  	[sflag:s8] =	ssyncset.s32 @!p0 $0xFFFFF086;
	s6 =	sadd.s32 @!p0 s3, s7;
	s7 =	simm.s32 @!p0 $0x108  }
0x21: {  	s3 =	sadd.s32 s3, s9;
	s6 =	sadd.s32 @!p0 $0x88, s6;
	s7 =	simm.s32 @p2 $0x1082  }
0x22: {  	[simem:s7], [sflag:s8] =	dma.local @!p0 [hbm:s6], $0xF7A  }
0x23: {  	s9 =	sor.u32 $0xD0000000, s2;
	s6 =	simm.s32 $0x108;
	_ =	swait.ge @!p0 [sflag:s8], $0x0  }
0x24: {  	s3 =	sadd.s32 $0x88, s3;
	s6 =	simm.s32 @!p1 $0x1082;
	[sflag:s4] =	ssyncset.s32 $0xFFFFF086  }
0x25: {  	[simem:s6], [sflag:s4] =	dma.local [hbm:s3], $0xF7A  }
0x26: {  	[smem:$0x3F9F] =	sst s1;
	(tag) =	ssettag s2;
	_ =	strace s9  }
0x27: {  	s1 =	sld [smem:$0x3FAF]  }
0x28: {  	s2 =	sld [smem:$0x3FB0]  }
0x29: {  	s4 =	sld [smem:$0x3FB2]  }
0x2a: {  	p0 =	seq.s32 s5, $0x0;
	s5 =	sld [smem:$0x3FB3]  }
0x2b: {  	s6 =	sld [smem:$0x3FB4]  }
0x2c: {  	s7 =	sld [smem:$0x3FB5]  }
0x2d: {  	s3 =	simm.s32 $0x108;
	s8 =	sld [smem:$0x3FB6]  }
0x2e: {  	s3 =	simm.s32 @!p0 $0x1082;
	s9 =	sld [smem:$0x3FB7]  }
0x2f: {  	lr =	sadd.s32 s0, s3;
	s0 =	sld [smem:$0x3FAE]  }
0x30: {  	s3 =	sld [smem:$0x3FB1]  }
0x31: {  	[smem:$0x3FBA] =	sst s10  }
0x32: {  	s10 =	sld [smem:$0x3FB8];
	_ =	sdelay $0x3  }
0x33: {  	p0 =	seq.s32 s10, $0x1;
	s10 =	sld [smem:$0x3FBA];
	_ =	sdelay $0x3  }
0x34: {  	[smem:$0x3FBA] =	sst s10  }
0x35: {  	s10 =	sld [smem:$0x3FB9];
	_ =	sdelay $0x3  }
0x36: {  	p1 =	seq.s32 s10, $0x1;
	s10 =	sld [smem:$0x3FBA];
	_ =	sdelay $0x3  }
0x37: {  	[smem:$0x3FBA] =	sst s10  }
0x38: {  	s10 =	sld [smem:$0x3FBB]  }
0x39: {  	_ = 	snop;
	(pc) =	sbr.ind lr, $3  }
0x3a: {  	_ = 	snop  }
0x3b: {  	_ = 	snop  }
0x3c: {  	p2 =	seq.s32 s10, $0x1;
	s10 =	sld [smem:$0x3FBA]  }
0x3d: {  	_ =	shalt  }
0x3e: {  	_ =	shalt  }
0x3f: {  	_ =	shalt  }
0x40: {  	_ =	shalt  }
0x41: {  	_ =	shalt  }
0x42: {  	_ =	shalt  }
0x43: {  	_ =	shalt  }
0x44: {  	_ =	shalt  }
0x45: {  	_ =	shalt  }
0x46: {  	_ =	shalt  }
0x47: {  	_ =	shalt  }
0x48: {  	_ =	shalt  }
0x49: {  	_ =	shalt  }
0x4a: {  	_ =	shalt  }
0x4b: {  	_ =	shalt  }
0x4c: {  	_ =	shalt  }
0x4d: {  	_ =	shalt  }
0x4e: {  	_ =	shalt  }
0x4f: {  	_ =	shalt  }
0x50: {  	_ =	shalt  }
0x51: {  	_ =	shalt  }
0x52: {  	_ =	shalt  }
0x53: {  	_ =	shalt  }
0x54: {  	_ =	shalt  }
0x55: {  	_ =	shalt  }
0x56: {  	_ =	shalt  }
0x57: {  	_ =	shalt  }
0x58: {  	_ =	shalt  }
0x59: {  	_ =	shalt  }
0x5a: {  	_ =	shalt  }
0x5b: {  	_ =	shalt  }
0x5c: {  	_ =	shalt  }
0x5d: {  	_ =	shalt  }
0x5e: {  	_ =	shalt  }
0x5f: {  	_ =	shalt  }
0x60: {  	_ =	shalt  }
0x61: {  	_ =	shalt  }
0x62: {  	_ =	shalt  }
0x63: {  	_ =	shalt  }
0x64: {  	_ =	shalt  }
0x65: {  	_ =	shalt  }
0x66: {  	_ =	shalt  }
0x67: {  	_ =	shalt  }
0x68: {  	_ =	shalt  }
0x69: {  	_ =	shalt  }
0x6a: {  	_ =	shalt  }
0x6b: {  	_ =	shalt  }
0x6c: {  	_ =	shalt  }
0x6d: {  	_ =	shalt  }
0x6e: {  	_ =	shalt  }
0x6f: {  	_ =	shalt  }
0x70: {  	_ =	shalt  }
0x71: {  	_ =	shalt  }
0x72: {  	_ =	shalt  }
0x73: {  	_ =	shalt  }
0x74: {  	_ =	shalt  }
0x75: {  	_ =	shalt  }
0x76: {  	_ =	shalt  }
0x77: {  	_ =	shalt  }
0x78: {  	_ =	shalt  }
0x79: {  	_ =	shalt  }
0x7a: {  	_ =	shalt  }
0x7b: {  	_ =	shalt  }
0x7c: {  	_ =	shalt  }
0x7d: {  	_ =	shalt  }
0x7e: {  	_ =	shalt  }
0x7f: {  	_ =	shalt  }
0x80: {  	_ =	shalt  }
0x81: {  	_ =	shalt  }
0x82: {  	_ =	shalt  }
0x83: {  	_ =	shalt  }
0x84: {  	_ =	shalt  }
0x85: {  	_ =	shalt  }
0x86: {  	_ =	shalt  }
0x87: {  	_ =	shalt  }
.Lfunc_end0:
.L_simem_size_0:
called_computation.2_lowered:
.L_overlay_start_0:
0x88: {  	s2 =	sld [smem:$0x3FD9]  }
0x89: {  	s3 =	sld [smem:$0x3FFE];
	_ =	sdelay $0x1  }
0x8a: {  	s1 =	srdreg.scid  }
0x8b: {  	s0 =	sand.u32 $0x1, s1  }
0x8c: {  	s16 =	sshll.u32 s0, $0xA;
	s2 =	sadd.s32 s3, s2  }
0x8d: {  	s2 =	sadd.s32 s2, s16  }
0x8e: {  	[smem:$0x3FC6] =	sst s2  }
0x8f: {  	_ = 	snop  }
0x90: {  	(tm) =	ssettm $0x1  }
0x91: {  	s17 =	sld [smem:$0x3FFB];
	_ =	sdelay $0x3  }
0x92: {  	_ =	strace s17  }
0x93: {  	s2 =	sld [smem:$0x3FFC];
	_ =	sdelay $0x3  }
0x94: {  	_ =	strace s2  }
0x95: {  	s2 =	sld [smem:$0x3FFD];
	_ =	sdelay $0x3  }
0x96: {  	_ =	strace s2  }
0x97: {  	_ =	strace $0x8FFFFFFF  }
0x98: {  	s18 =	sld [smem:$0x3FDB];
	_ =	sdelay $0x1  }
0x99: {  	s19 =	simm.s32 $_scs_section_size  }
0x9a: {  	s4 =	simm.s32 $_size__tile_overlayer_lowered;
	s5 =	simm.s32 $_tile_overlayer_lowered  }
0x9b: {  	s22 =	simm.s32 $0x1BFF;
	s21 =	sshll.u32 s5, $0x1;
	s2 =	sadd.s32 s19, s18  }
0x9c: {  	s6 =	simm.s32 $0x0;
	s20 =	sshll.u32 s4, $0x1;
	s4 =	sadd.s32 s21, s2  }
0x9d: {  	[timem:s6], [sflag:s22] =	dma.local [hbm:s4], s20  }
0x9e: {  	_ =	swait.ge [sflag:s22], s20  }
0x9f: {  	s3 =	ssub.s32 $0x0, s20;
	[sflag:s22] =	ssyncset.done $0x0  }
0xa0: {  	[sflag:s22] =	ssyncadd.s32 s3;
	_ =	sdelay $0x1  }
0xa1: {  	s23 =	simm.s32 $0x1B8B  }
0xa2: {  	_ =	swait.ge [sflag:s23], $0x1  }
0xa3: {  	[sflag:s23] =	ssyncset.done $0x0  }
0xa4: {  	s25 =	simm.s32 $0x1B8E;
	s24 =	sld [smem:$0x3FFE];
	[sflag:s23] =	ssyncadd.s32 $0xFFFFFFFF  }
0xa5: {  	s26 =	simm.s32 $execute0_lowered;
	[smem:$0x3FD2] =	sst s25  }
0xa6: {  	s4 =	sshll.u32 s26, $0x1;
	_ =	strace $0x8000004C;
	[dreg:$0x1] =	wrdreg $0xFFFFFFFF  }
0xa7: {  	s28 =	simm.s32 $_size_execute0_lowered;
	s2 =	sadd.s32 s2, s4;
	[dreg:$0x0] =	wrdreg $0x0  }
0xa8: {  	s4 =	sshll.u32 s28, $0x1;
	[dreg:$0x2] =	wrdreg s2  }
0xa9: {  	[dreg:$0x3] =	wrdreg s4  }
0xaa: {  	[dreg:$0x4] =	wrdreg $0xC0  }
0xab: {  	_ =	task [dreg:s6], $0x5FFFF  }
0xac: {  	[dreg:$0x1] =	wrdreg $0xFFFFFFFF  }
0xad: {  	[dreg:$0x0] =	wrdreg $0x60  }
0xae: {  	[dreg:$0x2] =	wrdreg s24  }
0xaf: {  	[dreg:$0x3] =	wrdreg $0x9  }
0xb0: {  	_ =	task.clear_ibuf [dreg:s6], $0x4FFFF;
	_ =	strace $0x9000004C  }
0xb1: {  	s29 =	simm.s32 $0x9;
	_ =	strace $0x8000004E  }
0xb2: {  	_ =	swait.ge [sflag:s29], $0x1  }
0xb3: {  	[sflag:s29] =	ssyncadd.s32 $0xFFFFFFFF  }
0xb4: {  	_ =	strace $0x9000004E  }
0xb5: {  	_ =	sfence  }
0xb6: {  	s30 =	sld [smem:$0x0];
	_ =	sdelay $0x2  }
0xb7: {  	s31 =	sshll.u32 s1, $0xD;
	s1 =	sshrl.u32 s1, $0x2  }
0xb8: {  	s3 =	sand.u32 $0x4000, s31;
	s1 =	sadd.s32 s1, s30  }
0xb9: {  	s0 =	sor.u32 s3, s0;
	s1 =	sshll.u32 s1, $0x11  }
0xba: {  	s0 =	sor.u32 s1, s0  }
0xbb: {  	s0 =	sadd.s32 $0x8F2B, s0  }
0xbc: {  	[sflag:s0] =	ssyncadd.remote.s32 $0x1  }
0xbd: {  	_ =	sfence.sel $0xFFFF  }
0xbe: {  	[dreg:$0x0] =	wrdreg $0xFFFFFFFF;
	(pc) =	sbr.abs _section_cstart, $3  }
0xbf: {  	[dreg:$0x1] =	wrdreg $0xFFFFFFFF  }
0xc0: {  	_ =	task.clear_ibuf [dreg:s6], $0x2FFFF;
	_ =	strace $0x9FFFFFFF  }
0xc1: {  	(tm) =	ssettm $0x7FFFFFFF  }
tec
execute0_lowered:
.L_overlay_start_1:
0x0: {  	(tag) =	ssettag $0x1  }
0x1: {  	s5 =	rddreg [dreg:$0x0]  }
0x2: {  	s0 =	rddreg [dreg:$0x1]  }
0x3: {  	s3 =	srdreg.scid;
	s1 =	stileid.u32;
	s2 =	simm.s32 $0x0  }
0x4: {  	s12 =	simm.s32 $0x3;
	s13 =	simm.s32 $0x18080;
	s14 =	simm.s32 $0x4000  }
0x5: {  	s15 =	simm.s32 $0x1;
	s16 =	simm.s32 $0x2;
	s17 =	simm.s32 $0x0  }
0x6: {  	s3 =	sand.u32 $0x1, s3;
	s4 =	sshll.u32 s1, $0x1;
	[smem:$0x7FF] =	sst s2  }
0x7: {  	s4 =	sor.u32 s3, s4;
	_ =	strace $0x8000004D;
	s7 =	ssub.s32 $0x2, s3  }
0x8: {  	s3 =	sadd.s32 $0x83400, s5;
	s6 =	sshll.u32 s4, $0xD;
	s31 =	smul.u32 $0x2002, s4  }
0x9: {  	s4 =	sadd.s32 $0x85600, s5;
	s9 =	sshrl.u32 s7, $0x1;
	s8 =	sadd.s32 s6, s5  }
0xa: {  	s11 =	ssub.s32 s7, s9;
	s10 =	sadd.s32 s31, s5;
	s5 =	sadd.s32 $0x43400, s8  }
0xb: {  	v0 =	vlaneseq.u32;
	s6 =	sadd.s32 $0x43C00, s8;
	s7 =	sadd.s32 $0x44400, s8;
	s8 =	sadd.s32 $0x44C00, s8  }
0xc: {  	v2 =	vimm.s32 $0x1;
	v1 =	vor.u32 $0x10000, v0;
	s9 =	sadd.s32 $0x85E00, s10;
	s10 =	smax.u32 s11, $0x1;
	s11 =	simm.s32 $0x8000  }
.LBB2_1:
0xd: {  	[tilespmem:s11], [sflag:$0x3] =	stream.linear.gather [hbm4b:s3+s2], $0x10080, $0x38;
	[tilespmem:$0x18100] =	vst v63  }
0xe: {  	_ =	swait.ge [sflag:s12], $0x10080  }
0xf: {  	[sflag:s12] =	ssyncset.done $0x0  }
0x10: {  	[sflag:s12] =	ssyncadd.s32 $0xFFFEFF80  }
0x11: {  	[tilespmem:s13], [sflag:$0x3] =	stream.linear.gather [hbm4b:s4+s2], $0x80, $0x38;
	[tilespmem:$0x18100] =	vst v63  }
0x12: {  	_ =	swait.ge [sflag:s12], $0x80  }
0x13: {  	[sflag:s12] =	ssyncset.done $0x0  }
0x14: {  	[sflag:s12] =	ssyncadd.s32 $0xFFFFFF80  }
0x15: {  	v3 =	vld [tilespmem:$0x18080];
	[tilespmem:s2], [sflag:$0x1] =	stream.linear.gather [hbm4b:s5+s2], $0x4000, $0x38  }
0x16: {  	_ = 	snop  }
0x17: {  	[tilespmem:s14], [sflag:$0x2] =	stream.linear.gather [hbm4b:s6+s2], $0x4000, $0x38;
	[tilespmem:$0x18100] =	vst v63  }
0x18: {  	_ =	swait.ge [sflag:s15], $0x4000  }
0x19: {  	[sflag:s15] =	ssyncset.done $0x0  }
0x1a: {  	s19 =	simm.s32 $0x0;
	s18 =	simm.s32 $0x40;
	[sflag:s15] =	ssyncadd.s32 $0xFFFFC000  }
.LBB2_2:
0x1b: {  	p0 =	sne.s32 s18, $0xFFC0;
	v4 =	vld [tilespmem:s19+$0x0];
	_ =	sdelay $0x4  }
0x1c: {  	v5 =	vshll.u32 v4, $0x4  }
0x1d: {  	v4 =	vshrl.u32 v4, $0x8;
	v5 =	vand.u32 $0xFF0, v5  }
0x1e: {  	vm0 =	veq.s32 v4, v3;
	v4 =	vor.u32 v0, v5  }
0x1f: {  	v4 =	vsel vm0, v4, v1  }
.Ltmp0:
0x20: {  	(pc) =	sbr.rel @p0 .LBB2_2-.Ltmp0, $2  }
0x21: {  	_ =	sdelay $0x2  }
0x22: {  	s19 =	sshra.s32 s18, $0x2;
	s18 =	sadd.s32 $0x40, s18;
	[tilespmem:v4+s11+$0x0] =	vst.idx.add.s32.msk $0xffff, v2  }
0x23: {  	v4 =	vld [tilespmem:s19+$0x0];
	_ =	sdelay $0x4  }
0x24: {  	v5 =	vshll.u32 v4, $0x4  }
0x25: {  	v4 =	vshrl.u32 v4, $0x8;
	v5 =	vand.u32 $0xFF0, v5  }
0x26: {  	vm0 =	veq.s32 v4, v3;
	v4 =	vor.u32 v0, v5  }
0x27: {  	v4 =	vsel vm0, v4, v1;
	_ =	sdelay $0x4  }
0x28: {  	s18 =	simm.s32 $0x0;
	[tilespmem:v4+s11+$0x0] =	vst.idx.add.s32.msk $0xffff, v2  }
0x29: {  	[tilespmem:s18], [sflag:$0x1] =	stream.linear.gather [hbm4b:s7+s18], $0x4000, $0x38;
	[tilespmem:$0x18100] =	vst v63  }
0x2a: {  	_ =	swait.ge [sflag:s16], $0x4000  }
0x2b: {  	[sflag:s16] =	ssyncset.done $0x0  }
0x2c: {  	s19 =	sand.u32 $0x3FF0, s18;
	s18 =	simm.s32 $0x10;
	[sflag:s16] =	ssyncadd.s32 $0xFFFFC000  }
.LBB2_4:
0x2d: {  	p0 =	sne.s32 s18, $0x3FF0;
	v4 =	vld [tilespmem:s19+$0x4000];
	_ =	sdelay $0x4  }
0x2e: {  	v5 =	vshll.u32 v4, $0x4  }
0x2f: {  	v4 =	vshrl.u32 v4, $0x8;
	v5 =	vand.u32 $0xFF0, v5  }
0x30: {  	vm0 =	veq.s32 v4, v3;
	v4 =	vor.u32 v0, v5  }
0x31: {  	v4 =	vsel vm0, v4, v1  }
.Ltmp1:
0x32: {  	(pc) =	sbr.rel @p0 .LBB2_4-.Ltmp1, $2  }
0x33: {  	_ =	sdelay $0x2  }
0x34: {  	s19 =	sand.u32 $0x3FF0, s18;
	s18 =	sadd.s32 $0x10, s18;
	[tilespmem:v4+s11+$0x0] =	vst.idx.add.s32.msk $0xffff, v2  }
0x35: {  	v4 =	vld [tilespmem:s19+$0x4000];
	_ =	sdelay $0x4  }
0x36: {  	v5 =	vshll.u32 v4, $0x4  }
0x37: {  	v4 =	vshrl.u32 v4, $0x8;
	v5 =	vand.u32 $0xFF0, v5  }
0x38: {  	vm0 =	veq.s32 v4, v3;
	v4 =	vor.u32 v0, v5  }
0x39: {  	v4 =	vsel vm0, v4, v1;
	_ =	sdelay $0x4  }
0x3a: {  	s18 =	simm.s32 $0x0;
	[tilespmem:v4+s11+$0x0] =	vst.idx.add.s32.msk $0xffff, v2  }
0x3b: {  	[tilespmem:s14], [sflag:$0x2] =	stream.linear.gather [hbm4b:s8+s18], $0x4000, $0x38;
	[tilespmem:$0x18100] =	vst v63  }
0x3c: {  	_ =	swait.ge [sflag:s15], $0x4000  }
0x3d: {  	[sflag:s15] =	ssyncset.done $0x0  }
0x3e: {  	s19 =	simm.s32 $0x0;
	s18 =	simm.s32 $0x40;
	[sflag:s15] =	ssyncadd.s32 $0xFFFFC000  }
.LBB2_6:
0x3f: {  	p0 =	sne.s32 s18, $0xFFC0;
	v4 =	vld [tilespmem:s19+$0x0];
	_ =	sdelay $0x4  }
0x40: {  	v5 =	vshll.u32 v4, $0x4  }
0x41: {  	v4 =	vshrl.u32 v4, $0x8;
	v5 =	vand.u32 $0xFF0, v5  }
0x42: {  	vm0 =	veq.s32 v4, v3;
	v4 =	vor.u32 v0, v5  }
0x43: {  	v4 =	vsel vm0, v4, v1  }
.Ltmp2:
0x44: {  	(pc) =	sbr.rel @p0 .LBB2_6-.Ltmp2, $2  }
0x45: {  	_ =	sdelay $0x2  }
0x46: {  	s19 =	sshra.s32 s18, $0x2;
	s18 =	sadd.s32 $0x40, s18;
	[tilespmem:v4+s11+$0x0] =	vst.idx.add.s32.msk $0xffff, v2  }
0x47: {  	v4 =	vld [tilespmem:s19+$0x0];
	_ =	sdelay $0x4  }
0x48: {  	v5 =	vshll.u32 v4, $0x4  }
0x49: {  	v4 =	vshrl.u32 v4, $0x8;
	v5 =	vand.u32 $0xFF0, v5  }
0x4a: {  	vm0 =	veq.s32 v4, v3;
	v4 =	vor.u32 v0, v5  }
0x4b: {  	v4 =	vsel vm0, v4, v1;
	_ =	sdelay $0x4  }
0x4c: {  	[tilespmem:v4+s11+$0x0] =	vst.idx.add.s32.msk $0xffff, v2  }
0x4d: {  	_ =	swait.ge [sflag:s16], $0x4000  }
0x4e: {  	s18 =	simm.s32 $0x0;
	[sflag:s16] =	ssyncset.done $0x0  }
0x4f: {  	s19 =	sand.u32 $0x3FF0, s18;
	s18 =	simm.s32 $0x10;
	[sflag:s16] =	ssyncadd.s32 $0xFFFFC000  }
.LBB2_8:
0x50: {  	p0 =	sne.s32 s18, $0x3FF0;
	v4 =	vld [tilespmem:s19+$0x4000];
	_ =	sdelay $0x4  }
0x51: {  	v5 =	vshll.u32 v4, $0x4  }
0x52: {  	v4 =	vshrl.u32 v4, $0x8;
	v5 =	vand.u32 $0xFF0, v5  }
0x53: {  	vm0 =	veq.s32 v4, v3;
	v4 =	vor.u32 v0, v5  }
0x54: {  	v4 =	vsel vm0, v4, v1  }
.Ltmp3:
0x55: {  	(pc) =	sbr.rel @p0 .LBB2_8-.Ltmp3, $2  }
0x56: {  	_ =	sdelay $0x2  }
0x57: {  	s19 =	sand.u32 $0x3FF0, s18;
	s18 =	sadd.s32 $0x10, s18;
	[tilespmem:v4+s11+$0x0] =	vst.idx.add.s32.msk $0xffff, v2  }
0x58: {  	v4 =	vld [tilespmem:s19+$0x4000];
	_ =	sdelay $0x4  }
0x59: {  	v5 =	vshll.u32 v4, $0x4  }
0x5a: {  	v4 =	vshrl.u32 v4, $0x8;
	v5 =	vand.u32 $0xFF0, v5  }
0x5b: {  	vm0 =	veq.s32 v4, v3;
	v3 =	vor.u32 v0, v5  }
0x5c: {  	v3 =	vsel vm0, v3, v1;
	_ =	sdelay $0x2  }
0x5d: {  	s17 =	sadd.s32 $0x1, s17  }
0x5e: {  	p0 =	sne.s32 s17, s10  }
.Ltmp4:
0x5f: {  	[tilespmem:v3+s11+$0x0] =	vst.idx.add.s32.msk $0xffff, v2;
	(pc) =	sbr.rel @p0 .LBB2_1-.Ltmp4, $4  }
0x60: {  	[hbm4b:s9+s2] =	stream.linear.scatter [tilespmem:s11], [sflag:$0x3], $0x10010, $0x38;
	[tilespmem:$0x18100] =	vst v63  }
0x61: {  	_ =	swait.ge [sflag:s12], $0x10010  }
0x62: {  	[sflag:s12] =	ssyncset.done $0x0  }
0x63: {  	[sflag:s12] =	ssyncadd.s32 $0xFFFEFFF0  }
0x64: {  	_ =	sfence.sel $0x180000  }
0x65: {  	[bflag:$0x0] =	sbarrier.arrive $0xFFFF  }
0x66: {  	p0 =	sne.s32 s1, $0x0;
	_ =	strace $0x9000004D  }
0x67: {  	s0 =	sadd.s32 @!p0 $0x100000, s0;
	[bflag:$0x2] =	sbarrier.arrive $0xFFFF  }
0x68: {  	[sflag:s0] =	ssyncadd.tile.s32 @!p0 $0x1;
	_ =	shalt  }
.Lfunc_end2:
_tile_overlayer_lowered:
.L_overlay_start_2:
0x69: {  	(tag) =	ssettag $0x2  }
0x6a: {  	s0 =	rddreg [dreg:$0x0];
	s2 =	stileid.u32  }
0x6b: {  	s1 =	rddreg [dreg:$0x1];
	p0 =	sne.s32 s2, $0x0  }
0x6c: {  	s3 =	rddreg [dreg:$0x2];
	[bflag:$0x3] =	sbarrier.arrive $0xFFFF;
	s2 =	simm.s32 @!p0 $0x1C03  }
0x6d: {  	[timem:s3], [sflag:s2] =	dma.local @!p0 [hbm:s0], s1  }
0x6e: {  	s0 =	simm.s32 @!p0 $0x3  }
0x6f: {  	_ =	swait.ge @!p0 [sflag:s0], s1  }
0x70: {  	s1 =	ssub.s32 @!p0 $0x0, s1;
	[sflag:s0] =	ssyncset.done @!p0 $0x0  }
0x71: {  	[sflag:s0] =	ssyncadd.s32 @!p0 s1  }
0x72: {  	[bflag:$0x3] =	sbarrier.arrive $0xFFFF  }
0x73: {  	_ =	shalt  }

</sc_bundles>
